<compile_context>
chip_gen: v7x
topology: tpu7x:2x2x1
jax: 0.10.2.dev20260603
libtpu: 0.0.44.dev20260713+nightly
codegen_flags: <defaults>
</compile_context>

<pallas_src>
import functools

import jax
import jax.numpy as jnp
from jax import lax
from jax.experimental import pallas as pl
from jax.experimental.pallas import tpu as pltpu
from jax.experimental.pallas import tpu_sc as plsc

BM = 512
CW = 128
BM2 = 1024
G = 192

_BIG = 3.0e38
_MASKVAL = 1e10
_MAXI = 2**30


def _knn_body(bss_ref, bcs_ref, psx, psy, psz, bs_row,
              px, py, pz, b_col,
              i0o, i1o, i2o, w0o, w1o, w2o):
    i = pl.program_id(0)
    n = px.shape[0] - CW
    bs_lo = bss_ref[i * BM]
    bs_hi = bss_ref[i * BM + BM - 1]

    ax = psx[...]
    ay = psy[...]
    az = psz[...]
    bsv = bs_row[...]

    def bisect(pred):
        def step(_, ab):
            a, b = ab
            mid = (a + b) // 2
            go_right = pred(bcs_ref[mid])
            return (jnp.where(go_right, mid + 1, a),
                    jnp.where(go_right, b, mid))
        return lax.fori_loop(0, 12, step, (jnp.int32(0), jnp.int32(n)))[0]

    lo = bisect(lambda v: v < bs_lo)
    hi = bisect(lambda v: v <= bs_hi)
    lo8 = (lo // 8) * 8
    nwin = (hi - lo8 + CW - 1) // CW

    init = (jnp.full((1, BM), _BIG, jnp.float32),
            jnp.full((1, BM), _BIG, jnp.float32),
            jnp.full((1, BM), _BIG, jnp.float32),
            jnp.full((1, BM), -1, jnp.int32), jnp.full((1, BM), -2, jnp.int32),
            jnp.full((1, BM), -3, jnp.int32))

    def chunk_step(c, carry):
        v1, v2, v3, x1, x2, x3 = carry
        off = lo8 + c * CW
        sl = pl.ds(off, CW)
        dx = px[sl, 0:1] - ax
        dy = py[sl, 0:1] - ay
        dz = pz[sl, 0:1] - az
        d = dx * dx + dy * dy
        d = d + dz * dz
        d = jnp.where(b_col[sl, 0:1] != bsv, _MASKVAL, d)
        row = lax.broadcasted_iota(jnp.int32, (CW, BM), 0)
        cv, ci = [], []
        for k in range(3):
            m = jnp.min(d, axis=0, keepdims=True)
            li = jnp.min(jnp.where(d == m, row, _MAXI), axis=0,
                         keepdims=True)
            cv.append(m)
            ci.append(li + off)
            if k < 2:
                d = jnp.where(row == li, _BIG, d)
        vs = [v1, v2, v3] + cv
        xs = [x1, x2, x3] + ci
        out_v, out_i = [], []
        for _ in range(3):
            m = functools.reduce(jnp.minimum, vs)
            mi = functools.reduce(
                jnp.minimum,
                [jnp.where(v == m, xx, _MAXI) for v, xx in zip(vs, xs)])
            out_v.append(m)
            out_i.append(mi)
            vs = [jnp.where(xx == mi, _BIG, v) for v, xx in zip(vs, xs)]
        return tuple(out_v) + tuple(out_i)

    v1, v2, v3, x1, x2, x3 = lax.fori_loop(0, nwin, chunk_step, init)
    degen = v1 >= jnp.float32(_MASKVAL)
    v1 = jnp.where(degen, _MASKVAL, v1)
    v2 = jnp.where(degen, _MASKVAL, v2)
    v3 = jnp.where(degen, _MASKVAL, v3)
    x1 = jnp.where(degen, 0, x1)
    x2 = jnp.where(degen, 1, x2)
    x3 = jnp.where(degen, 2, x3)
    x1 = jnp.minimum(x1, n - 1)
    x2 = jnp.minimum(x2, n - 1)
    x3 = jnp.minimum(x3, n - 1)
    i0o[...] = x1
    i1o[...] = x2
    i2o[...] = x3
    w0o[...] = 1.0 / jnp.clip(v1, 1e-16, None)
    w1o[...] = 1.0 / jnp.clip(v2, 1e-16, None)
    w2o[...] = 1.0 / jnp.clip(v3, 1e-16, None)


def _knn_topk(pos, batch, pos_skip, batch_skip):
    n = pos.shape[0]
    m = pos_skip.shape[0]
    grid = (m // BM,)
    padf = jnp.zeros((CW,), jnp.float32)
    padb = jnp.full((CW,), -1, jnp.int32)
    colp = lambda a, j: jnp.concatenate([a[:, j], padf]).reshape(-1, 1)
    row = lambda a, j: a[:, j].reshape(1, -1)
    smem = pl.BlockSpec(memory_space=pltpu.SMEM)
    rowspec = pl.BlockSpec((1, BM), lambda i: (0, i))
    colspec = pl.BlockSpec((n + CW, 1), lambda i: (0, 0))
    outspec = pl.BlockSpec((1, BM), lambda i: (0, i))
    out_sd = [jax.ShapeDtypeStruct((1, m), jnp.int32)] * 3 + \
             [jax.ShapeDtypeStruct((1, m), jnp.float32)] * 3
    return pl.pallas_call(
        _knn_body,
        grid=grid,
        in_specs=[smem, smem, rowspec, rowspec, rowspec, rowspec,
                  colspec, colspec, colspec, colspec],
        out_specs=[outspec] * 6,
        out_shape=out_sd,
    )(batch_skip, batch,
      row(pos_skip, 0), row(pos_skip, 1), row(pos_skip, 2),
      batch_skip.reshape(1, -1),
      colp(pos, 0), colp(pos, 1), colp(pos, 2),
      jnp.concatenate([batch, padb]).reshape(-1, 1))


def _gather_sc(x, idx_flat):
    total = idx_flat.shape[0]
    d = x.shape[1]
    nw = 32
    rows_per_tile = total // nw
    n_groups = rows_per_tile // G
    mesh = plsc.VectorSubcoreMesh(core_axis_name="c", subcore_axis_name="s")

    @functools.partial(
        pl.kernel,
        out_type=jax.ShapeDtypeStruct((total, d), jnp.float32),
        mesh=mesh,
        scratch_types=[
            pltpu.VMEM((rows_per_tile,), jnp.int32),
            pltpu.VMEM((G, d), jnp.float32),
            pltpu.VMEM((G, d), jnp.float32),
            pltpu.SemaphoreType.DMA,
            pltpu.SemaphoreType.DMA,
            pltpu.SemaphoreType.DMA,
            pltpu.SemaphoreType.DMA,
        ],
    )
    def gather_kernel(x_hbm, idx_hbm, out_hbm, idx_v, r0, r1,
                      gs0, gs1, os0, os1):
        wid = lax.axis_index("s") * 2 + lax.axis_index("c")
        base = wid * rows_per_tile
        pltpu.sync_copy(idx_hbm.at[pl.ds(base, rows_per_tile)], idx_v)
        rows = [r0, r1]
        gsem = [gs0, gs1]
        osem = [os0, os1]
        gcopy = [None, None]
        ocopy = [None, None]
        for g in range(n_groups):
            b = g % 2
            if g >= 2:
                ocopy[b].wait()
            gcopy[b] = pltpu.async_copy(
                x_hbm.at[idx_v.at[pl.ds(g * G, G)]], rows[b], gsem[b])
            if g >= 1:
                bp = (g - 1) % 2
                gcopy[bp].wait()
                ocopy[bp] = pltpu.async_copy(
                    rows[bp], out_hbm.at[pl.ds(base + (g - 1) * G, G)],
                    osem[bp])
        last = (n_groups - 1) % 2
        gcopy[last].wait()
        pltpu.async_copy(
            rows[last], out_hbm.at[pl.ds(base + (n_groups - 1) * G, G)],
            osem[last]).wait()
        ocopy[(n_groups - 2) % 2].wait()

    return gather_kernel(x, idx_flat)


def _mlp_body(g0, g1, g2, w0r, w1r, w2r, xs, W1a, W1b, b1r, W2r, b2r, out):
    w0 = w0r[...]
    w1 = w1r[...]
    w2 = w2r[...]
    num = w0 * g0[0] + w1 * g1[0]
    num = num + w2 * g2[0]
    den = w0 + w1
    den = den + w2
    h = num / den
    dot = functools.partial(jnp.dot, precision=lax.Precision.DEFAULT,
                            preferred_element_type=jnp.float32)
    a = dot(h, W1a[...]) + dot(xs[...], W1b[...]) + b1r[...]
    a = jnp.maximum(a, 0.0)
    out[...] = dot(a, W2r[...]) + b2r[...]


def _mlp(g3, w0, w1, w2, x_skip, W1, b1, W2, b2):
    m = x_skip.shape[0]
    d_in = g3.shape[2]
    d_skip = x_skip.shape[1]
    d_hid = W1.shape[1]
    d_out = W2.shape[1]
    grid = (m // BM2,)
    gspec = lambda j: pl.BlockSpec((1, BM2, d_in), lambda i, j=j: (j, i, 0))
    colspec = pl.BlockSpec((BM2, 1), lambda i: (i, 0))
    full = lambda r, c: pl.BlockSpec((r, c), lambda i: (0, 0))
    return pl.pallas_call(
        _mlp_body,
        grid=grid,
        in_specs=[gspec(0), gspec(1), gspec(2), colspec, colspec, colspec,
                  pl.BlockSpec((BM2, d_skip), lambda i: (i, 0)),
                  full(d_in, d_hid), full(d_skip, d_hid), full(1, d_hid),
                  full(d_hid, d_out), full(1, d_out)],
        out_specs=pl.BlockSpec((BM2, d_out), lambda i: (i, 0)),
        out_shape=jax.ShapeDtypeStruct((m, d_out), jnp.float32),
    )(g3, g3, g3, w0, w1, w2, x_skip,
      W1[:d_in], W1[d_in:], b1.reshape(1, -1), W2, b2.reshape(1, -1))


def kernel(x, pos, batch, x_skip, pos_skip, batch_skip, W1, b1, W2, b2):
    batch = batch.astype(jnp.int32)
    batch_skip = batch_skip.astype(jnp.int32)
    m = pos_skip.shape[0]
    i0, i1, i2, w0, w1, w2 = _knn_topk(pos, batch, pos_skip, batch_skip)
    idx_flat = jnp.concatenate([i0, i1, i2], axis=0).reshape(-1)
    g = _gather_sc(x, idx_flat)
    g3 = g.reshape(3, m, x.shape[1])
    return _mlp(g3, w0.reshape(m, 1), w1.reshape(m, 1), w2.reshape(m, 1),
                x_skip, W1, b1, W2, b2)

# --- scband reference (transcript-rebuilt; emitter-appended) ---
"""Pipeline reference for scband-fpmodule-16870631538822 (READ-ONLY COPY).

The authoritative reference and input builder live on the scoring server;
editing this copy changes nothing except your own understanding.
"""

import jax, jax.numpy as jnp
import numpy as np

N, M, B = 4096, 16384, 8
D_IN, D_SKIP, D_HID, D_OUT = 256, 128, 512, 512


def setup_inputs(seed: int = 0) -> dict:
    key = jax.random.key(seed)
    ks = jax.random.split(key, 10)
    x = jax.random.normal(ks[0], (N, D_IN), dtype=jnp.float32)
    pos = jax.random.uniform(ks[1], (N, 3), dtype=jnp.float32)
    batch = jnp.sort(jax.random.randint(ks[2], (N,), 0, B, dtype=jnp.int64))
    x_skip = jax.random.normal(ks[3], (M, D_SKIP), dtype=jnp.float32)
    pos_skip = jax.random.uniform(ks[4], (M, 3), dtype=jnp.float32)
    batch_skip = jnp.sort(jax.random.randint(ks[5], (M,), 0, B, dtype=jnp.int64))
    W1 = jax.random.normal(ks[6], (D_IN + D_SKIP, D_HID), dtype=jnp.float32) * (1.0 / np.sqrt(D_IN + D_SKIP))
    b1 = jnp.zeros((D_HID,), dtype=jnp.float32)
    W2 = jax.random.normal(ks[7], (D_HID, D_OUT), dtype=jnp.float32) * (1.0 / np.sqrt(D_HID))
    b2 = jnp.zeros((D_OUT,), dtype=jnp.float32)
    return {"x": x, "pos": pos, "batch": batch, "x_skip": x_skip, "pos_skip": pos_skip, "batch_skip": batch_skip, "W1": W1, "b1": b1, "W2": W2, "b2": b2}


def _knn_interpolate(x, pos_x, pos_y, batch_x, batch_y, k=3):
    # pairwise squared distances [M, N], masked across batch boundaries
    diff = pos_y[:, None, :] - pos_x[None, :, :]
    sqd = jnp.sum(diff * diff, axis=-1)
    mask = batch_y[:, None] != batch_x[None, :]
    sqd = jnp.where(mask, jnp.float32(1e10), sqd)
    neg_d, idx = jax.lax.top_k(-sqd, k)
    # torch_geometric computes weights under no_grad
    sq = jax.lax.stop_gradient(-neg_d)
    idx = jax.lax.stop_gradient(idx)
    w = 1.0 / jnp.clip(sq, 1e-16, None)  # [M, k]
    gathered = jnp.take(x, idx, axis=0)  # [M, k, d]
    num = jnp.sum(gathered * w[..., None], axis=1)
    den = jnp.sum(w, axis=1, keepdims=True)
    return num / den


def reference(x, pos, batch, x_skip, pos_skip, batch_skip, W1, b1, W2, b2):
    h = _knn_interpolate(x, pos, pos_skip, batch, batch_skip, k=3)
    h = jnp.concatenate([h, x_skip], axis=1)
    h = jnp.maximum(h @ W1 + b1, 0.0)
    out = h @ W2 + b2
    return out

if __name__ == "__main__":
    import jax
    _d = setup_inputs()
    print(jax.jit(kernel)(*tuple(_d.values())))

</pallas_src>

<mosaic_0001>
#map = affine_map<(d0, d1) -> (0, 0)>
#map1 = affine_map<(d0, d1) -> (0)>
module attributes {stable_mosaic.version = 14 : i64} {
  func.func @gather_kernel(%arg0: i32, %arg1: i32, %arg2: memref<4096x256xf32, #tpu.memory_space<hbm>>, %arg3: memref<49152xi32, #tpu.memory_space<hbm>>, %arg4: memref<49152x256xf32, #tpu.memory_space<hbm>>, %arg5: memref<1536xi32, #tpu.memory_space<vmem>>, %arg6: memref<192x256xf32, #tpu.memory_space<vmem>>, %arg7: memref<192x256xf32, #tpu.memory_space<vmem>>, %arg8: memref<!tpu.dma_semaphore, #tpu.memory_space<semaphore_mem>>, %arg9: memref<!tpu.dma_semaphore, #tpu.memory_space<semaphore_mem>>, %arg10: memref<!tpu.dma_semaphore, #tpu.memory_space<semaphore_mem>>, %arg11: memref<!tpu.dma_semaphore, #tpu.memory_space<semaphore_mem>>) attributes {dimension_semantics = [#tpu.dimension_semantics<core_parallel>, #tpu.dimension_semantics<subcore_parallel>], iteration_bounds = array<i64: 2, 16>, scalar_prefetch = 0 : i64, scratch_operands = 7 : i64, tpu.core_type = #tpu.core_type<sc_vector_subcore>, window_params = [{transform_indices = #map}, {transform_indices = #map1}, {transform_indices = #map}]} {
    %mul3A = arith.constant 2 : i32
    %mul3A_0 = arith.muli %arg1, %mul3A : i32
    %add3A = arith.addi %mul3A_0, %arg0 : i32
    %mul3A_1 = arith.constant 1536 : i32
    %mul3A_2 = arith.muli %add3A, %mul3A_1 : i32
    "tpu.region"() ({
      %run_scoped3A = tpu.sem_alloc : memref<!tpu.dma_semaphore, #tpu.memory_space<semaphore_mem>>
      %dma_start3A_161 = tpu.memref_slice %arg3[%mul3A_2] : memref<49152xi32, #tpu.memory_space<hbm>> -> memref<1536xi32, #tpu.memory_space<hbm>>
      %dma_start3A_162 = tpu.memref_slice %arg3[%mul3A_2] : memref<49152xi32, #tpu.memory_space<hbm>> -> memref<1536xi32, #tpu.memory_space<hbm>>
      tpu.enqueue_dma source(%dma_start3A_162 : memref<1536xi32, #tpu.memory_space<hbm>>) target(%arg5 : memref<1536xi32, #tpu.memory_space<vmem>>) target_semaphore(%run_scoped3A : memref<!tpu.dma_semaphore, #tpu.memory_space<semaphore_mem>>)
      %dma_wait3A_163 = tpu.memref_slice %arg3[%mul3A_2] : memref<49152xi32, #tpu.memory_space<hbm>> -> memref<1536xi32, #tpu.memory_space<hbm>>
      %dma_wait3A_164 = tpu.memref_slice %arg3[%mul3A_2] : memref<49152xi32, #tpu.memory_space<hbm>> -> memref<1536xi32, #tpu.memory_space<hbm>>
      tpu.wait_dma2 semaphore(%run_scoped3A : memref<!tpu.dma_semaphore, #tpu.memory_space<semaphore_mem>>) src(%dma_wait3A_164 : memref<1536xi32, #tpu.memory_space<hbm>>) dst(%arg5 : memref<1536xi32, #tpu.memory_space<vmem>>)
      tpu.yield
    }) : () -> ()
    %dma_start3A = arith.constant 0 : i32
    %dma_start3A_3 = tpu.memref_slice %arg5[%dma_start3A] : memref<1536xi32, #tpu.memory_space<vmem>> -> memref<192xi32, #tpu.memory_space<vmem>>
    %dma_start3A_4 = arith.constant 0 : i32
    %dma_start3A_5 = arith.constant 0 : i32
    %dma_start3A_6 = tpu.memref_slice %arg2[%dma_start3A_4, %dma_start3A_5] : memref<4096x256xf32, #tpu.memory_space<hbm>> -> memref<4096x256xf32, #tpu.memory_space<hbm>>
    tpu.enqueue_indirect_dma source(%dma_start3A_6 : memref<4096x256xf32, #tpu.memory_space<hbm>>) target(%arg6 : memref<192x256xf32, #tpu.memory_space<vmem>>) offsets(%dma_start3A_3 : memref<192xi32, #tpu.memory_space<vmem>>) semaphore(%arg8 : memref<!tpu.dma_semaphore, #tpu.memory_space<semaphore_mem>>)
    %dma_start3A_7 = arith.constant 192 : i32
    %dma_start3A_8 = tpu.memref_slice %arg5[%dma_start3A_7] : memref<1536xi32, #tpu.memory_space<vmem>> -> memref<192xi32, #tpu.memory_space<vmem>>
    %dma_start3A_9 = arith.constant 0 : i32
    %dma_start3A_10 = arith.constant 0 : i32
    %dma_start3A_11 = tpu.memref_slice %arg2[%dma_start3A_9, %dma_start3A_10] : memref<4096x256xf32, #tpu.memory_space<hbm>> -> memref<4096x256xf32, #tpu.memory_space<hbm>>
    tpu.enqueue_indirect_dma source(%dma_start3A_11 : memref<4096x256xf32, #tpu.memory_space<hbm>>) target(%arg7 : memref<192x256xf32, #tpu.memory_space<vmem>>) offsets(%dma_start3A_8 : memref<192xi32, #tpu.memory_space<vmem>>) semaphore(%arg9 : memref<!tpu.dma_semaphore, #tpu.memory_space<semaphore_mem>>)
    %dma_wait3A = arith.constant 0 : i32
    %dma_wait3A_12 = tpu.memref_slice %arg5[%dma_wait3A] : memref<1536xi32, #tpu.memory_space<vmem>> -> memref<192xi32, #tpu.memory_space<vmem>>
    %dma_wait3A_13 = arith.constant 0 : i32
    %dma_wait3A_14 = arith.constant 0 : i32
    %dma_wait3A_15 = tpu.memref_slice %arg2[%dma_wait3A_13, %dma_wait3A_14] : memref<4096x256xf32, #tpu.memory_space<hbm>> -> memref<4096x256xf32, #tpu.memory_space<hbm>>
    tpu.wait_indirect_dma semaphore(%arg8 : memref<!tpu.dma_semaphore, #tpu.memory_space<semaphore_mem>>) src(%dma_wait3A_15 : memref<4096x256xf32, #tpu.memory_space<hbm>>) dst(%arg6 : memref<192x256xf32, #tpu.memory_space<vmem>>)
    %add3A_16 = arith.constant 0 : i32
    %add3A_17 = arith.addi %mul3A_2, %add3A_16 : i32
    %dma_start3A_18 = arith.constant 0 : i32
    %dma_start3A_19 = tpu.memref_slice %arg4[%add3A_17, %dma_start3A_18] : memref<49152x256xf32, #tpu.memory_space<hbm>> -> memref<192x256xf32, #tpu.memory_space<hbm>>
    %dma_start3A_20 = arith.constant 0 : i32
    %dma_start3A_21 = tpu.memref_slice %arg4[%add3A_17, %dma_start3A_20] : memref<49152x256xf32, #tpu.memory_space<hbm>> -> memref<192x256xf32, #tpu.memory_space<hbm>>
    tpu.enqueue_dma source(%arg6 : memref<192x256xf32, #tpu.memory_space<vmem>>) target(%dma_start3A_21 : memref<192x256xf32, #tpu.memory_space<hbm>>) target_semaphore(%arg10 : memref<!tpu.dma_semaphore, #tpu.memory_space<semaphore_mem>>)
    %dma_wait3A_22 = arith.constant 0 : i32
    %dma_wait3A_23 = tpu.memref_slice %arg4[%add3A_17, %dma_wait3A_22] : memref<49152x256xf32, #tpu.memory_space<hbm>> -> memref<192x256xf32, #tpu.memory_space<hbm>>
    %dma_wait3A_24 = arith.constant 0 : i32
    %dma_wait3A_25 = tpu.memref_slice %arg4[%add3A_17, %dma_wait3A_24] : memref<49152x256xf32, #tpu.memory_space<hbm>> -> memref<192x256xf32, #tpu.memory_space<hbm>>
    tpu.wait_dma2 semaphore(%arg10 : memref<!tpu.dma_semaphore, #tpu.memory_space<semaphore_mem>>) src(%arg6 : memref<192x256xf32, #tpu.memory_space<vmem>>) dst(%dma_wait3A_25 : memref<192x256xf32, #tpu.memory_space<hbm>>)
    %dma_start3A_26 = arith.constant 384 : i32
    %dma_start3A_27 = tpu.memref_slice %arg5[%dma_start3A_26] : memref<1536xi32, #tpu.memory_space<vmem>> -> memref<192xi32, #tpu.memory_space<vmem>>
    %dma_start3A_28 = arith.constant 0 : i32
    %dma_start3A_29 = arith.constant 0 : i32
    %dma_start3A_30 = tpu.memref_slice %arg2[%dma_start3A_28, %dma_start3A_29] : memref<4096x256xf32, #tpu.memory_space<hbm>> -> memref<4096x256xf32, #tpu.memory_space<hbm>>
    tpu.enqueue_indirect_dma source(%dma_start3A_30 : memref<4096x256xf32, #tpu.memory_space<hbm>>) target(%arg6 : memref<192x256xf32, #tpu.memory_space<vmem>>) offsets(%dma_start3A_27 : memref<192xi32, #tpu.memory_space<vmem>>) semaphore(%arg8 : memref<!tpu.dma_semaphore, #tpu.memory_space<semaphore_mem>>)
    %dma_wait3A_31 = arith.constant 192 : i32
    %dma_wait3A_32 = tpu.memref_slice %arg5[%dma_wait3A_31] : memref<1536xi32, #tpu.memory_space<vmem>> -> memref<192xi32, #tpu.memory_space<vmem>>
    %dma_wait3A_33 = arith.constant 0 : i32
    %dma_wait3A_34 = arith.constant 0 : i32
    %dma_wait3A_35 = tpu.memref_slice %arg2[%dma_wait3A_33, %dma_wait3A_34] : memref<4096x256xf32, #tpu.memory_space<hbm>> -> memref<4096x256xf32, #tpu.memory_space<hbm>>
    tpu.wait_indirect_dma semaphore(%arg9 : memref<!tpu.dma_semaphore, #tpu.memory_space<semaphore_mem>>) src(%dma_wait3A_35 : memref<4096x256xf32, #tpu.memory_space<hbm>>) dst(%arg7 : memref<192x256xf32, #tpu.memory_space<vmem>>)
    %add3A_36 = arith.constant 192 : i32
    %add3A_37 = arith.addi %mul3A_2, %add3A_36 : i32
    %dma_start3A_38 = arith.constant 0 : i32
    %dma_start3A_39 = tpu.memref_slice %arg4[%add3A_37, %dma_start3A_38] : memref<49152x256xf32, #tpu.memory_space<hbm>> -> memref<192x256xf32, #tpu.memory_space<hbm>>
    %dma_start3A_40 = arith.constant 0 : i32
    %dma_start3A_41 = tpu.memref_slice %arg4[%add3A_37, %dma_start3A_40] : memref<49152x256xf32, #tpu.memory_space<hbm>> -> memref<192x256xf32, #tpu.memory_space<hbm>>
    tpu.enqueue_dma source(%arg7 : memref<192x256xf32, #tpu.memory_space<vmem>>) target(%dma_start3A_41 : memref<192x256xf32, #tpu.memory_space<hbm>>) target_semaphore(%arg11 : memref<!tpu.dma_semaphore, #tpu.memory_space<semaphore_mem>>)
    %dma_wait3A_42 = arith.constant 0 : i32
    %dma_wait3A_43 = tpu.memref_slice %arg4[%add3A_37, %dma_wait3A_42] : memref<49152x256xf32, #tpu.memory_space<hbm>> -> memref<192x256xf32, #tpu.memory_space<hbm>>
    %dma_wait3A_44 = arith.constant 0 : i32
    %dma_wait3A_45 = tpu.memref_slice %arg4[%add3A_37, %dma_wait3A_44] : memref<49152x256xf32, #tpu.memory_space<hbm>> -> memref<192x256xf32, #tpu.memory_space<hbm>>
    tpu.wait_dma2 semaphore(%arg11 : memref<!tpu.dma_semaphore, #tpu.memory_space<semaphore_mem>>) src(%arg7 : memref<192x256xf32, #tpu.memory_space<vmem>>) dst(%dma_wait3A_45 : memref<192x256xf32, #tpu.memory_space<hbm>>)
    %dma_start3A_46 = arith.constant 576 : i32
    %dma_start3A_47 = tpu.memref_slice %arg5[%dma_start3A_46] : memref<1536xi32, #tpu.memory_space<vmem>> -> memref<192xi32, #tpu.memory_space<vmem>>
    %dma_start3A_48 = arith.constant 0 : i32
    %dma_start3A_49 = arith.constant 0 : i32
    %dma_start3A_50 = tpu.memref_slice %arg2[%dma_start3A_48, %dma_start3A_49] : memref<4096x256xf32, #tpu.memory_space<hbm>> -> memref<4096x256xf32, #tpu.memory_space<hbm>>
    tpu.enqueue_indirect_dma source(%dma_start3A_50 : memref<4096x256xf32, #tpu.memory_space<hbm>>) target(%arg7 : memref<192x256xf32, #tpu.memory_space<vmem>>) offsets(%dma_start3A_47 : memref<192xi32, #tpu.memory_space<vmem>>) semaphore(%arg9 : memref<!tpu.dma_semaphore, #tpu.memory_space<semaphore_mem>>)
    %dma_wait3A_51 = arith.constant 384 : i32
    %dma_wait3A_52 = tpu.memref_slice %arg5[%dma_wait3A_51] : memref<1536xi32, #tpu.memory_space<vmem>> -> memref<192xi32, #tpu.memory_space<vmem>>
    %dma_wait3A_53 = arith.constant 0 : i32
    %dma_wait3A_54 = arith.constant 0 : i32
    %dma_wait3A_55 = tpu.memref_slice %arg2[%dma_wait3A_53, %dma_wait3A_54] : memref<4096x256xf32, #tpu.memory_space<hbm>> -> memref<4096x256xf32, #tpu.memory_space<hbm>>
    tpu.wait_indirect_dma semaphore(%arg8 : memref<!tpu.dma_semaphore, #tpu.memory_space<semaphore_mem>>) src(%dma_wait3A_55 : memref<4096x256xf32, #tpu.memory_space<hbm>>) dst(%arg6 : memref<192x256xf32, #tpu.memory_space<vmem>>)
    %add3A_56 = arith.constant 384 : i32
    %add3A_57 = arith.addi %mul3A_2, %add3A_56 : i32
    %dma_start3A_58 = arith.constant 0 : i32
    %dma_start3A_59 = tpu.memref_slice %arg4[%add3A_57, %dma_start3A_58] : memref<49152x256xf32, #tpu.memory_space<hbm>> -> memref<192x256xf32, #tpu.memory_space<hbm>>
    %dma_start3A_60 = arith.constant 0 : i32
    %dma_start3A_61 = tpu.memref_slice %arg4[%add3A_57, %dma_start3A_60] : memref<49152x256xf32, #tpu.memory_space<hbm>> -> memref<192x256xf32, #tpu.memory_space<hbm>>
    tpu.enqueue_dma source(%arg6 : memref<192x256xf32, #tpu.memory_space<vmem>>) target(%dma_start3A_61 : memref<192x256xf32, #tpu.memory_space<hbm>>) target_semaphore(%arg10 : memref<!tpu.dma_semaphore, #tpu.memory_space<semaphore_mem>>)
    %dma_wait3A_62 = arith.constant 0 : i32
    %dma_wait3A_63 = tpu.memref_slice %arg4[%add3A_57, %dma_wait3A_62] : memref<49152x256xf32, #tpu.memory_space<hbm>> -> memref<192x256xf32, #tpu.memory_space<hbm>>
    %dma_wait3A_64 = arith.constant 0 : i32
    %dma_wait3A_65 = tpu.memref_slice %arg4[%add3A_57, %dma_wait3A_64] : memref<49152x256xf32, #tpu.memory_space<hbm>> -> memref<192x256xf32, #tpu.memory_space<hbm>>
    tpu.wait_dma2 semaphore(%arg10 : memref<!tpu.dma_semaphore, #tpu.memory_space<semaphore_mem>>) src(%arg6 : memref<192x256xf32, #tpu.memory_space<vmem>>) dst(%dma_wait3A_65 : memref<192x256xf32, #tpu.memory_space<hbm>>)
    %dma_start3A_66 = arith.constant 768 : i32
    %dma_start3A_67 = tpu.memref_slice %arg5[%dma_start3A_66] : memref<1536xi32, #tpu.memory_space<vmem>> -> memref<192xi32, #tpu.memory_space<vmem>>
    %dma_start3A_68 = arith.constant 0 : i32
    %dma_start3A_69 = arith.constant 0 : i32
    %dma_start3A_70 = tpu.memref_slice %arg2[%dma_start3A_68, %dma_start3A_69] : memref<4096x256xf32, #tpu.memory_space<hbm>> -> memref<4096x256xf32, #tpu.memory_space<hbm>>
    tpu.enqueue_indirect_dma source(%dma_start3A_70 : memref<4096x256xf32, #tpu.memory_space<hbm>>) target(%arg6 : memref<192x256xf32, #tpu.memory_space<vmem>>) offsets(%dma_start3A_67 : memref<192xi32, #tpu.memory_space<vmem>>) semaphore(%arg8 : memref<!tpu.dma_semaphore, #tpu.memory_space<semaphore_mem>>)
    %dma_wait3A_71 = arith.constant 576 : i32
    %dma_wait3A_72 = tpu.memref_slice %arg5[%dma_wait3A_71] : memref<1536xi32, #tpu.memory_space<vmem>> -> memref<192xi32, #tpu.memory_space<vmem>>
    %dma_wait3A_73 = arith.constant 0 : i32
    %dma_wait3A_74 = arith.constant 0 : i32
    %dma_wait3A_75 = tpu.memref_slice %arg2[%dma_wait3A_73, %dma_wait3A_74] : memref<4096x256xf32, #tpu.memory_space<hbm>> -> memref<4096x256xf32, #tpu.memory_space<hbm>>
    tpu.wait_indirect_dma semaphore(%arg9 : memref<!tpu.dma_semaphore, #tpu.memory_space<semaphore_mem>>) src(%dma_wait3A_75 : memref<4096x256xf32, #tpu.memory_space<hbm>>) dst(%arg7 : memref<192x256xf32, #tpu.memory_space<vmem>>)
    %add3A_76 = arith.constant 576 : i32
    %add3A_77 = arith.addi %mul3A_2, %add3A_76 : i32
    %dma_start3A_78 = arith.constant 0 : i32
    %dma_start3A_79 = tpu.memref_slice %arg4[%add3A_77, %dma_start3A_78] : memref<49152x256xf32, #tpu.memory_space<hbm>> -> memref<192x256xf32, #tpu.memory_space<hbm>>
    %dma_start3A_80 = arith.constant 0 : i32
    %dma_start3A_81 = tpu.memref_slice %arg4[%add3A_77, %dma_start3A_80] : memref<49152x256xf32, #tpu.memory_space<hbm>> -> memref<192x256xf32, #tpu.memory_space<hbm>>
    tpu.enqueue_dma source(%arg7 : memref<192x256xf32, #tpu.memory_space<vmem>>) target(%dma_start3A_81 : memref<192x256xf32, #tpu.memory_space<hbm>>) target_semaphore(%arg11 : memref<!tpu.dma_semaphore, #tpu.memory_space<semaphore_mem>>)
    %dma_wait3A_82 = arith.constant 0 : i32
    %dma_wait3A_83 = tpu.memref_slice %arg4[%add3A_77, %dma_wait3A_82] : memref<49152x256xf32, #tpu.memory_space<hbm>> -> memref<192x256xf32, #tpu.memory_space<hbm>>
    %dma_wait3A_84 = arith.constant 0 : i32
    %dma_wait3A_85 = tpu.memref_slice %arg4[%add3A_77, %dma_wait3A_84] : memref<49152x256xf32, #tpu.memory_space<hbm>> -> memref<192x256xf32, #tpu.memory_space<hbm>>
    tpu.wait_dma2 semaphore(%arg11 : memref<!tpu.dma_semaphore, #tpu.memory_space<semaphore_mem>>) src(%arg7 : memref<192x256xf32, #tpu.memory_space<vmem>>) dst(%dma_wait3A_85 : memref<192x256xf32, #tpu.memory_space<hbm>>)
    %dma_start3A_86 = arith.constant 960 : i32
    %dma_start3A_87 = tpu.memref_slice %arg5[%dma_start3A_86] : memref<1536xi32, #tpu.memory_space<vmem>> -> memref<192xi32, #tpu.memory_space<vmem>>
    %dma_start3A_88 = arith.constant 0 : i32
    %dma_start3A_89 = arith.constant 0 : i32
    %dma_start3A_90 = tpu.memref_slice %arg2[%dma_start3A_88, %dma_start3A_89] : memref<4096x256xf32, #tpu.memory_space<hbm>> -> memref<4096x256xf32, #tpu.memory_space<hbm>>
    tpu.enqueue_indirect_dma source(%dma_start3A_90 : memref<4096x256xf32, #tpu.memory_space<hbm>>) target(%arg7 : memref<192x256xf32, #tpu.memory_space<vmem>>) offsets(%dma_start3A_87 : memref<192xi32, #tpu.memory_space<vmem>>) semaphore(%arg9 : memref<!tpu.dma_semaphore, #tpu.memory_space<semaphore_mem>>)
    %dma_wait3A_91 = arith.constant 768 : i32
    %dma_wait3A_92 = tpu.memref_slice %arg5[%dma_wait3A_91] : memref<1536xi32, #tpu.memory_space<vmem>> -> memref<192xi32, #tpu.memory_space<vmem>>
    %dma_wait3A_93 = arith.constant 0 : i32
    %dma_wait3A_94 = arith.constant 0 : i32
    %dma_wait3A_95 = tpu.memref_slice %arg2[%dma_wait3A_93, %dma_wait3A_94] : memref<4096x256xf32, #tpu.memory_space<hbm>> -> memref<4096x256xf32, #tpu.memory_space<hbm>>
    tpu.wait_indirect_dma semaphore(%arg8 : memref<!tpu.dma_semaphore, #tpu.memory_space<semaphore_mem>>) src(%dma_wait3A_95 : memref<4096x256xf32, #tpu.memory_space<hbm>>) dst(%arg6 : memref<192x256xf32, #tpu.memory_space<vmem>>)
    %add3A_96 = arith.constant 768 : i32
    %add3A_97 = arith.addi %mul3A_2, %add3A_96 : i32
    %dma_start3A_98 = arith.constant 0 : i32
    %dma_start3A_99 = tpu.memref_slice %arg4[%add3A_97, %dma_start3A_98] : memref<49152x256xf32, #tpu.memory_space<hbm>> -> memref<192x256xf32, #tpu.memory_space<hbm>>
    %dma_start3A_100 = arith.constant 0 : i32
    %dma_start3A_101 = tpu.memref_slice %arg4[%add3A_97, %dma_start3A_100] : memref<49152x256xf32, #tpu.memory_space<hbm>> -> memref<192x256xf32, #tpu.memory_space<hbm>>
    tpu.enqueue_dma source(%arg6 : memref<192x256xf32, #tpu.memory_space<vmem>>) target(%dma_start3A_101 : memref<192x256xf32, #tpu.memory_space<hbm>>) target_semaphore(%arg10 : memref<!tpu.dma_semaphore, #tpu.memory_space<semaphore_mem>>)
    %dma_wait3A_102 = arith.constant 0 : i32
    %dma_wait3A_103 = tpu.memref_slice %arg4[%add3A_97, %dma_wait3A_102] : memref<49152x256xf32, #tpu.memory_space<hbm>> -> memref<192x256xf32, #tpu.memory_space<hbm>>
    %dma_wait3A_104 = arith.constant 0 : i32
    %dma_wait3A_105 = tpu.memref_slice %arg4[%add3A_97, %dma_wait3A_104] : memref<49152x256xf32, #tpu.memory_space<hbm>> -> memref<192x256xf32, #tpu.memory_space<hbm>>
    tpu.wait_dma2 semaphore(%arg10 : memref<!tpu.dma_semaphore, #tpu.memory_space<semaphore_mem>>) src(%arg6 : memref<192x256xf32, #tpu.memory_space<vmem>>) dst(%dma_wait3A_105 : memref<192x256xf32, #tpu.memory_space<hbm>>)
    %dma_start3A_106 = arith.constant 1152 : i32
    %dma_start3A_107 = tpu.memref_slice %arg5[%dma_start3A_106] : memref<1536xi32, #tpu.memory_space<vmem>> -> memref<192xi32, #tpu.memory_space<vmem>>
    %dma_start3A_108 = arith.constant 0 : i32
    %dma_start3A_109 = arith.constant 0 : i32
    %dma_start3A_110 = tpu.memref_slice %arg2[%dma_start3A_108, %dma_start3A_109] : memref<4096x256xf32, #tpu.memory_space<hbm>> -> memref<4096x256xf32, #tpu.memory_space<hbm>>
    tpu.enqueue_indirect_dma source(%dma_start3A_110 : memref<4096x256xf32, #tpu.memory_space<hbm>>) target(%arg6 : memref<192x256xf32, #tpu.memory_space<vmem>>) offsets(%dma_start3A_107 : memref<192xi32, #tpu.memory_space<vmem>>) semaphore(%arg8 : memref<!tpu.dma_semaphore, #tpu.memory_space<semaphore_mem>>)
    %dma_wait3A_111 = arith.constant 960 : i32
    %dma_wait3A_112 = tpu.memref_slice %arg5[%dma_wait3A_111] : memref<1536xi32, #tpu.memory_space<vmem>> -> memref<192xi32, #tpu.memory_space<vmem>>
    %dma_wait3A_113 = arith.constant 0 : i32
    %dma_wait3A_114 = arith.constant 0 : i32
    %dma_wait3A_115 = tpu.memref_slice %arg2[%dma_wait3A_113, %dma_wait3A_114] : memref<4096x256xf32, #tpu.memory_space<hbm>> -> memref<4096x256xf32, #tpu.memory_space<hbm>>
    tpu.wait_indirect_dma semaphore(%arg9 : memref<!tpu.dma_semaphore, #tpu.memory_space<semaphore_mem>>) src(%dma_wait3A_115 : memref<4096x256xf32, #tpu.memory_space<hbm>>) dst(%arg7 : memref<192x256xf32, #tpu.memory_space<vmem>>)
    %add3A_116 = arith.constant 960 : i32
    %add3A_117 = arith.addi %mul3A_2, %add3A_116 : i32
    %dma_start3A_118 = arith.constant 0 : i32
    %dma_start3A_119 = tpu.memref_slice %arg4[%add3A_117, %dma_start3A_118] : memref<49152x256xf32, #tpu.memory_space<hbm>> -> memref<192x256xf32, #tpu.memory_space<hbm>>
    %dma_start3A_120 = arith.constant 0 : i32
    %dma_start3A_121 = tpu.memref_slice %arg4[%add3A_117, %dma_start3A_120] : memref<49152x256xf32, #tpu.memory_space<hbm>> -> memref<192x256xf32, #tpu.memory_space<hbm>>
    tpu.enqueue_dma source(%arg7 : memref<192x256xf32, #tpu.memory_space<vmem>>) target(%dma_start3A_121 : memref<192x256xf32, #tpu.memory_space<hbm>>) target_semaphore(%arg11 : memref<!tpu.dma_semaphore, #tpu.memory_space<semaphore_mem>>)
    %dma_wait3A_122 = arith.constant 0 : i32
    %dma_wait3A_123 = tpu.memref_slice %arg4[%add3A_117, %dma_wait3A_122] : memref<49152x256xf32, #tpu.memory_space<hbm>> -> memref<192x256xf32, #tpu.memory_space<hbm>>
    %dma_wait3A_124 = arith.constant 0 : i32
    %dma_wait3A_125 = tpu.memref_slice %arg4[%add3A_117, %dma_wait3A_124] : memref<49152x256xf32, #tpu.memory_space<hbm>> -> memref<192x256xf32, #tpu.memory_space<hbm>>
    tpu.wait_dma2 semaphore(%arg11 : memref<!tpu.dma_semaphore, #tpu.memory_space<semaphore_mem>>) src(%arg7 : memref<192x256xf32, #tpu.memory_space<vmem>>) dst(%dma_wait3A_125 : memref<192x256xf32, #tpu.memory_space<hbm>>)
    %dma_start3A_126 = arith.constant 1344 : i32
    %dma_start3A_127 = tpu.memref_slice %arg5[%dma_start3A_126] : memref<1536xi32, #tpu.memory_space<vmem>> -> memref<192xi32, #tpu.memory_space<vmem>>
    %dma_start3A_128 = arith.constant 0 : i32
    %dma_start3A_129 = arith.constant 0 : i32
    %dma_start3A_130 = tpu.memref_slice %arg2[%dma_start3A_128, %dma_start3A_129] : memref<4096x256xf32, #tpu.memory_space<hbm>> -> memref<4096x256xf32, #tpu.memory_space<hbm>>
    tpu.enqueue_indirect_dma source(%dma_start3A_130 : memref<4096x256xf32, #tpu.memory_space<hbm>>) target(%arg7 : memref<192x256xf32, #tpu.memory_space<vmem>>) offsets(%dma_start3A_127 : memref<192xi32, #tpu.memory_space<vmem>>) semaphore(%arg9 : memref<!tpu.dma_semaphore, #tpu.memory_space<semaphore_mem>>)
    %dma_wait3A_131 = arith.constant 1152 : i32
    %dma_wait3A_132 = tpu.memref_slice %arg5[%dma_wait3A_131] : memref<1536xi32, #tpu.memory_space<vmem>> -> memref<192xi32, #tpu.memory_space<vmem>>
    %dma_wait3A_133 = arith.constant 0 : i32
    %dma_wait3A_134 = arith.constant 0 : i32
    %dma_wait3A_135 = tpu.memref_slice %arg2[%dma_wait3A_133, %dma_wait3A_134] : memref<4096x256xf32, #tpu.memory_space<hbm>> -> memref<4096x256xf32, #tpu.memory_space<hbm>>
    tpu.wait_indirect_dma semaphore(%arg8 : memref<!tpu.dma_semaphore, #tpu.memory_space<semaphore_mem>>) src(%dma_wait3A_135 : memref<4096x256xf32, #tpu.memory_space<hbm>>) dst(%arg6 : memref<192x256xf32, #tpu.memory_space<vmem>>)
    %add3A_136 = arith.constant 1152 : i32
    %add3A_137 = arith.addi %mul3A_2, %add3A_136 : i32
    %dma_start3A_138 = arith.constant 0 : i32
    %dma_start3A_139 = tpu.memref_slice %arg4[%add3A_137, %dma_start3A_138] : memref<49152x256xf32, #tpu.memory_space<hbm>> -> memref<192x256xf32, #tpu.memory_space<hbm>>
    %dma_start3A_140 = arith.constant 0 : i32
    %dma_start3A_141 = tpu.memref_slice %arg4[%add3A_137, %dma_start3A_140] : memref<49152x256xf32, #tpu.memory_space<hbm>> -> memref<192x256xf32, #tpu.memory_space<hbm>>
    tpu.enqueue_dma source(%arg6 : memref<192x256xf32, #tpu.memory_space<vmem>>) target(%dma_start3A_141 : memref<192x256xf32, #tpu.memory_space<hbm>>) target_semaphore(%arg10 : memref<!tpu.dma_semaphore, #tpu.memory_space<semaphore_mem>>)
    %dma_wait3A_142 = arith.constant 1344 : i32
    %dma_wait3A_143 = tpu.memref_slice %arg5[%dma_wait3A_142] : memref<1536xi32, #tpu.memory_space<vmem>> -> memref<192xi32, #tpu.memory_space<vmem>>
    %dma_wait3A_144 = arith.constant 0 : i32
    %dma_wait3A_145 = arith.constant 0 : i32
    %dma_wait3A_146 = tpu.memref_slice %arg2[%dma_wait3A_144, %dma_wait3A_145] : memref<4096x256xf32, #tpu.memory_space<hbm>> -> memref<4096x256xf32, #tpu.memory_space<hbm>>
    tpu.wait_indirect_dma semaphore(%arg9 : memref<!tpu.dma_semaphore, #tpu.memory_space<semaphore_mem>>) src(%dma_wait3A_146 : memref<4096x256xf32, #tpu.memory_space<hbm>>) dst(%arg7 : memref<192x256xf32, #tpu.memory_space<vmem>>)
    %add3A_147 = arith.constant 1344 : i32
    %add3A_148 = arith.addi %mul3A_2, %add3A_147 : i32
    %dma_start3A_149 = arith.constant 0 : i32
    %dma_start3A_150 = tpu.memref_slice %arg4[%add3A_148, %dma_start3A_149] : memref<49152x256xf32, #tpu.memory_space<hbm>> -> memref<192x256xf32, #tpu.memory_space<hbm>>
    %dma_start3A_151 = arith.constant 0 : i32
    %dma_start3A_152 = tpu.memref_slice %arg4[%add3A_148, %dma_start3A_151] : memref<49152x256xf32, #tpu.memory_space<hbm>> -> memref<192x256xf32, #tpu.memory_space<hbm>>
    tpu.enqueue_dma source(%arg7 : memref<192x256xf32, #tpu.memory_space<vmem>>) target(%dma_start3A_152 : memref<192x256xf32, #tpu.memory_space<hbm>>) target_semaphore(%arg11 : memref<!tpu.dma_semaphore, #tpu.memory_space<semaphore_mem>>)
    %dma_wait3A_153 = arith.constant 0 : i32
    %dma_wait3A_154 = tpu.memref_slice %arg4[%add3A_148, %dma_wait3A_153] : memref<49152x256xf32, #tpu.memory_space<hbm>> -> memref<192x256xf32, #tpu.memory_space<hbm>>
    %dma_wait3A_155 = arith.constant 0 : i32
    %dma_wait3A_156 = tpu.memref_slice %arg4[%add3A_148, %dma_wait3A_155] : memref<49152x256xf32, #tpu.memory_space<hbm>> -> memref<192x256xf32, #tpu.memory_space<hbm>>
    tpu.wait_dma2 semaphore(%arg11 : memref<!tpu.dma_semaphore, #tpu.memory_space<semaphore_mem>>) src(%arg7 : memref<192x256xf32, #tpu.memory_space<vmem>>) dst(%dma_wait3A_156 : memref<192x256xf32, #tpu.memory_space<hbm>>)
    %dma_wait3A_157 = arith.constant 0 : i32
    %dma_wait3A_158 = tpu.memref_slice %arg4[%add3A_137, %dma_wait3A_157] : memref<49152x256xf32, #tpu.memory_space<hbm>> -> memref<192x256xf32, #tpu.memory_space<hbm>>
    %dma_wait3A_159 = arith.constant 0 : i32
    %dma_wait3A_160 = tpu.memref_slice %arg4[%add3A_137, %dma_wait3A_159] : memref<49152x256xf32, #tpu.memory_space<hbm>> -> memref<192x256xf32, #tpu.memory_space<hbm>>
    tpu.wait_dma2 semaphore(%arg10 : memref<!tpu.dma_semaphore, #tpu.memory_space<semaphore_mem>>) src(%arg6 : memref<192x256xf32, #tpu.memory_space<vmem>>) dst(%dma_wait3A_160 : memref<192x256xf32, #tpu.memory_space<hbm>>)
    return
  }
}

module attributes {stable_mosaic.version = 14 : i64} {
  func.func @_knn_body(%arg0: i32, %arg1: memref<16384xi32, #tpu.memory_space<smem>>, %arg2: memref<4096xi32, #tpu.memory_space<smem>>, %arg3: memref<1x512xf32, #tpu.memory_space<vmem>>, %arg4: memref<1x512xf32, #tpu.memory_space<vmem>>, %arg5: memref<1x512xf32, #tpu.memory_space<vmem>>, %arg6: memref<1x512xi32, #tpu.memory_space<vmem>>, %arg7: memref<4224x1xf32, #tpu.memory_space<vmem>>, %arg8: memref<4224x1xf32, #tpu.memory_space<vmem>>, %arg9: memref<4224x1xf32, #tpu.memory_space<vmem>>, %arg10: memref<4224x1xi32, #tpu.memory_space<vmem>>, %arg11: memref<1x512xi32, #tpu.memory_space<vmem>>, %arg12: memref<1x512xi32, #tpu.memory_space<vmem>>, %arg13: memref<1x512xi32, #tpu.memory_space<vmem>>, %arg14: memref<1x512xf32, #tpu.memory_space<vmem>>, %arg15: memref<1x512xf32, #tpu.memory_space<vmem>>, %arg16: memref<1x512xf32, #tpu.memory_space<vmem>>) attributes {dimension_semantics = [#tpu.dimension_semantics<arbitrary>], iteration_bounds = array<i64: 32>, scalar_prefetch = 0 : i64, scratch_operands = 0 : i64, tpu.core_type = #tpu.core_type<tc>, window_params = [{transform_indices = @transform_0, window_bounds = array<i64: 16384>}, {transform_indices = @transform_1, window_bounds = array<i64: 4096>}, {transform_indices = @transform_2, window_bounds = array<i64: 1, 512>}, {transform_indices = @transform_3, window_bounds = array<i64: 1, 512>}, {transform_indices = @transform_4, window_bounds = array<i64: 1, 512>}, {transform_indices = @transform_5, window_bounds = array<i64: 1, 512>}, {pipeline_mode = #tpu.pipeline_mode<synchronous>, transform_indices = @transform_6, window_bounds = array<i64: 4224, 1>}, {pipeline_mode = #tpu.pipeline_mode<synchronous>, transform_indices = @transform_7, window_bounds = array<i64: 4224, 1>}, {pipeline_mode = #tpu.pipeline_mode<synchronous>, transform_indices = @transform_8, window_bounds = array<i64: 4224, 1>}, {pipeline_mode = #tpu.pipeline_mode<synchronous>, transform_indices = @transform_9, window_bounds = array<i64: 4224, 1>}, {transform_indices = @transform_10, window_bounds = array<i64: 1, 512>}, {transform_indices = @transform_11, window_bounds = array<i64: 1, 512>}, {transform_indices = @transform_12, window_bounds = array<i64: 1, 512>}, {transform_indices = @transform_13, window_bounds = array<i64: 1, 512>}, {transform_indices = @transform_14, window_bounds = array<i64: 1, 512>}, {transform_indices = @transform_15, window_bounds = array<i64: 1, 512>}]} {
    %mul3A = arith.constant 512 : i32
    %mul3A_0 = arith.muli %arg0, %mul3A : i32
    %get3A = arith.index_cast %mul3A_0 : i32 to index
    %get3A_1 = memref.load %arg1[%get3A] : memref<16384xi32, #tpu.memory_space<smem>>
    %mul3A_2 = arith.constant 512 : i32
    %mul3A_3 = arith.muli %arg0, %mul3A_2 : i32
    %add3A = arith.constant 512 : i32
    %add3A_4 = arith.addi %mul3A_3, %add3A : i32
    %sub3A = arith.constant 1 : i32
    %sub3A_5 = arith.subi %add3A_4, %sub3A : i32
    %get3A_6 = arith.index_cast %sub3A_5 : i32 to index
    %get3A_7 = memref.load %arg1[%get3A_6] : memref<16384xi32, #tpu.memory_space<smem>>
    %get3A_8 = arith.constant 0 : index
    %get3A_9 = arith.constant 0 : index
    %get3A_10 = vector.load %arg3[%get3A_8, %get3A_9] : memref<1x512xf32, #tpu.memory_space<vmem>>, vector<1x512xf32>
    %get3A_11 = arith.constant 0 : index
    %get3A_12 = arith.constant 0 : index
    %get3A_13 = vector.load %arg4[%get3A_11, %get3A_12] : memref<1x512xf32, #tpu.memory_space<vmem>>, vector<1x512xf32>
    %get3A_14 = arith.constant 0 : index
    %get3A_15 = arith.constant 0 : index
    %get3A_16 = vector.load %arg5[%get3A_14, %get3A_15] : memref<1x512xf32, #tpu.memory_space<vmem>>, vector<1x512xf32>
    %get3A_17 = arith.constant 0 : index
    %get3A_18 = arith.constant 0 : index
    %get3A_19 = vector.load %arg6[%get3A_17, %get3A_18] : memref<1x512xi32, #tpu.memory_space<vmem>>, vector<1x512xi32>
    %scan3A = arith.constant 0 : i32
    %scan3A_20 = arith.constant 4096 : i32
    %scan3A_21 = arith.constant 0 : i32
    %scan3A_22 = arith.constant 12 : i32
    %scan3A_23 = arith.addi %scan3A_21, %scan3A_22 : i32
    %scan3A_24 = arith.constant 1 : i32
    %scan3A_25:2 = scf.for %scan3A_164 = %scan3A_21 to %scan3A_23 step %scan3A_24 iter_args(%scan3A_165 = %scan3A, %scan3A_166 = %scan3A_20) -> (i32, i32)  : i32 {
      %add3A_167 = arith.addi %scan3A_165, %scan3A_166 : i32
      %jit3A_168 = arith.constant 2 : i32
      %div3A_169 = arith.divsi %add3A_167, %jit3A_168 : i32
      %sign3A_170 = arith.constant 0 : i32
      %sign3A_171 = arith.cmpi sgt, %add3A_167, %sign3A_170 : i32
      %sign3A_172 = arith.extui %sign3A_171 : i1 to i32
      %sign3A_173 = arith.constant 0 : i32
      %sign3A_174 = arith.cmpi slt, %add3A_167, %sign3A_173 : i32
      %sign3A_175 = arith.extui %sign3A_174 : i1 to i32
      %sign3A_176 = arith.subi %sign3A_172, %sign3A_175 : i32
      %sign3A_177 = arith.constant 0 : i32
      %sign3A_178 = arith.cmpi sgt, %jit3A_168, %sign3A_177 : i32
      %sign3A_179 = arith.extui %sign3A_178 : i1 to i32
      %sign3A_180 = arith.constant 0 : i32
      %sign3A_181 = arith.cmpi slt, %jit3A_168, %sign3A_180 : i32
      %sign3A_182 = arith.extui %sign3A_181 : i1 to i32
      %sign3A_183 = arith.subi %sign3A_179, %sign3A_182 : i32
      %ne3A_184 = arith.cmpi ne, %sign3A_176, %sign3A_183 : i32
      %rem3A_185 = arith.remsi %add3A_167, %jit3A_168 : i32
      %ne3A_186 = arith.constant 0 : i32
      %ne3A_187 = arith.cmpi ne, %rem3A_185, %ne3A_186 : i32
      %and3A_188 = arith.andi %ne3A_184, %ne3A_187 : i1
      %sub3A_189 = arith.constant 1 : i32
      %sub3A_190 = arith.subi %div3A_169, %sub3A_189 : i32
      %select_n3A_191 = arith.select %and3A_188, %sub3A_190, %div3A_169 : i32
      %get3A_192 = arith.index_cast %select_n3A_191 : i32 to index
      %get3A_193 = memref.load %arg2[%get3A_192] : memref<4096xi32, #tpu.memory_space<smem>>
      %lt3A = arith.cmpi slt, %get3A_193, %get3A_1 : i32
      %add3A_194 = arith.constant 1 : i32
      %add3A_195 = arith.addi %select_n3A_191, %add3A_194 : i32
      %select_n3A_196 = arith.select %lt3A, %add3A_195, %scan3A_165 : i32
      %select_n3A_197 = arith.select %lt3A, %scan3A_166, %select_n3A_191 : i32
      scf.yield %select_n3A_196, %select_n3A_197 : i32, i32
    }
    %scan3A_26 = arith.constant 0 : i32
    %scan3A_27 = arith.constant 4096 : i32
    %scan3A_28 = arith.constant 0 : i32
    %scan3A_29 = arith.constant 12 : i32
    %scan3A_30 = arith.addi %scan3A_28, %scan3A_29 : i32
    %scan3A_31 = arith.constant 1 : i32
    %scan3A_32:2 = scf.for %scan3A_164 = %scan3A_28 to %scan3A_30 step %scan3A_31 iter_args(%scan3A_165 = %scan3A_26, %scan3A_166 = %scan3A_27) -> (i32, i32)  : i32 {
      %add3A_167 = arith.addi %scan3A_165, %scan3A_166 : i32
      %jit3A_168 = arith.constant 2 : i32
      %div3A_169 = arith.divsi %add3A_167, %jit3A_168 : i32
      %sign3A_170 = arith.constant 0 : i32
      %sign3A_171 = arith.cmpi sgt, %add3A_167, %sign3A_170 : i32
      %sign3A_172 = arith.extui %sign3A_171 : i1 to i32
      %sign3A_173 = arith.constant 0 : i32
      %sign3A_174 = arith.cmpi slt, %add3A_167, %sign3A_173 : i32
      %sign3A_175 = arith.extui %sign3A_174 : i1 to i32
      %sign3A_176 = arith.subi %sign3A_172, %sign3A_175 : i32
      %sign3A_177 = arith.constant 0 : i32
      %sign3A_178 = arith.cmpi sgt, %jit3A_168, %sign3A_177 : i32
      %sign3A_179 = arith.extui %sign3A_178 : i1 to i32
      %sign3A_180 = arith.constant 0 : i32
      %sign3A_181 = arith.cmpi slt, %jit3A_168, %sign3A_180 : i32
      %sign3A_182 = arith.extui %sign3A_181 : i1 to i32
      %sign3A_183 = arith.subi %sign3A_179, %sign3A_182 : i32
      %ne3A_184 = arith.cmpi ne, %sign3A_176, %sign3A_183 : i32
      %rem3A_185 = arith.remsi %add3A_167, %jit3A_168 : i32
      %ne3A_186 = arith.constant 0 : i32
      %ne3A_187 = arith.cmpi ne, %rem3A_185, %ne3A_186 : i32
      %and3A_188 = arith.andi %ne3A_184, %ne3A_187 : i1
      %sub3A_189 = arith.constant 1 : i32
      %sub3A_190 = arith.subi %div3A_169, %sub3A_189 : i32
      %select_n3A_191 = arith.select %and3A_188, %sub3A_190, %div3A_169 : i32
      %get3A_192 = arith.index_cast %select_n3A_191 : i32 to index
      %get3A_193 = memref.load %arg2[%get3A_192] : memref<4096xi32, #tpu.memory_space<smem>>
      %le3A = arith.cmpi sle, %get3A_193, %get3A_7 : i32
      %add3A_194 = arith.constant 1 : i32
      %add3A_195 = arith.addi %select_n3A_191, %add3A_194 : i32
      %select_n3A_196 = arith.select %le3A, %add3A_195, %scan3A_165 : i32
      %select_n3A_197 = arith.select %le3A, %scan3A_166, %select_n3A_191 : i32
      scf.yield %select_n3A_196, %select_n3A_197 : i32, i32
    }
    %jit3A = arith.constant 8 : i32
    %div3A = arith.divsi %scan3A_25#0, %jit3A : i32
    %sign3A = arith.constant 0 : i32
    %sign3A_33 = arith.cmpi sgt, %scan3A_25#0, %sign3A : i32
    %sign3A_34 = arith.extui %sign3A_33 : i1 to i32
    %sign3A_35 = arith.constant 0 : i32
    %sign3A_36 = arith.cmpi slt, %scan3A_25#0, %sign3A_35 : i32
    %sign3A_37 = arith.extui %sign3A_36 : i1 to i32
    %sign3A_38 = arith.subi %sign3A_34, %sign3A_37 : i32
    %sign3A_39 = arith.constant 0 : i32
    %sign3A_40 = arith.cmpi sgt, %jit3A, %sign3A_39 : i32
    %sign3A_41 = arith.extui %sign3A_40 : i1 to i32
    %sign3A_42 = arith.constant 0 : i32
    %sign3A_43 = arith.cmpi slt, %jit3A, %sign3A_42 : i32
    %sign3A_44 = arith.extui %sign3A_43 : i1 to i32
    %sign3A_45 = arith.subi %sign3A_41, %sign3A_44 : i32
    %ne3A = arith.cmpi ne, %sign3A_38, %sign3A_45 : i32
    %rem3A = arith.remsi %scan3A_25#0, %jit3A : i32
    %ne3A_46 = arith.constant 0 : i32
    %ne3A_47 = arith.cmpi ne, %rem3A, %ne3A_46 : i32
    %and3A = arith.andi %ne3A, %ne3A_47 : i1
    %sub3A_48 = arith.constant 1 : i32
    %sub3A_49 = arith.subi %div3A, %sub3A_48 : i32
    %select_n3A = arith.select %and3A, %sub3A_49, %div3A : i32
    %mul3A_50 = arith.constant 8 : i32
    %mul3A_51 = arith.muli %select_n3A, %mul3A_50 : i32
    %sub3A_52 = arith.subi %scan3A_32#0, %mul3A_51 : i32
    %add3A_53 = arith.constant 128 : i32
    %add3A_54 = arith.addi %sub3A_52, %add3A_53 : i32
    %sub3A_55 = arith.constant 1 : i32
    %sub3A_56 = arith.subi %add3A_54, %sub3A_55 : i32
    %jit3A_57 = arith.constant 128 : i32
    %div3A_58 = arith.divsi %sub3A_56, %jit3A_57 : i32
    %sign3A_59 = arith.constant 0 : i32
    %sign3A_60 = arith.cmpi sgt, %sub3A_56, %sign3A_59 : i32
    %sign3A_61 = arith.extui %sign3A_60 : i1 to i32
    %sign3A_62 = arith.constant 0 : i32
    %sign3A_63 = arith.cmpi slt, %sub3A_56, %sign3A_62 : i32
    %sign3A_64 = arith.extui %sign3A_63 : i1 to i32
    %sign3A_65 = arith.subi %sign3A_61, %sign3A_64 : i32
    %sign3A_66 = arith.constant 0 : i32
    %sign3A_67 = arith.cmpi sgt, %jit3A_57, %sign3A_66 : i32
    %sign3A_68 = arith.extui %sign3A_67 : i1 to i32
    %sign3A_69 = arith.constant 0 : i32
    %sign3A_70 = arith.cmpi slt, %jit3A_57, %sign3A_69 : i32
    %sign3A_71 = arith.extui %sign3A_70 : i1 to i32
    %sign3A_72 = arith.subi %sign3A_68, %sign3A_71 : i32
    %ne3A_73 = arith.cmpi ne, %sign3A_65, %sign3A_72 : i32
    %rem3A_74 = arith.remsi %sub3A_56, %jit3A_57 : i32
    %ne3A_75 = arith.constant 0 : i32
    %ne3A_76 = arith.cmpi ne, %rem3A_74, %ne3A_75 : i32
    %and3A_77 = arith.andi %ne3A_73, %ne3A_76 : i1
    %sub3A_78 = arith.constant 1 : i32
    %sub3A_79 = arith.subi %div3A_58, %sub3A_78 : i32
    %select_n3A_80 = arith.select %and3A_77, %sub3A_79, %div3A_58 : i32
    %broadcast_in_dim3A = arith.constant 3.000000e+38 : f32
    %broadcast_in_dim3A_81 = vector.broadcast %broadcast_in_dim3A : f32 to vector<1x512xf32>
    %broadcast_in_dim3A_82 = arith.constant 3.000000e+38 : f32
    %broadcast_in_dim3A_83 = vector.broadcast %broadcast_in_dim3A_82 : f32 to vector<1x512xf32>
    %broadcast_in_dim3A_84 = arith.constant 3.000000e+38 : f32
    %broadcast_in_dim3A_85 = vector.broadcast %broadcast_in_dim3A_84 : f32 to vector<1x512xf32>
    %broadcast_in_dim3A_86 = arith.constant -1 : i32
    %broadcast_in_dim3A_87 = vector.broadcast %broadcast_in_dim3A_86 : i32 to vector<1x512xi32>
    %broadcast_in_dim3A_88 = arith.constant -2 : i32
    %broadcast_in_dim3A_89 = vector.broadcast %broadcast_in_dim3A_88 : i32 to vector<1x512xi32>
    %broadcast_in_dim3A_90 = arith.constant -3 : i32
    %broadcast_in_dim3A_91 = vector.broadcast %broadcast_in_dim3A_90 : i32 to vector<1x512xi32>
    %while3A = arith.constant 0 : i32
    %while3A_92 = arith.subi %select_n3A_80, %while3A : i32
    %while3A_93 = arith.addi %while3A, %while3A_92 : i32
    %while3A_94 = arith.constant 1 : i32
    %while3A_95 = arith.divsi %while3A_92, %while3A_94 : i32
    %while3A_96 = arith.muli %while3A_95, %while3A_94 : i32
    %while3A_97 = arith.addi %while3A, %while3A_96 : i32
    %while3A_98 = arith.constant 1 : i32
    %while3A_99:6 = scf.for %while3A_164 = %while3A to %while3A_97 step %while3A_98 iter_args(%while3A_165 = %broadcast_in_dim3A_81, %while3A_166 = %broadcast_in_dim3A_83, %while3A_167 = %broadcast_in_dim3A_85, %while3A_168 = %broadcast_in_dim3A_87, %while3A_169 = %broadcast_in_dim3A_89, %while3A_170 = %broadcast_in_dim3A_91) -> (vector<1x512xf32>, vector<1x512xf32>, vector<1x512xf32>, vector<1x512xi32>, vector<1x512xi32>, vector<1x512xi32>)  : i32 {
      %mul3A_171 = arith.constant 128 : i32
      %mul3A_172 = arith.muli %while3A_164, %mul3A_171 : i32
      %add3A_173 = arith.addi %mul3A_51, %mul3A_172 : i32
      %get3A_174 = arith.index_cast %add3A_173 : i32 to index
      %get3A_175 = arith.constant 0 : index
      %get3A_176 = vector.load %arg7[%get3A_174, %get3A_175] : memref<4224x1xf32, #tpu.memory_space<vmem>>, vector<128x1xf32>
      %sub3A_177 = vector.broadcast %get3A_176 : vector<128x1xf32> to vector<128x512xf32>
      %sub3A_178 = vector.broadcast %get3A_10 : vector<1x512xf32> to vector<128x512xf32>
      %sub3A_179 = arith.subf %sub3A_177, %sub3A_178 : vector<128x512xf32>
      %get3A_180 = arith.index_cast %add3A_173 : i32 to index
      %get3A_181 = arith.constant 0 : index
      %get3A_182 = vector.load %arg8[%get3A_180, %get3A_181] : memref<4224x1xf32, #tpu.memory_space<vmem>>, vector<128x1xf32>
      %sub3A_183 = vector.broadcast %get3A_182 : vector<128x1xf32> to vector<128x512xf32>
      %sub3A_184 = vector.broadcast %get3A_13 : vector<1x512xf32> to vector<128x512xf32>
      %sub3A_185 = arith.subf %sub3A_183, %sub3A_184 : vector<128x512xf32>
      %get3A_186 = arith.index_cast %add3A_173 : i32 to index
      %get3A_187 = arith.constant 0 : index
      %get3A_188 = vector.load %arg9[%get3A_186, %get3A_187] : memref<4224x1xf32, #tpu.memory_space<vmem>>, vector<128x1xf32>
      %sub3A_189 = vector.broadcast %get3A_188 : vector<128x1xf32> to vector<128x512xf32>
      %sub3A_190 = vector.broadcast %get3A_16 : vector<1x512xf32> to vector<128x512xf32>
      %sub3A_191 = arith.subf %sub3A_189, %sub3A_190 : vector<128x512xf32>
      %mul3A_192 = arith.mulf %sub3A_179, %sub3A_179 : vector<128x512xf32>
      %mul3A_193 = arith.mulf %sub3A_185, %sub3A_185 : vector<128x512xf32>
      %add3A_194 = arith.addf %mul3A_192, %mul3A_193 : vector<128x512xf32>
      %mul3A_195 = arith.mulf %sub3A_191, %sub3A_191 : vector<128x512xf32>
      %add3A_196 = arith.addf %add3A_194, %mul3A_195 : vector<128x512xf32>
      %get3A_197 = arith.index_cast %add3A_173 : i32 to index
      %get3A_198 = arith.constant 0 : index
      %get3A_199 = vector.load %arg10[%get3A_197, %get3A_198] : memref<4224x1xi32, #tpu.memory_space<vmem>>, vector<128x1xi32>
      %ne3A_200 = vector.broadcast %get3A_199 : vector<128x1xi32> to vector<128x512xi32>
      %ne3A_201 = vector.broadcast %get3A_19 : vector<1x512xi32> to vector<128x512xi32>
      %ne3A_202 = arith.cmpi ne, %ne3A_200, %ne3A_201 : vector<128x512xi32>
      %jit3A_203 = arith.constant 1.000000e+10 : f32
      %broadcast_in_dim3A_204 = vector.broadcast %jit3A_203 : f32 to vector<128x512xf32>
      %select_n3A_205 = arith.select %ne3A_202, %broadcast_in_dim3A_204, %add3A_196 : vector<128x512xi1>, vector<128x512xf32>
      %iota3A = tpu.iota {dimensions = array<i32: 0>} : vector<128x512xi32>
      %reduce_min3A = arith.constant dense<0x7F800000> : vector<512xf32>
      %reduce_min3A_206 = vector.multi_reduction <minimumf>, %select_n3A_205, %reduce_min3A [0] : vector<128x512xf32> to vector<512xf32>
      %broadcast_in_dim3A_207 = vector.shape_cast %reduce_min3A_206 : vector<512xf32> to vector<1x512xf32>
      %eq3A = vector.broadcast %broadcast_in_dim3A_207 : vector<1x512xf32> to vector<128x512xf32>
      %eq3A_208 = arith.cmpf oeq, %select_n3A_205, %eq3A : vector<128x512xf32>
      %jit3A_209 = arith.constant 1073741824 : i32
      %broadcast_in_dim3A_210 = vector.broadcast %jit3A_209 : i32 to vector<128x512xi32>
      %select_n3A_211 = arith.select %eq3A_208, %iota3A, %broadcast_in_dim3A_210 : vector<128x512xi1>, vector<128x512xi32>
      %reduce_min3A_212 = arith.constant dense<2147483647> : vector<512xi32>
      %reduce_min3A_213 = vector.multi_reduction <minsi>, %select_n3A_211, %reduce_min3A_212 [0] : vector<128x512xi32> to vector<512xi32>
      %broadcast_in_dim3A_214 = vector.shape_cast %reduce_min3A_213 : vector<512xi32> to vector<1x512xi32>
      %add3A_215 = vector.broadcast %add3A_173 : i32 to vector<1x512xi32>
      %add3A_216 = arith.addi %broadcast_in_dim3A_214, %add3A_215 : vector<1x512xi32>
      %eq3A_217 = vector.broadcast %broadcast_in_dim3A_214 : vector<1x512xi32> to vector<128x512xi32>
      %eq3A_218 = arith.cmpi eq, %iota3A, %eq3A_217 : vector<128x512xi32>
      %jit3A_219 = arith.constant 3.000000e+38 : f32
      %broadcast_in_dim3A_220 = vector.broadcast %jit3A_219 : f32 to vector<128x512xf32>
      %select_n3A_221 = arith.select %eq3A_218, %broadcast_in_dim3A_220, %select_n3A_205 : vector<128x512xi1>, vector<128x512xf32>
      %reduce_min3A_222 = arith.constant dense<0x7F800000> : vector<512xf32>
      %reduce_min3A_223 = vector.multi_reduction <minimumf>, %select_n3A_221, %reduce_min3A_222 [0] : vector<128x512xf32> to vector<512xf32>
      %broadcast_in_dim3A_224 = vector.shape_cast %reduce_min3A_223 : vector<512xf32> to vector<1x512xf32>
      %eq3A_225 = vector.broadcast %broadcast_in_dim3A_224 : vector<1x512xf32> to vector<128x512xf32>
      %eq3A_226 = arith.cmpf oeq, %select_n3A_221, %eq3A_225 : vector<128x512xf32>
      %jit3A_227 = arith.constant 1073741824 : i32
      %broadcast_in_dim3A_228 = vector.broadcast %jit3A_227 : i32 to vector<128x512xi32>
      %select_n3A_229 = arith.select %eq3A_226, %iota3A, %broadcast_in_dim3A_228 : vector<128x512xi1>, vector<128x512xi32>
      %reduce_min3A_230 = arith.constant dense<2147483647> : vector<512xi32>
      %reduce_min3A_231 = vector.multi_reduction <minsi>, %select_n3A_229, %reduce_min3A_230 [0] : vector<128x512xi32> to vector<512xi32>
      %broadcast_in_dim3A_232 = vector.shape_cast %reduce_min3A_231 : vector<512xi32> to vector<1x512xi32>
      %add3A_233 = vector.broadcast %add3A_173 : i32 to vector<1x512xi32>
      %add3A_234 = arith.addi %broadcast_in_dim3A_232, %add3A_233 : vector<1x512xi32>
      %eq3A_235 = vector.broadcast %broadcast_in_dim3A_232 : vector<1x512xi32> to vector<128x512xi32>
      %eq3A_236 = arith.cmpi eq, %iota3A, %eq3A_235 : vector<128x512xi32>
      %jit3A_237 = arith.constant 3.000000e+38 : f32
      %broadcast_in_dim3A_238 = vector.broadcast %jit3A_237 : f32 to vector<128x512xf32>
      %select_n3A_239 = arith.select %eq3A_236, %broadcast_in_dim3A_238, %select_n3A_221 : vector<128x512xi1>, vector<128x512xf32>
      %reduce_min3A_240 = arith.constant dense<0x7F800000> : vector<512xf32>
      %reduce_min3A_241 = vector.multi_reduction <minimumf>, %select_n3A_239, %reduce_min3A_240 [0] : vector<128x512xf32> to vector<512xf32>
      %broadcast_in_dim3A_242 = vector.shape_cast %reduce_min3A_241 : vector<512xf32> to vector<1x512xf32>
      %eq3A_243 = vector.broadcast %broadcast_in_dim3A_242 : vector<1x512xf32> to vector<128x512xf32>
      %eq3A_244 = arith.cmpf oeq, %select_n3A_239, %eq3A_243 : vector<128x512xf32>
      %jit3A_245 = arith.constant 1073741824 : i32
      %broadcast_in_dim3A_246 = vector.broadcast %jit3A_245 : i32 to vector<128x512xi32>
      %select_n3A_247 = arith.select %eq3A_244, %iota3A, %broadcast_in_dim3A_246 : vector<128x512xi1>, vector<128x512xi32>
      %reduce_min3A_248 = arith.constant dense<2147483647> : vector<512xi32>
      %reduce_min3A_249 = vector.multi_reduction <minsi>, %select_n3A_247, %reduce_min3A_248 [0] : vector<128x512xi32> to vector<512xi32>
      %broadcast_in_dim3A_250 = vector.shape_cast %reduce_min3A_249 : vector<512xi32> to vector<1x512xi32>
      %add3A_251 = vector.broadcast %add3A_173 : i32 to vector<1x512xi32>
      %add3A_252 = arith.addi %broadcast_in_dim3A_250, %add3A_251 : vector<1x512xi32>
      %min3A_253 = arith.minimumf %while3A_165, %while3A_166 : vector<1x512xf32>
      %min3A_254 = arith.minimumf %min3A_253, %while3A_167 : vector<1x512xf32>
      %min3A_255 = arith.minimumf %min3A_254, %broadcast_in_dim3A_207 : vector<1x512xf32>
      %min3A_256 = arith.minimumf %min3A_255, %broadcast_in_dim3A_224 : vector<1x512xf32>
      %min3A_257 = arith.minimumf %min3A_256, %broadcast_in_dim3A_242 : vector<1x512xf32>
      %eq3A_258 = arith.cmpf oeq, %while3A_165, %min3A_257 : vector<1x512xf32>
      %jit3A_259 = arith.constant 1073741824 : i32
      %broadcast_in_dim3A_260 = vector.broadcast %jit3A_259 : i32 to vector<1x512xi32>
      %select_n3A_261 = arith.select %eq3A_258, %while3A_168, %broadcast_in_dim3A_260 : vector<1x512xi1>, vector<1x512xi32>
      %eq3A_262 = arith.cmpf oeq, %while3A_166, %min3A_257 : vector<1x512xf32>
      %jit3A_263 = arith.constant 1073741824 : i32
      %broadcast_in_dim3A_264 = vector.broadcast %jit3A_263 : i32 to vector<1x512xi32>
      %select_n3A_265 = arith.select %eq3A_262, %while3A_169, %broadcast_in_dim3A_264 : vector<1x512xi1>, vector<1x512xi32>
      %eq3A_266 = arith.cmpf oeq, %while3A_167, %min3A_257 : vector<1x512xf32>
      %jit3A_267 = arith.constant 1073741824 : i32
      %broadcast_in_dim3A_268 = vector.broadcast %jit3A_267 : i32 to vector<1x512xi32>
      %select_n3A_269 = arith.select %eq3A_266, %while3A_170, %broadcast_in_dim3A_268 : vector<1x512xi1>, vector<1x512xi32>
      %eq3A_270 = arith.cmpf oeq, %broadcast_in_dim3A_207, %min3A_257 : vector<1x512xf32>
      %jit3A_271 = arith.constant 1073741824 : i32
      %broadcast_in_dim3A_272 = vector.broadcast %jit3A_271 : i32 to vector<1x512xi32>
      %select_n3A_273 = arith.select %eq3A_270, %add3A_216, %broadcast_in_dim3A_272 : vector<1x512xi1>, vector<1x512xi32>
      %eq3A_274 = arith.cmpf oeq, %broadcast_in_dim3A_224, %min3A_257 : vector<1x512xf32>
      %jit3A_275 = arith.constant 1073741824 : i32
      %broadcast_in_dim3A_276 = vector.broadcast %jit3A_275 : i32 to vector<1x512xi32>
      %select_n3A_277 = arith.select %eq3A_274, %add3A_234, %broadcast_in_dim3A_276 : vector<1x512xi1>, vector<1x512xi32>
      %eq3A_278 = arith.cmpf oeq, %broadcast_in_dim3A_242, %min3A_257 : vector<1x512xf32>
      %jit3A_279 = arith.constant 1073741824 : i32
      %broadcast_in_dim3A_280 = vector.broadcast %jit3A_279 : i32 to vector<1x512xi32>
      %select_n3A_281 = arith.select %eq3A_278, %add3A_252, %broadcast_in_dim3A_280 : vector<1x512xi1>, vector<1x512xi32>
      %min3A_282 = arith.minsi %select_n3A_261, %select_n3A_265 : vector<1x512xi32>
      %min3A_283 = arith.minsi %min3A_282, %select_n3A_269 : vector<1x512xi32>
      %min3A_284 = arith.minsi %min3A_283, %select_n3A_273 : vector<1x512xi32>
      %min3A_285 = arith.minsi %min3A_284, %select_n3A_277 : vector<1x512xi32>
      %min3A_286 = arith.minsi %min3A_285, %select_n3A_281 : vector<1x512xi32>
      %eq3A_287 = arith.cmpi eq, %while3A_168, %min3A_286 : vector<1x512xi32>
      %jit3A_288 = arith.constant 3.000000e+38 : f32
      %broadcast_in_dim3A_289 = vector.broadcast %jit3A_288 : f32 to vector<1x512xf32>
      %select_n3A_290 = arith.select %eq3A_287, %broadcast_in_dim3A_289, %while3A_165 : vector<1x512xi1>, vector<1x512xf32>
      %eq3A_291 = arith.cmpi eq, %while3A_169, %min3A_286 : vector<1x512xi32>
      %jit3A_292 = arith.constant 3.000000e+38 : f32
      %broadcast_in_dim3A_293 = vector.broadcast %jit3A_292 : f32 to vector<1x512xf32>
      %select_n3A_294 = arith.select %eq3A_291, %broadcast_in_dim3A_293, %while3A_166 : vector<1x512xi1>, vector<1x512xf32>
      %eq3A_295 = arith.cmpi eq, %while3A_170, %min3A_286 : vector<1x512xi32>
      %jit3A_296 = arith.constant 3.000000e+38 : f32
      %broadcast_in_dim3A_297 = vector.broadcast %jit3A_296 : f32 to vector<1x512xf32>
      %select_n3A_298 = arith.select %eq3A_295, %broadcast_in_dim3A_297, %while3A_167 : vector<1x512xi1>, vector<1x512xf32>
      %eq3A_299 = arith.cmpi eq, %add3A_216, %min3A_286 : vector<1x512xi32>
      %jit3A_300 = arith.constant 3.000000e+38 : f32
      %broadcast_in_dim3A_301 = vector.broadcast %jit3A_300 : f32 to vector<1x512xf32>
      %select_n3A_302 = arith.select %eq3A_299, %broadcast_in_dim3A_301, %broadcast_in_dim3A_207 : vector<1x512xi1>, vector<1x512xf32>
      %eq3A_303 = arith.cmpi eq, %add3A_234, %min3A_286 : vector<1x512xi32>
      %jit3A_304 = arith.constant 3.000000e+38 : f32
      %broadcast_in_dim3A_305 = vector.broadcast %jit3A_304 : f32 to vector<1x512xf32>
      %select_n3A_306 = arith.select %eq3A_303, %broadcast_in_dim3A_305, %broadcast_in_dim3A_224 : vector<1x512xi1>, vector<1x512xf32>
      %eq3A_307 = arith.cmpi eq, %add3A_252, %min3A_286 : vector<1x512xi32>
      %jit3A_308 = arith.constant 3.000000e+38 : f32
      %broadcast_in_dim3A_309 = vector.broadcast %jit3A_308 : f32 to vector<1x512xf32>
      %select_n3A_310 = arith.select %eq3A_307, %broadcast_in_dim3A_309, %broadcast_in_dim3A_242 : vector<1x512xi1>, vector<1x512xf32>
      %min3A_311 = arith.minimumf %select_n3A_290, %select_n3A_294 : vector<1x512xf32>
      %min3A_312 = arith.minimumf %min3A_311, %select_n3A_298 : vector<1x512xf32>
      %min3A_313 = arith.minimumf %min3A_312, %select_n3A_302 : vector<1x512xf32>
      %min3A_314 = arith.minimumf %min3A_313, %select_n3A_306 : vector<1x512xf32>
      %min3A_315 = arith.minimumf %min3A_314, %select_n3A_310 : vector<1x512xf32>
      %eq3A_316 = arith.cmpf oeq, %select_n3A_290, %min3A_315 : vector<1x512xf32>
      %jit3A_317 = arith.constant 1073741824 : i32
      %broadcast_in_dim3A_318 = vector.broadcast %jit3A_317 : i32 to vector<1x512xi32>
      %select_n3A_319 = arith.select %eq3A_316, %while3A_168, %broadcast_in_dim3A_318 : vector<1x512xi1>, vector<1x512xi32>
      %eq3A_320 = arith.cmpf oeq, %select_n3A_294, %min3A_315 : vector<1x512xf32>
      %jit3A_321 = arith.constant 1073741824 : i32
      %broadcast_in_dim3A_322 = vector.broadcast %jit3A_321 : i32 to vector<1x512xi32>
      %select_n3A_323 = arith.select %eq3A_320, %while3A_169, %broadcast_in_dim3A_322 : vector<1x512xi1>, vector<1x512xi32>
      %eq3A_324 = arith.cmpf oeq, %select_n3A_298, %min3A_315 : vector<1x512xf32>
      %jit3A_325 = arith.constant 1073741824 : i32
      %broadcast_in_dim3A_326 = vector.broadcast %jit3A_325 : i32 to vector<1x512xi32>
      %select_n3A_327 = arith.select %eq3A_324, %while3A_170, %broadcast_in_dim3A_326 : vector<1x512xi1>, vector<1x512xi32>
      %eq3A_328 = arith.cmpf oeq, %select_n3A_302, %min3A_315 : vector<1x512xf32>
      %jit3A_329 = arith.constant 1073741824 : i32
      %broadcast_in_dim3A_330 = vector.broadcast %jit3A_329 : i32 to vector<1x512xi32>
      %select_n3A_331 = arith.select %eq3A_328, %add3A_216, %broadcast_in_dim3A_330 : vector<1x512xi1>, vector<1x512xi32>
      %eq3A_332 = arith.cmpf oeq, %select_n3A_306, %min3A_315 : vector<1x512xf32>
      %jit3A_333 = arith.constant 1073741824 : i32
      %broadcast_in_dim3A_334 = vector.broadcast %jit3A_333 : i32 to vector<1x512xi32>
      %select_n3A_335 = arith.select %eq3A_332, %add3A_234, %broadcast_in_dim3A_334 : vector<1x512xi1>, vector<1x512xi32>
      %eq3A_336 = arith.cmpf oeq, %select_n3A_310, %min3A_315 : vector<1x512xf32>
      %jit3A_337 = arith.constant 1073741824 : i32
      %broadcast_in_dim3A_338 = vector.broadcast %jit3A_337 : i32 to vector<1x512xi32>
      %select_n3A_339 = arith.select %eq3A_336, %add3A_252, %broadcast_in_dim3A_338 : vector<1x512xi1>, vector<1x512xi32>
      %min3A_340 = arith.minsi %select_n3A_319, %select_n3A_323 : vector<1x512xi32>
      %min3A_341 = arith.minsi %min3A_340, %select_n3A_327 : vector<1x512xi32>
      %min3A_342 = arith.minsi %min3A_341, %select_n3A_331 : vector<1x512xi32>
      %min3A_343 = arith.minsi %min3A_342, %select_n3A_335 : vector<1x512xi32>
      %min3A_344 = arith.minsi %min3A_343, %select_n3A_339 : vector<1x512xi32>
      %eq3A_345 = arith.cmpi eq, %while3A_168, %min3A_344 : vector<1x512xi32>
      %jit3A_346 = arith.constant 3.000000e+38 : f32
      %broadcast_in_dim3A_347 = vector.broadcast %jit3A_346 : f32 to vector<1x512xf32>
      %select_n3A_348 = arith.select %eq3A_345, %broadcast_in_dim3A_347, %select_n3A_290 : vector<1x512xi1>, vector<1x512xf32>
      %eq3A_349 = arith.cmpi eq, %while3A_169, %min3A_344 : vector<1x512xi32>
      %jit3A_350 = arith.constant 3.000000e+38 : f32
      %broadcast_in_dim3A_351 = vector.broadcast %jit3A_350 : f32 to vector<1x512xf32>
      %select_n3A_352 = arith.select %eq3A_349, %broadcast_in_dim3A_351, %select_n3A_294 : vector<1x512xi1>, vector<1x512xf32>
      %eq3A_353 = arith.cmpi eq, %while3A_170, %min3A_344 : vector<1x512xi32>
      %jit3A_354 = arith.constant 3.000000e+38 : f32
      %broadcast_in_dim3A_355 = vector.broadcast %jit3A_354 : f32 to vector<1x512xf32>
      %select_n3A_356 = arith.select %eq3A_353, %broadcast_in_dim3A_355, %select_n3A_298 : vector<1x512xi1>, vector<1x512xf32>
      %eq3A_357 = arith.cmpi eq, %add3A_216, %min3A_344 : vector<1x512xi32>
      %jit3A_358 = arith.constant 3.000000e+38 : f32
      %broadcast_in_dim3A_359 = vector.broadcast %jit3A_358 : f32 to vector<1x512xf32>
      %select_n3A_360 = arith.select %eq3A_357, %broadcast_in_dim3A_359, %select_n3A_302 : vector<1x512xi1>, vector<1x512xf32>
      %eq3A_361 = arith.cmpi eq, %add3A_234, %min3A_344 : vector<1x512xi32>
      %jit3A_362 = arith.constant 3.000000e+38 : f32
      %broadcast_in_dim3A_363 = vector.broadcast %jit3A_362 : f32 to vector<1x512xf32>
      %select_n3A_364 = arith.select %eq3A_361, %broadcast_in_dim3A_363, %select_n3A_306 : vector<1x512xi1>, vector<1x512xf32>
      %eq3A_365 = arith.cmpi eq, %add3A_252, %min3A_344 : vector<1x512xi32>
      %jit3A_366 = arith.constant 3.000000e+38 : f32
      %broadcast_in_dim3A_367 = vector.broadcast %jit3A_366 : f32 to vector<1x512xf32>
      %select_n3A_368 = arith.select %eq3A_365, %broadcast_in_dim3A_367, %select_n3A_310 : vector<1x512xi1>, vector<1x512xf32>
      %min3A_369 = arith.minimumf %select_n3A_348, %select_n3A_352 : vector<1x512xf32>
      %min3A_370 = arith.minimumf %min3A_369, %select_n3A_356 : vector<1x512xf32>
      %min3A_371 = arith.minimumf %min3A_370, %select_n3A_360 : vector<1x512xf32>
      %min3A_372 = arith.minimumf %min3A_371, %select_n3A_364 : vector<1x512xf32>
      %min3A_373 = arith.minimumf %min3A_372, %select_n3A_368 : vector<1x512xf32>
      %eq3A_374 = arith.cmpf oeq, %select_n3A_348, %min3A_373 : vector<1x512xf32>
      %jit3A_375 = arith.constant 1073741824 : i32
      %broadcast_in_dim3A_376 = vector.broadcast %jit3A_375 : i32 to vector<1x512xi32>
      %select_n3A_377 = arith.select %eq3A_374, %while3A_168, %broadcast_in_dim3A_376 : vector<1x512xi1>, vector<1x512xi32>
      %eq3A_378 = arith.cmpf oeq, %select_n3A_352, %min3A_373 : vector<1x512xf32>
      %jit3A_379 = arith.constant 1073741824 : i32
      %broadcast_in_dim3A_380 = vector.broadcast %jit3A_379 : i32 to vector<1x512xi32>
      %select_n3A_381 = arith.select %eq3A_378, %while3A_169, %broadcast_in_dim3A_380 : vector<1x512xi1>, vector<1x512xi32>
      %eq3A_382 = arith.cmpf oeq, %select_n3A_356, %min3A_373 : vector<1x512xf32>
      %jit3A_383 = arith.constant 1073741824 : i32
      %broadcast_in_dim3A_384 = vector.broadcast %jit3A_383 : i32 to vector<1x512xi32>
      %select_n3A_385 = arith.select %eq3A_382, %while3A_170, %broadcast_in_dim3A_384 : vector<1x512xi1>, vector<1x512xi32>
      %eq3A_386 = arith.cmpf oeq, %select_n3A_360, %min3A_373 : vector<1x512xf32>
      %jit3A_387 = arith.constant 1073741824 : i32
      %broadcast_in_dim3A_388 = vector.broadcast %jit3A_387 : i32 to vector<1x512xi32>
      %select_n3A_389 = arith.select %eq3A_386, %add3A_216, %broadcast_in_dim3A_388 : vector<1x512xi1>, vector<1x512xi32>
      %eq3A_390 = arith.cmpf oeq, %select_n3A_364, %min3A_373 : vector<1x512xf32>
      %jit3A_391 = arith.constant 1073741824 : i32
      %broadcast_in_dim3A_392 = vector.broadcast %jit3A_391 : i32 to vector<1x512xi32>
      %select_n3A_393 = arith.select %eq3A_390, %add3A_234, %broadcast_in_dim3A_392 : vector<1x512xi1>, vector<1x512xi32>
      %eq3A_394 = arith.cmpf oeq, %select_n3A_368, %min3A_373 : vector<1x512xf32>
      %jit3A_395 = arith.constant 1073741824 : i32
      %broadcast_in_dim3A_396 = vector.broadcast %jit3A_395 : i32 to vector<1x512xi32>
      %select_n3A_397 = arith.select %eq3A_394, %add3A_252, %broadcast_in_dim3A_396 : vector<1x512xi1>, vector<1x512xi32>
      %min3A_398 = arith.minsi %select_n3A_377, %select_n3A_381 : vector<1x512xi32>
      %min3A_399 = arith.minsi %min3A_398, %select_n3A_385 : vector<1x512xi32>
      %min3A_400 = arith.minsi %min3A_399, %select_n3A_389 : vector<1x512xi32>
      %min3A_401 = arith.minsi %min3A_400, %select_n3A_393 : vector<1x512xi32>
      %min3A_402 = arith.minsi %min3A_401, %select_n3A_397 : vector<1x512xi32>
      %eq3A_403 = arith.cmpi eq, %while3A_168, %min3A_402 : vector<1x512xi32>
      %jit3A_404 = arith.constant 3.000000e+38 : f32
      %broadcast_in_dim3A_405 = vector.broadcast %jit3A_404 : f32 to vector<1x512xf32>
      %select_n3A_406 = arith.select %eq3A_403, %broadcast_in_dim3A_405, %select_n3A_348 : vector<1x512xi1>, vector<1x512xf32>
      %eq3A_407 = arith.cmpi eq, %while3A_169, %min3A_402 : vector<1x512xi32>
      %jit3A_408 = arith.constant 3.000000e+38 : f32
      %broadcast_in_dim3A_409 = vector.broadcast %jit3A_408 : f32 to vector<1x512xf32>
      %select_n3A_410 = arith.select %eq3A_407, %broadcast_in_dim3A_409, %select_n3A_352 : vector<1x512xi1>, vector<1x512xf32>
      %eq3A_411 = arith.cmpi eq, %while3A_170, %min3A_402 : vector<1x512xi32>
      %jit3A_412 = arith.constant 3.000000e+38 : f32
      %broadcast_in_dim3A_413 = vector.broadcast %jit3A_412 : f32 to vector<1x512xf32>
      %select_n3A_414 = arith.select %eq3A_411, %broadcast_in_dim3A_413, %select_n3A_356 : vector<1x512xi1>, vector<1x512xf32>
      %eq3A_415 = arith.cmpi eq, %add3A_216, %min3A_402 : vector<1x512xi32>
      %jit3A_416 = arith.constant 3.000000e+38 : f32
      %broadcast_in_dim3A_417 = vector.broadcast %jit3A_416 : f32 to vector<1x512xf32>
      %select_n3A_418 = arith.select %eq3A_415, %broadcast_in_dim3A_417, %select_n3A_360 : vector<1x512xi1>, vector<1x512xf32>
      %eq3A_419 = arith.cmpi eq, %add3A_234, %min3A_402 : vector<1x512xi32>
      %jit3A_420 = arith.constant 3.000000e+38 : f32
      %broadcast_in_dim3A_421 = vector.broadcast %jit3A_420 : f32 to vector<1x512xf32>
      %select_n3A_422 = arith.select %eq3A_419, %broadcast_in_dim3A_421, %select_n3A_364 : vector<1x512xi1>, vector<1x512xf32>
      %eq3A_423 = arith.cmpi eq, %add3A_252, %min3A_402 : vector<1x512xi32>
      %jit3A_424 = arith.constant 3.000000e+38 : f32
      %broadcast_in_dim3A_425 = vector.broadcast %jit3A_424 : f32 to vector<1x512xf32>
      %select_n3A_426 = arith.select %eq3A_423, %broadcast_in_dim3A_425, %select_n3A_368 : vector<1x512xi1>, vector<1x512xf32>
      scf.yield %min3A_257, %min3A_315, %min3A_373, %min3A_286, %min3A_344, %min3A_402 : vector<1x512xf32>, vector<1x512xf32>, vector<1x512xf32>, vector<1x512xi32>, vector<1x512xi32>, vector<1x512xi32>
    }
    %while3A_100 = arith.constant 1 : i32
    %while3A_101:6 = scf.for %while3A_164 = %while3A_97 to %while3A_93 step %while3A_100 iter_args(%while3A_165 = %while3A_99#0, %while3A_166 = %while3A_99#1, %while3A_167 = %while3A_99#2, %while3A_168 = %while3A_99#3, %while3A_169 = %while3A_99#4, %while3A_170 = %while3A_99#5) -> (vector<1x512xf32>, vector<1x512xf32>, vector<1x512xf32>, vector<1x512xi32>, vector<1x512xi32>, vector<1x512xi32>)  : i32 {
      %mul3A_171 = arith.constant 128 : i32
      %mul3A_172 = arith.muli %while3A_164, %mul3A_171 : i32
      %add3A_173 = arith.addi %mul3A_51, %mul3A_172 : i32
      %get3A_174 = arith.index_cast %add3A_173 : i32 to index
      %get3A_175 = arith.constant 0 : index
      %get3A_176 = vector.load %arg7[%get3A_174, %get3A_175] : memref<4224x1xf32, #tpu.memory_space<vmem>>, vector<128x1xf32>
      %sub3A_177 = vector.broadcast %get3A_176 : vector<128x1xf32> to vector<128x512xf32>
      %sub3A_178 = vector.broadcast %get3A_10 : vector<1x512xf32> to vector<128x512xf32>
      %sub3A_179 = arith.subf %sub3A_177, %sub3A_178 : vector<128x512xf32>
      %get3A_180 = arith.index_cast %add3A_173 : i32 to index
      %get3A_181 = arith.constant 0 : index
      %get3A_182 = vector.load %arg8[%get3A_180, %get3A_181] : memref<4224x1xf32, #tpu.memory_space<vmem>>, vector<128x1xf32>
      %sub3A_183 = vector.broadcast %get3A_182 : vector<128x1xf32> to vector<128x512xf32>
      %sub3A_184 = vector.broadcast %get3A_13 : vector<1x512xf32> to vector<128x512xf32>
      %sub3A_185 = arith.subf %sub3A_183, %sub3A_184 : vector<128x512xf32>
      %get3A_186 = arith.index_cast %add3A_173 : i32 to index
      %get3A_187 = arith.constant 0 : index
      %get3A_188 = vector.load %arg9[%get3A_186, %get3A_187] : memref<4224x1xf32, #tpu.memory_space<vmem>>, vector<128x1xf32>
      %sub3A_189 = vector.broadcast %get3A_188 : vector<128x1xf32> to vector<128x512xf32>
      %sub3A_190 = vector.broadcast %get3A_16 : vector<1x512xf32> to vector<128x512xf32>
      %sub3A_191 = arith.subf %sub3A_189, %sub3A_190 : vector<128x512xf32>
      %mul3A_192 = arith.mulf %sub3A_179, %sub3A_179 : vector<128x512xf32>
      %mul3A_193 = arith.mulf %sub3A_185, %sub3A_185 : vector<128x512xf32>
      %add3A_194 = arith.addf %mul3A_192, %mul3A_193 : vector<128x512xf32>
      %mul3A_195 = arith.mulf %sub3A_191, %sub3A_191 : vector<128x512xf32>
      %add3A_196 = arith.addf %add3A_194, %mul3A_195 : vector<128x512xf32>
      %get3A_197 = arith.index_cast %add3A_173 : i32 to index
      %get3A_198 = arith.constant 0 : index
      %get3A_199 = vector.load %arg10[%get3A_197, %get3A_198] : memref<4224x1xi32, #tpu.memory_space<vmem>>, vector<128x1xi32>
      %ne3A_200 = vector.broadcast %get3A_199 : vector<128x1xi32> to vector<128x512xi32>
      %ne3A_201 = vector.broadcast %get3A_19 : vector<1x512xi32> to vector<128x512xi32>
      %ne3A_202 = arith.cmpi ne, %ne3A_200, %ne3A_201 : vector<128x512xi32>
      %jit3A_203 = arith.constant 1.000000e+10 : f32
      %broadcast_in_dim3A_204 = vector.broadcast %jit3A_203 : f32 to vector<128x512xf32>
      %select_n3A_205 = arith.select %ne3A_202, %broadcast_in_dim3A_204, %add3A_196 : vector<128x512xi1>, vector<128x512xf32>
      %iota3A = tpu.iota {dimensions = array<i32: 0>} : vector<128x512xi32>
      %reduce_min3A = arith.constant dense<0x7F800000> : vector<512xf32>
      %reduce_min3A_206 = vector.multi_reduction <minimumf>, %select_n3A_205, %reduce_min3A [0] : vector<128x512xf32> to vector<512xf32>
      %broadcast_in_dim3A_207 = vector.shape_cast %reduce_min3A_206 : vector<512xf32> to vector<1x512xf32>
      %eq3A = vector.broadcast %broadcast_in_dim3A_207 : vector<1x512xf32> to vector<128x512xf32>
      %eq3A_208 = arith.cmpf oeq, %select_n3A_205, %eq3A : vector<128x512xf32>
      %jit3A_209 = arith.constant 1073741824 : i32
      %broadcast_in_dim3A_210 = vector.broadcast %jit3A_209 : i32 to vector<128x512xi32>
      %select_n3A_211 = arith.select %eq3A_208, %iota3A, %broadcast_in_dim3A_210 : vector<128x512xi1>, vector<128x512xi32>
      %reduce_min3A_212 = arith.constant dense<2147483647> : vector<512xi32>
      %reduce_min3A_213 = vector.multi_reduction <minsi>, %select_n3A_211, %reduce_min3A_212 [0] : vector<128x512xi32> to vector<512xi32>
      %broadcast_in_dim3A_214 = vector.shape_cast %reduce_min3A_213 : vector<512xi32> to vector<1x512xi32>
      %add3A_215 = vector.broadcast %add3A_173 : i32 to vector<1x512xi32>
      %add3A_216 = arith.addi %broadcast_in_dim3A_214, %add3A_215 : vector<1x512xi32>
      %eq3A_217 = vector.broadcast %broadcast_in_dim3A_214 : vector<1x512xi32> to vector<128x512xi32>
      %eq3A_218 = arith.cmpi eq, %iota3A, %eq3A_217 : vector<128x512xi32>
      %jit3A_219 = arith.constant 3.000000e+38 : f32
      %broadcast_in_dim3A_220 = vector.broadcast %jit3A_219 : f32 to vector<128x512xf32>
      %select_n3A_221 = arith.select %eq3A_218, %broadcast_in_dim3A_220, %select_n3A_205 : vector<128x512xi1>, vector<128x512xf32>
      %reduce_min3A_222 = arith.constant dense<0x7F800000> : vector<512xf32>
      %reduce_min3A_223 = vector.multi_reduction <minimumf>, %select_n3A_221, %reduce_min3A_222 [0] : vector<128x512xf32> to vector<512xf32>
      %broadcast_in_dim3A_224 = vector.shape_cast %reduce_min3A_223 : vector<512xf32> to vector<1x512xf32>
      %eq3A_225 = vector.broadcast %broadcast_in_dim3A_224 : vector<1x512xf32> to vector<128x512xf32>
      %eq3A_226 = arith.cmpf oeq, %select_n3A_221, %eq3A_225 : vector<128x512xf32>
      %jit3A_227 = arith.constant 1073741824 : i32
      %broadcast_in_dim3A_228 = vector.broadcast %jit3A_227 : i32 to vector<128x512xi32>
      %select_n3A_229 = arith.select %eq3A_226, %iota3A, %broadcast_in_dim3A_228 : vector<128x512xi1>, vector<128x512xi32>
      %reduce_min3A_230 = arith.constant dense<2147483647> : vector<512xi32>
      %reduce_min3A_231 = vector.multi_reduction <minsi>, %select_n3A_229, %reduce_min3A_230 [0] : vector<128x512xi32> to vector<512xi32>
      %broadcast_in_dim3A_232 = vector.shape_cast %reduce_min3A_231 : vector<512xi32> to vector<1x512xi32>
      %add3A_233 = vector.broadcast %add3A_173 : i32 to vector<1x512xi32>
      %add3A_234 = arith.addi %broadcast_in_dim3A_232, %add3A_233 : vector<1x512xi32>
      %eq3A_235 = vector.broadcast %broadcast_in_dim3A_232 : vector<1x512xi32> to vector<128x512xi32>
      %eq3A_236 = arith.cmpi eq, %iota3A, %eq3A_235 : vector<128x512xi32>
      %jit3A_237 = arith.constant 3.000000e+38 : f32
      %broadcast_in_dim3A_238 = vector.broadcast %jit3A_237 : f32 to vector<128x512xf32>
      %select_n3A_239 = arith.select %eq3A_236, %broadcast_in_dim3A_238, %select_n3A_221 : vector<128x512xi1>, vector<128x512xf32>
      %reduce_min3A_240 = arith.constant dense<0x7F800000> : vector<512xf32>
      %reduce_min3A_241 = vector.multi_reduction <minimumf>, %select_n3A_239, %reduce_min3A_240 [0] : vector<128x512xf32> to vector<512xf32>
      %broadcast_in_dim3A_242 = vector.shape_cast %reduce_min3A_241 : vector<512xf32> to vector<1x512xf32>
      %eq3A_243 = vector.broadcast %broadcast_in_dim3A_242 : vector<1x512xf32> to vector<128x512xf32>
      %eq3A_244 = arith.cmpf oeq, %select_n3A_239, %eq3A_243 : vector<128x512xf32>
      %jit3A_245 = arith.constant 1073741824 : i32
      %broadcast_in_dim3A_246 = vector.broadcast %jit3A_245 : i32 to vector<128x512xi32>
      %select_n3A_247 = arith.select %eq3A_244, %iota3A, %broadcast_in_dim3A_246 : vector<128x512xi1>, vector<128x512xi32>
      %reduce_min3A_248 = arith.constant dense<2147483647> : vector<512xi32>
      %reduce_min3A_249 = vector.multi_reduction <minsi>, %select_n3A_247, %reduce_min3A_248 [0] : vector<128x512xi32> to vector<512xi32>
      %broadcast_in_dim3A_250 = vector.shape_cast %reduce_min3A_249 : vector<512xi32> to vector<1x512xi32>
      %add3A_251 = vector.broadcast %add3A_173 : i32 to vector<1x512xi32>
      %add3A_252 = arith.addi %broadcast_in_dim3A_250, %add3A_251 : vector<1x512xi32>
      %min3A_253 = arith.minimumf %while3A_165, %while3A_166 : vector<1x512xf32>
      %min3A_254 = arith.minimumf %min3A_253, %while3A_167 : vector<1x512xf32>
      %min3A_255 = arith.minimumf %min3A_254, %broadcast_in_dim3A_207 : vector<1x512xf32>
      %min3A_256 = arith.minimumf %min3A_255, %broadcast_in_dim3A_224 : vector<1x512xf32>
      %min3A_257 = arith.minimumf %min3A_256, %broadcast_in_dim3A_242 : vector<1x512xf32>
      %eq3A_258 = arith.cmpf oeq, %while3A_165, %min3A_257 : vector<1x512xf32>
      %jit3A_259 = arith.constant 1073741824 : i32
      %broadcast_in_dim3A_260 = vector.broadcast %jit3A_259 : i32 to vector<1x512xi32>
      %select_n3A_261 = arith.select %eq3A_258, %while3A_168, %broadcast_in_dim3A_260 : vector<1x512xi1>, vector<1x512xi32>
      %eq3A_262 = arith.cmpf oeq, %while3A_166, %min3A_257 : vector<1x512xf32>
      %jit3A_263 = arith.constant 1073741824 : i32
      %broadcast_in_dim3A_264 = vector.broadcast %jit3A_263 : i32 to vector<1x512xi32>
      %select_n3A_265 = arith.select %eq3A_262, %while3A_169, %broadcast_in_dim3A_264 : vector<1x512xi1>, vector<1x512xi32>
      %eq3A_266 = arith.cmpf oeq, %while3A_167, %min3A_257 : vector<1x512xf32>
      %jit3A_267 = arith.constant 1073741824 : i32
      %broadcast_in_dim3A_268 = vector.broadcast %jit3A_267 : i32 to vector<1x512xi32>
      %select_n3A_269 = arith.select %eq3A_266, %while3A_170, %broadcast_in_dim3A_268 : vector<1x512xi1>, vector<1x512xi32>
      %eq3A_270 = arith.cmpf oeq, %broadcast_in_dim3A_207, %min3A_257 : vector<1x512xf32>
      %jit3A_271 = arith.constant 1073741824 : i32
      %broadcast_in_dim3A_272 = vector.broadcast %jit3A_271 : i32 to vector<1x512xi32>
      %select_n3A_273 = arith.select %eq3A_270, %add3A_216, %broadcast_in_dim3A_272 : vector<1x512xi1>, vector<1x512xi32>
      %eq3A_274 = arith.cmpf oeq, %broadcast_in_dim3A_224, %min3A_257 : vector<1x512xf32>
      %jit3A_275 = arith.constant 1073741824 : i32
      %broadcast_in_dim3A_276 = vector.broadcast %jit3A_275 : i32 to vector<1x512xi32>
      %select_n3A_277 = arith.select %eq3A_274, %add3A_234, %broadcast_in_dim3A_276 : vector<1x512xi1>, vector<1x512xi32>
      %eq3A_278 = arith.cmpf oeq, %broadcast_in_dim3A_242, %min3A_257 : vector<1x512xf32>
      %jit3A_279 = arith.constant 1073741824 : i32
      %broadcast_in_dim3A_280 = vector.broadcast %jit3A_279 : i32 to vector<1x512xi32>
      %select_n3A_281 = arith.select %eq3A_278, %add3A_252, %broadcast_in_dim3A_280 : vector<1x512xi1>, vector<1x512xi32>
      %min3A_282 = arith.minsi %select_n3A_261, %select_n3A_265 : vector<1x512xi32>
      %min3A_283 = arith.minsi %min3A_282, %select_n3A_269 : vector<1x512xi32>
      %min3A_284 = arith.minsi %min3A_283, %select_n3A_273 : vector<1x512xi32>
      %min3A_285 = arith.minsi %min3A_284, %select_n3A_277 : vector<1x512xi32>
      %min3A_286 = arith.minsi %min3A_285, %select_n3A_281 : vector<1x512xi32>
      %eq3A_287 = arith.cmpi eq, %while3A_168, %min3A_286 : vector<1x512xi32>
      %jit3A_288 = arith.constant 3.000000e+38 : f32
      %broadcast_in_dim3A_289 = vector.broadcast %jit3A_288 : f32 to vector<1x512xf32>
      %select_n3A_290 = arith.select %eq3A_287, %broadcast_in_dim3A_289, %while3A_165 : vector<1x512xi1>, vector<1x512xf32>
      %eq3A_291 = arith.cmpi eq, %while3A_169, %min3A_286 : vector<1x512xi32>
      %jit3A_292 = arith.constant 3.000000e+38 : f32
      %broadcast_in_dim3A_293 = vector.broadcast %jit3A_292 : f32 to vector<1x512xf32>
      %select_n3A_294 = arith.select %eq3A_291, %broadcast_in_dim3A_293, %while3A_166 : vector<1x512xi1>, vector<1x512xf32>
      %eq3A_295 = arith.cmpi eq, %while3A_170, %min3A_286 : vector<1x512xi32>
      %jit3A_296 = arith.constant 3.000000e+38 : f32
      %broadcast_in_dim3A_297 = vector.broadcast %jit3A_296 : f32 to vector<1x512xf32>
      %select_n3A_298 = arith.select %eq3A_295, %broadcast_in_dim3A_297, %while3A_167 : vector<1x512xi1>, vector<1x512xf32>
      %eq3A_299 = arith.cmpi eq, %add3A_216, %min3A_286 : vector<1x512xi32>
      %jit3A_300 = arith.constant 3.000000e+38 : f32
      %broadcast_in_dim3A_301 = vector.broadcast %jit3A_300 : f32 to vector<1x512xf32>
      %select_n3A_302 = arith.select %eq3A_299, %broadcast_in_dim3A_301, %broadcast_in_dim3A_207 : vector<1x512xi1>, vector<1x512xf32>
      %eq3A_303 = arith.cmpi eq, %add3A_234, %min3A_286 : vector<1x512xi32>
      %jit3A_304 = arith.constant 3.000000e+38 : f32
      %broadcast_in_dim3A_305 = vector.broadcast %jit3A_304 : f32 to vector<1x512xf32>
      %select_n3A_306 = arith.select %eq3A_303, %broadcast_in_dim3A_305, %broadcast_in_dim3A_224 : vector<1x512xi1>, vector<1x512xf32>
      %eq3A_307 = arith.cmpi eq, %add3A_252, %min3A_286 : vector<1x512xi32>
      %jit3A_308 = arith.constant 3.000000e+38 : f32
      %broadcast_in_dim3A_309 = vector.broadcast %jit3A_308 : f32 to vector<1x512xf32>
      %select_n3A_310 = arith.select %eq3A_307, %broadcast_in_dim3A_309, %broadcast_in_dim3A_242 : vector<1x512xi1>, vector<1x512xf32>
      %min3A_311 = arith.minimumf %select_n3A_290, %select_n3A_294 : vector<1x512xf32>
      %min3A_312 = arith.minimumf %min3A_311, %select_n3A_298 : vector<1x512xf32>
      %min3A_313 = arith.minimumf %min3A_312, %select_n3A_302 : vector<1x512xf32>
      %min3A_314 = arith.minimumf %min3A_313, %select_n3A_306 : vector<1x512xf32>
      %min3A_315 = arith.minimumf %min3A_314, %select_n3A_310 : vector<1x512xf32>
      %eq3A_316 = arith.cmpf oeq, %select_n3A_290, %min3A_315 : vector<1x512xf32>
      %jit3A_317 = arith.constant 1073741824 : i32
      %broadcast_in_dim3A_318 = vector.broadcast %jit3A_317 : i32 to vector<1x512xi32>
      %select_n3A_319 = arith.select %eq3A_316, %while3A_168, %broadcast_in_dim3A_318 : vector<1x512xi1>, vector<1x512xi32>
      %eq3A_320 = arith.cmpf oeq, %select_n3A_294, %min3A_315 : vector<1x512xf32>
      %jit3A_321 = arith.constant 1073741824 : i32
      %broadcast_in_dim3A_322 = vector.broadcast %jit3A_321 : i32 to vector<1x512xi32>
      %select_n3A_323 = arith.select %eq3A_320, %while3A_169, %broadcast_in_dim3A_322 : vector<1x512xi1>, vector<1x512xi32>
      %eq3A_324 = arith.cmpf oeq, %select_n3A_298, %min3A_315 : vector<1x512xf32>
      %jit3A_325 = arith.constant 1073741824 : i32
      %broadcast_in_dim3A_326 = vector.broadcast %jit3A_325 : i32 to vector<1x512xi32>
      %select_n3A_327 = arith.select %eq3A_324, %while3A_170, %broadcast_in_dim3A_326 : vector<1x512xi1>, vector<1x512xi32>
      %eq3A_328 = arith.cmpf oeq, %select_n3A_302, %min3A_315 : vector<1x512xf32>
      %jit3A_329 = arith.constant 1073741824 : i32
      %broadcast_in_dim3A_330 = vector.broadcast %jit3A_329 : i32 to vector<1x512xi32>
      %select_n3A_331 = arith.select %eq3A_328, %add3A_216, %broadcast_in_dim3A_330 : vector<1x512xi1>, vector<1x512xi32>
      %eq3A_332 = arith.cmpf oeq, %select_n3A_306, %min3A_315 : vector<1x512xf32>
      %jit3A_333 = arith.constant 1073741824 : i32
      %broadcast_in_dim3A_334 = vector.broadcast %jit3A_333 : i32 to vector<1x512xi32>
      %select_n3A_335 = arith.select %eq3A_332, %add3A_234, %broadcast_in_dim3A_334 : vector<1x512xi1>, vector<1x512xi32>
      %eq3A_336 = arith.cmpf oeq, %select_n3A_310, %min3A_315 : vector<1x512xf32>
      %jit3A_337 = arith.constant 1073741824 : i32
      %broadcast_in_dim3A_338 = vector.broadcast %jit3A_337 : i32 to vector<1x512xi32>
      %select_n3A_339 = arith.select %eq3A_336, %add3A_252, %broadcast_in_dim3A_338 : vector<1x512xi1>, vector<1x512xi32>
      %min3A_340 = arith.minsi %select_n3A_319, %select_n3A_323 : vector<1x512xi32>
      %min3A_341 = arith.minsi %min3A_340, %select_n3A_327 : vector<1x512xi32>
      %min3A_342 = arith.minsi %min3A_341, %select_n3A_331 : vector<1x512xi32>
      %min3A_343 = arith.minsi %min3A_342, %select_n3A_335 : vector<1x512xi32>
      %min3A_344 = arith.minsi %min3A_343, %select_n3A_339 : vector<1x512xi32>
      %eq3A_345 = arith.cmpi eq, %while3A_168, %min3A_344 : vector<1x512xi32>
      %jit3A_346 = arith.constant 3.000000e+38 : f32
      %broadcast_in_dim3A_347 = vector.broadcast %jit3A_346 : f32 to vector<1x512xf32>
      %select_n3A_348 = arith.select %eq3A_345, %broadcast_in_dim3A_347, %select_n3A_290 : vector<1x512xi1>, vector<1x512xf32>
      %eq3A_349 = arith.cmpi eq, %while3A_169, %min3A_344 : vector<1x512xi32>
      %jit3A_350 = arith.constant 3.000000e+38 : f32
      %broadcast_in_dim3A_351 = vector.broadcast %jit3A_350 : f32 to vector<1x512xf32>
      %select_n3A_352 = arith.select %eq3A_349, %broadcast_in_dim3A_351, %select_n3A_294 : vector<1x512xi1>, vector<1x512xf32>
      %eq3A_353 = arith.cmpi eq, %while3A_170, %min3A_344 : vector<1x512xi32>
      %jit3A_354 = arith.constant 3.000000e+38 : f32
      %broadcast_in_dim3A_355 = vector.broadcast %jit3A_354 : f32 to vector<1x512xf32>
      %select_n3A_356 = arith.select %eq3A_353, %broadcast_in_dim3A_355, %select_n3A_298 : vector<1x512xi1>, vector<1x512xf32>
      %eq3A_357 = arith.cmpi eq, %add3A_216, %min3A_344 : vector<1x512xi32>
      %jit3A_358 = arith.constant 3.000000e+38 : f32
      %broadcast_in_dim3A_359 = vector.broadcast %jit3A_358 : f32 to vector<1x512xf32>
      %select_n3A_360 = arith.select %eq3A_357, %broadcast_in_dim3A_359, %select_n3A_302 : vector<1x512xi1>, vector<1x512xf32>
      %eq3A_361 = arith.cmpi eq, %add3A_234, %min3A_344 : vector<1x512xi32>
      %jit3A_362 = arith.constant 3.000000e+38 : f32
      %broadcast_in_dim3A_363 = vector.broadcast %jit3A_362 : f32 to vector<1x512xf32>
      %select_n3A_364 = arith.select %eq3A_361, %broadcast_in_dim3A_363, %select_n3A_306 : vector<1x512xi1>, vector<1x512xf32>
      %eq3A_365 = arith.cmpi eq, %add3A_252, %min3A_344 : vector<1x512xi32>
      %jit3A_366 = arith.constant 3.000000e+38 : f32
      %broadcast_in_dim3A_367 = vector.broadcast %jit3A_366 : f32 to vector<1x512xf32>
      %select_n3A_368 = arith.select %eq3A_365, %broadcast_in_dim3A_367, %select_n3A_310 : vector<1x512xi1>, vector<1x512xf32>
      %min3A_369 = arith.minimumf %select_n3A_348, %select_n3A_352 : vector<1x512xf32>
      %min3A_370 = arith.minimumf %min3A_369, %select_n3A_356 : vector<1x512xf32>
      %min3A_371 = arith.minimumf %min3A_370, %select_n3A_360 : vector<1x512xf32>
      %min3A_372 = arith.minimumf %min3A_371, %select_n3A_364 : vector<1x512xf32>
      %min3A_373 = arith.minimumf %min3A_372, %select_n3A_368 : vector<1x512xf32>
      %eq3A_374 = arith.cmpf oeq, %select_n3A_348, %min3A_373 : vector<1x512xf32>
      %jit3A_375 = arith.constant 1073741824 : i32
      %broadcast_in_dim3A_376 = vector.broadcast %jit3A_375 : i32 to vector<1x512xi32>
      %select_n3A_377 = arith.select %eq3A_374, %while3A_168, %broadcast_in_dim3A_376 : vector<1x512xi1>, vector<1x512xi32>
      %eq3A_378 = arith.cmpf oeq, %select_n3A_352, %min3A_373 : vector<1x512xf32>
      %jit3A_379 = arith.constant 1073741824 : i32
      %broadcast_in_dim3A_380 = vector.broadcast %jit3A_379 : i32 to vector<1x512xi32>
      %select_n3A_381 = arith.select %eq3A_378, %while3A_169, %broadcast_in_dim3A_380 : vector<1x512xi1>, vector<1x512xi32>
      %eq3A_382 = arith.cmpf oeq, %select_n3A_356, %min3A_373 : vector<1x512xf32>
      %jit3A_383 = arith.constant 1073741824 : i32
      %broadcast_in_dim3A_384 = vector.broadcast %jit3A_383 : i32 to vector<1x512xi32>
      %select_n3A_385 = arith.select %eq3A_382, %while3A_170, %broadcast_in_dim3A_384 : vector<1x512xi1>, vector<1x512xi32>
      %eq3A_386 = arith.cmpf oeq, %select_n3A_360, %min3A_373 : vector<1x512xf32>
      %jit3A_387 = arith.constant 1073741824 : i32
      %broadcast_in_dim3A_388 = vector.broadcast %jit3A_387 : i32 to vector<1x512xi32>
      %select_n3A_389 = arith.select %eq3A_386, %add3A_216, %broadcast_in_dim3A_388 : vector<1x512xi1>, vector<1x512xi32>
      %eq3A_390 = arith.cmpf oeq, %select_n3A_364, %min3A_373 : vector<1x512xf32>
      %jit3A_391 = arith.constant 1073741824 : i32
      %broadcast_in_dim3A_392 = vector.broadcast %jit3A_391 : i32 to vector<1x512xi32>
      %select_n3A_393 = arith.select %eq3A_390, %add3A_234, %broadcast_in_dim3A_392 : vector<1x512xi1>, vector<1x512xi32>
      %eq3A_394 = arith.cmpf oeq, %select_n3A_368, %min3A_373 : vector<1x512xf32>
      %jit3A_395 = arith.constant 1073741824 : i32
      %broadcast_in_dim3A_396 = vector.broadcast %jit3A_395 : i32 to vector<1x512xi32>
      %select_n3A_397 = arith.select %eq3A_394, %add3A_252, %broadcast_in_dim3A_396 : vector<1x512xi1>, vector<1x512xi32>
      %min3A_398 = arith.minsi %select_n3A_377, %select_n3A_381 : vector<1x512xi32>
      %min3A_399 = arith.minsi %min3A_398, %select_n3A_385 : vector<1x512xi32>
      %min3A_400 = arith.minsi %min3A_399, %select_n3A_389 : vector<1x512xi32>
      %min3A_401 = arith.minsi %min3A_400, %select_n3A_393 : vector<1x512xi32>
      %min3A_402 = arith.minsi %min3A_401, %select_n3A_397 : vector<1x512xi32>
      %eq3A_403 = arith.cmpi eq, %while3A_168, %min3A_402 : vector<1x512xi32>
      %jit3A_404 = arith.constant 3.000000e+38 : f32
      %broadcast_in_dim3A_405 = vector.broadcast %jit3A_404 : f32 to vector<1x512xf32>
      %select_n3A_406 = arith.select %eq3A_403, %broadcast_in_dim3A_405, %select_n3A_348 : vector<1x512xi1>, vector<1x512xf32>
      %eq3A_407 = arith.cmpi eq, %while3A_169, %min3A_402 : vector<1x512xi32>
      %jit3A_408 = arith.constant 3.000000e+38 : f32
      %broadcast_in_dim3A_409 = vector.broadcast %jit3A_408 : f32 to vector<1x512xf32>
      %select_n3A_410 = arith.select %eq3A_407, %broadcast_in_dim3A_409, %select_n3A_352 : vector<1x512xi1>, vector<1x512xf32>
      %eq3A_411 = arith.cmpi eq, %while3A_170, %min3A_402 : vector<1x512xi32>
      %jit3A_412 = arith.constant 3.000000e+38 : f32
      %broadcast_in_dim3A_413 = vector.broadcast %jit3A_412 : f32 to vector<1x512xf32>
      %select_n3A_414 = arith.select %eq3A_411, %broadcast_in_dim3A_413, %select_n3A_356 : vector<1x512xi1>, vector<1x512xf32>
      %eq3A_415 = arith.cmpi eq, %add3A_216, %min3A_402 : vector<1x512xi32>
      %jit3A_416 = arith.constant 3.000000e+38 : f32
      %broadcast_in_dim3A_417 = vector.broadcast %jit3A_416 : f32 to vector<1x512xf32>
      %select_n3A_418 = arith.select %eq3A_415, %broadcast_in_dim3A_417, %select_n3A_360 : vector<1x512xi1>, vector<1x512xf32>
      %eq3A_419 = arith.cmpi eq, %add3A_234, %min3A_402 : vector<1x512xi32>
      %jit3A_420 = arith.constant 3.000000e+38 : f32
      %broadcast_in_dim3A_421 = vector.broadcast %jit3A_420 : f32 to vector<1x512xf32>
      %select_n3A_422 = arith.select %eq3A_419, %broadcast_in_dim3A_421, %select_n3A_364 : vector<1x512xi1>, vector<1x512xf32>
      %eq3A_423 = arith.cmpi eq, %add3A_252, %min3A_402 : vector<1x512xi32>
      %jit3A_424 = arith.constant 3.000000e+38 : f32
      %broadcast_in_dim3A_425 = vector.broadcast %jit3A_424 : f32 to vector<1x512xf32>
      %select_n3A_426 = arith.select %eq3A_423, %broadcast_in_dim3A_425, %select_n3A_368 : vector<1x512xi1>, vector<1x512xf32>
      scf.yield %min3A_257, %min3A_315, %min3A_373, %min3A_286, %min3A_344, %min3A_402 : vector<1x512xf32>, vector<1x512xf32>, vector<1x512xf32>, vector<1x512xi32>, vector<1x512xi32>, vector<1x512xi32>
    }
    %ge3A = arith.constant 1.000000e+10 : f32
    %ge3A_102 = vector.broadcast %ge3A : f32 to vector<1x512xf32>
    %ge3A_103 = arith.cmpf oge, %while3A_101#0, %ge3A_102 : vector<1x512xf32>
    %jit3A_104 = arith.constant 1.000000e+10 : f32
    %broadcast_in_dim3A_105 = vector.broadcast %jit3A_104 : f32 to vector<1x512xf32>
    %select_n3A_106 = arith.select %ge3A_103, %broadcast_in_dim3A_105, %while3A_101#0 : vector<1x512xi1>, vector<1x512xf32>
    %jit3A_107 = arith.constant 1.000000e+10 : f32
    %broadcast_in_dim3A_108 = vector.broadcast %jit3A_107 : f32 to vector<1x512xf32>
    %select_n3A_109 = arith.select %ge3A_103, %broadcast_in_dim3A_108, %while3A_101#1 : vector<1x512xi1>, vector<1x512xf32>
    %jit3A_110 = arith.constant 1.000000e+10 : f32
    %broadcast_in_dim3A_111 = vector.broadcast %jit3A_110 : f32 to vector<1x512xf32>
    %select_n3A_112 = arith.select %ge3A_103, %broadcast_in_dim3A_111, %while3A_101#2 : vector<1x512xi1>, vector<1x512xf32>
    %jit3A_113 = arith.constant 0 : i32
    %broadcast_in_dim3A_114 = vector.broadcast %jit3A_113 : i32 to vector<1x512xi32>
    %select_n3A_115 = arith.select %ge3A_103, %broadcast_in_dim3A_114, %while3A_101#3 : vector<1x512xi1>, vector<1x512xi32>
    %jit3A_116 = arith.constant 1 : i32
    %broadcast_in_dim3A_117 = vector.broadcast %jit3A_116 : i32 to vector<1x512xi32>
    %select_n3A_118 = arith.select %ge3A_103, %broadcast_in_dim3A_117, %while3A_101#4 : vector<1x512xi1>, vector<1x512xi32>
    %jit3A_119 = arith.constant 2 : i32
    %broadcast_in_dim3A_120 = vector.broadcast %jit3A_119 : i32 to vector<1x512xi32>
    %select_n3A_121 = arith.select %ge3A_103, %broadcast_in_dim3A_120, %while3A_101#5 : vector<1x512xi1>, vector<1x512xi32>
    %min3A = arith.constant 4095 : i32
    %min3A_122 = vector.broadcast %min3A : i32 to vector<1x512xi32>
    %min3A_123 = arith.minsi %select_n3A_115, %min3A_122 : vector<1x512xi32>
    %min3A_124 = arith.constant 4095 : i32
    %min3A_125 = vector.broadcast %min3A_124 : i32 to vector<1x512xi32>
    %min3A_126 = arith.minsi %select_n3A_118, %min3A_125 : vector<1x512xi32>
    %min3A_127 = arith.constant 4095 : i32
    %min3A_128 = vector.broadcast %min3A_127 : i32 to vector<1x512xi32>
    %min3A_129 = arith.minsi %select_n3A_121, %min3A_128 : vector<1x512xi32>
    %swap3A = arith.constant 0 : index
    %swap3A_130 = arith.constant 0 : index
    %swap3A_131 = vector.load %arg11[%swap3A, %swap3A_130] : memref<1x512xi32, #tpu.memory_space<vmem>>, vector<1x512xi32>
    tpu.vector_store %arg11[%swap3A, %swap3A_130], %min3A_123 {strides = array<i32>} : memref<1x512xi32, #tpu.memory_space<vmem>>, vector<1x512xi32>,
    %swap3A_132 = arith.constant 0 : index
    %swap3A_133 = arith.constant 0 : index
    %swap3A_134 = vector.load %arg12[%swap3A_132, %swap3A_133] : memref<1x512xi32, #tpu.memory_space<vmem>>, vector<1x512xi32>
    tpu.vector_store %arg12[%swap3A_132, %swap3A_133], %min3A_126 {strides = array<i32>} : memref<1x512xi32, #tpu.memory_space<vmem>>, vector<1x512xi32>,
    %swap3A_135 = arith.constant 0 : index
    %swap3A_136 = arith.constant 0 : index
    %swap3A_137 = vector.load %arg13[%swap3A_135, %swap3A_136] : memref<1x512xi32, #tpu.memory_space<vmem>>, vector<1x512xi32>
    tpu.vector_store %arg13[%swap3A_135, %swap3A_136], %min3A_129 {strides = array<i32>} : memref<1x512xi32, #tpu.memory_space<vmem>>, vector<1x512xi32>,
    %jit3A_138 = arith.constant 1.000000e-16 : f32
    %max3A = vector.broadcast %jit3A_138 : f32 to vector<1x512xf32>
    %max3A_139 = arith.maximumf %max3A, %select_n3A_106 : vector<1x512xf32>
    %div3A_140 = arith.constant 1.000000e+00 : f32
    %div3A_141 = vector.broadcast %div3A_140 : f32 to vector<1x512xf32>
    %div3A_142 = arith.divf %div3A_141, %max3A_139 : vector<1x512xf32>
    %swap3A_143 = arith.constant 0 : index
    %swap3A_144 = arith.constant 0 : index
    %swap3A_145 = vector.load %arg14[%swap3A_143, %swap3A_144] : memref<1x512xf32, #tpu.memory_space<vmem>>, vector<1x512xf32>
    tpu.vector_store %arg14[%swap3A_143, %swap3A_144], %div3A_142 {strides = array<i32>} : memref<1x512xf32, #tpu.memory_space<vmem>>, vector<1x512xf32>,
    %jit3A_146 = arith.constant 1.000000e-16 : f32
    %max3A_147 = vector.broadcast %jit3A_146 : f32 to vector<1x512xf32>
    %max3A_148 = arith.maximumf %max3A_147, %select_n3A_109 : vector<1x512xf32>
    %div3A_149 = arith.constant 1.000000e+00 : f32
    %div3A_150 = vector.broadcast %div3A_149 : f32 to vector<1x512xf32>
    %div3A_151 = arith.divf %div3A_150, %max3A_148 : vector<1x512xf32>
    %swap3A_152 = arith.constant 0 : index
    %swap3A_153 = arith.constant 0 : index
    %swap3A_154 = vector.load %arg15[%swap3A_152, %swap3A_153] : memref<1x512xf32, #tpu.memory_space<vmem>>, vector<1x512xf32>
    tpu.vector_store %arg15[%swap3A_152, %swap3A_153], %div3A_151 {strides = array<i32>} : memref<1x512xf32, #tpu.memory_space<vmem>>, vector<1x512xf32>,
    %jit3A_155 = arith.constant 1.000000e-16 : f32
    %max3A_156 = vector.broadcast %jit3A_155 : f32 to vector<1x512xf32>
    %max3A_157 = arith.maximumf %max3A_156, %select_n3A_112 : vector<1x512xf32>
    %div3A_158 = arith.constant 1.000000e+00 : f32
    %div3A_159 = vector.broadcast %div3A_158 : f32 to vector<1x512xf32>
    %div3A_160 = arith.divf %div3A_159, %max3A_157 : vector<1x512xf32>
    %swap3A_161 = arith.constant 0 : index
    %swap3A_162 = arith.constant 0 : index
    %swap3A_163 = vector.load %arg16[%swap3A_161, %swap3A_162] : memref<1x512xf32, #tpu.memory_space<vmem>>, vector<1x512xf32>
    tpu.vector_store %arg16[%swap3A_161, %swap3A_162], %div3A_160 {strides = array<i32>} : memref<1x512xf32, #tpu.memory_space<vmem>>, vector<1x512xf32>,
    return
  }
  func.func @transform_0(%arg0: i32) -> i32 {
    %c0_i32 = arith.constant 0 : i32
    %c0_i32_0 = arith.constant 0 : i32
    return %c0_i32 : i32
  }
  func.func @transform_1(%arg0: i32) -> i32 {
    %c0_i32 = arith.constant 0 : i32
    %c0_i32_0 = arith.constant 0 : i32
    return %c0_i32 : i32
  }
  func.func @transform_2(%arg0: i32) -> (i32, i32) {
    %c0_i32 = arith.constant 0 : i32
    %c0_i32_0 = arith.constant 0 : i32
    return %c0_i32, %arg0 : i32, i32
  }
  func.func @transform_3(%arg0: i32) -> (i32, i32) {
    %c0_i32 = arith.constant 0 : i32
    %c0_i32_0 = arith.constant 0 : i32
    return %c0_i32, %arg0 : i32, i32
  }
  func.func @transform_4(%arg0: i32) -> (i32, i32) {
    %c0_i32 = arith.constant 0 : i32
    %c0_i32_0 = arith.constant 0 : i32
    return %c0_i32, %arg0 : i32, i32
  }
  func.func @transform_5(%arg0: i32) -> (i32, i32) {
    %c0_i32 = arith.constant 0 : i32
    %c0_i32_0 = arith.constant 0 : i32
    return %c0_i32, %arg0 : i32, i32
  }
  func.func @transform_6(%arg0: i32) -> (i32, i32) {
    %c0_i32 = arith.constant 0 : i32
    %c0_i32_0 = arith.constant 0 : i32
    %c0_i32_1 = arith.constant 0 : i32
    return %c0_i32, %c0_i32_0 : i32, i32
  }
  func.func @transform_7(%arg0: i32) -> (i32, i32) {
    %c0_i32 = arith.constant 0 : i32
    %c0_i32_0 = arith.constant 0 : i32
    %c0_i32_1 = arith.constant 0 : i32
    return %c0_i32, %c0_i32_0 : i32, i32
  }
  func.func @transform_8(%arg0: i32) -> (i32, i32) {
    %c0_i32 = arith.constant 0 : i32
    %c0_i32_0 = arith.constant 0 : i32
    %c0_i32_1 = arith.constant 0 : i32
    return %c0_i32, %c0_i32_0 : i32, i32
  }
  func.func @transform_9(%arg0: i32) -> (i32, i32) {
    %c0_i32 = arith.constant 0 : i32
    %c0_i32_0 = arith.constant 0 : i32
    %c0_i32_1 = arith.constant 0 : i32
    return %c0_i32, %c0_i32_0 : i32, i32
  }
  func.func @transform_10(%arg0: i32) -> (i32, i32) {
    %c0_i32 = arith.constant 0 : i32
    %c0_i32_0 = arith.constant 0 : i32
    return %c0_i32, %arg0 : i32, i32
  }
  func.func @transform_11(%arg0: i32) -> (i32, i32) {
    %c0_i32 = arith.constant 0 : i32
    %c0_i32_0 = arith.constant 0 : i32
    return %c0_i32, %arg0 : i32, i32
  }
  func.func @transform_12(%arg0: i32) -> (i32, i32) {
    %c0_i32 = arith.constant 0 : i32
    %c0_i32_0 = arith.constant 0 : i32
    return %c0_i32, %arg0 : i32, i32
  }
  func.func @transform_13(%arg0: i32) -> (i32, i32) {
    %c0_i32 = arith.constant 0 : i32
    %c0_i32_0 = arith.constant 0 : i32
    return %c0_i32, %arg0 : i32, i32
  }
  func.func @transform_14(%arg0: i32) -> (i32, i32) {
    %c0_i32 = arith.constant 0 : i32
    %c0_i32_0 = arith.constant 0 : i32
    return %c0_i32, %arg0 : i32, i32
  }
  func.func @transform_15(%arg0: i32) -> (i32, i32) {
    %c0_i32 = arith.constant 0 : i32
    %c0_i32_0 = arith.constant 0 : i32
    return %c0_i32, %arg0 : i32, i32
  }
}

module attributes {stable_mosaic.version = 14 : i64} {
  func.func @_mlp_body(%arg0: i32, %arg1: memref<1x1024x256xf32, #tpu.memory_space<vmem>>, %arg2: memref<1x1024x256xf32, #tpu.memory_space<vmem>>, %arg3: memref<1x1024x256xf32, #tpu.memory_space<vmem>>, %arg4: memref<1024x1xf32, #tpu.memory_space<vmem>>, %arg5: memref<1024x1xf32, #tpu.memory_space<vmem>>, %arg6: memref<1024x1xf32, #tpu.memory_space<vmem>>, %arg7: memref<1024x128xf32, #tpu.memory_space<vmem>>, %arg8: memref<256x512xf32, #tpu.memory_space<vmem>>, %arg9: memref<128x512xf32, #tpu.memory_space<vmem>>, %arg10: memref<1x512xf32, #tpu.memory_space<vmem>>, %arg11: memref<512x512xf32, #tpu.memory_space<vmem>>, %arg12: memref<1x512xf32, #tpu.memory_space<vmem>>, %arg13: memref<1024x512xf32, #tpu.memory_space<vmem>>) attributes {dimension_semantics = [#tpu.dimension_semantics<arbitrary>], iteration_bounds = array<i64: 16>, scalar_prefetch = 0 : i64, scratch_operands = 0 : i64, tpu.core_type = #tpu.core_type<tc>, window_params = [{transform_indices = @transform_0, window_bounds = array<i64: 1, 1024, 256>}, {transform_indices = @transform_1, window_bounds = array<i64: 1, 1024, 256>}, {transform_indices = @transform_2, window_bounds = array<i64: 1, 1024, 256>}, {transform_indices = @transform_3, window_bounds = array<i64: 1024, 1>}, {transform_indices = @transform_4, window_bounds = array<i64: 1024, 1>}, {transform_indices = @transform_5, window_bounds = array<i64: 1024, 1>}, {transform_indices = @transform_6, window_bounds = array<i64: 1024, 128>}, {pipeline_mode = #tpu.pipeline_mode<synchronous>, transform_indices = @transform_7, window_bounds = array<i64: 256, 512>}, {pipeline_mode = #tpu.pipeline_mode<synchronous>, transform_indices = @transform_8, window_bounds = array<i64: 128, 512>}, {pipeline_mode = #tpu.pipeline_mode<synchronous>, transform_indices = @transform_9, window_bounds = array<i64: 1, 512>}, {pipeline_mode = #tpu.pipeline_mode<synchronous>, transform_indices = @transform_10, window_bounds = array<i64: 512, 512>}, {pipeline_mode = #tpu.pipeline_mode<synchronous>, transform_indices = @transform_11, window_bounds = array<i64: 1, 512>}, {transform_indices = @transform_12, window_bounds = array<i64: 1024, 512>}]} {
    %get3A = arith.constant 0 : index
    %get3A_0 = arith.constant 0 : index
    %get3A_1 = vector.load %arg4[%get3A, %get3A_0] : memref<1024x1xf32, #tpu.memory_space<vmem>>, vector<1024x1xf32>
    %get3A_2 = arith.constant 0 : index
    %get3A_3 = arith.constant 0 : index
    %get3A_4 = vector.load %arg5[%get3A_2, %get3A_3] : memref<1024x1xf32, #tpu.memory_space<vmem>>, vector<1024x1xf32>
    %get3A_5 = arith.constant 0 : index
    %get3A_6 = arith.constant 0 : index
    %get3A_7 = vector.load %arg6[%get3A_5, %get3A_6] : memref<1024x1xf32, #tpu.memory_space<vmem>>, vector<1024x1xf32>
    %get3A_8 = arith.constant 0 : index
    %get3A_9 = arith.constant 0 : index
    %get3A_10 = arith.constant 0 : index
    %get3A_11 = vector.load %arg1[%get3A_8, %get3A_9, %get3A_10] : memref<1x1024x256xf32, #tpu.memory_space<vmem>>, vector<1x1024x256xf32>
    %get3A_12 = vector.shape_cast %get3A_11 : vector<1x1024x256xf32> to vector<1024x256xf32>
    %mul3A = vector.broadcast %get3A_1 : vector<1024x1xf32> to vector<1024x256xf32>
    %mul3A_13 = arith.mulf %mul3A, %get3A_12 : vector<1024x256xf32>
    %get3A_14 = arith.constant 0 : index
    %get3A_15 = arith.constant 0 : index
    %get3A_16 = arith.constant 0 : index
    %get3A_17 = vector.load %arg2[%get3A_14, %get3A_15, %get3A_16] : memref<1x1024x256xf32, #tpu.memory_space<vmem>>, vector<1x1024x256xf32>
    %get3A_18 = vector.shape_cast %get3A_17 : vector<1x1024x256xf32> to vector<1024x256xf32>
    %mul3A_19 = vector.broadcast %get3A_4 : vector<1024x1xf32> to vector<1024x256xf32>
    %mul3A_20 = arith.mulf %mul3A_19, %get3A_18 : vector<1024x256xf32>
    %add3A = arith.addf %mul3A_13, %mul3A_20 : vector<1024x256xf32>
    %get3A_21 = arith.constant 0 : index
    %get3A_22 = arith.constant 0 : index
    %get3A_23 = arith.constant 0 : index
    %get3A_24 = vector.load %arg3[%get3A_21, %get3A_22, %get3A_23] : memref<1x1024x256xf32, #tpu.memory_space<vmem>>, vector<1x1024x256xf32>
    %get3A_25 = vector.shape_cast %get3A_24 : vector<1x1024x256xf32> to vector<1024x256xf32>
    %mul3A_26 = vector.broadcast %get3A_7 : vector<1024x1xf32> to vector<1024x256xf32>
    %mul3A_27 = arith.mulf %mul3A_26, %get3A_25 : vector<1024x256xf32>
    %add3A_28 = arith.addf %add3A, %mul3A_27 : vector<1024x256xf32>
    %add3A_29 = arith.addf %get3A_1, %get3A_4 : vector<1024x1xf32>
    %add3A_30 = arith.addf %add3A_29, %get3A_7 : vector<1024x1xf32>
    %div3A = vector.broadcast %add3A_30 : vector<1024x1xf32> to vector<1024x256xf32>
    %div3A_31 = arith.divf %add3A_28, %div3A : vector<1024x256xf32>
    %get3A_32 = arith.constant 0 : index
    %get3A_33 = arith.constant 0 : index
    %get3A_34 = vector.load %arg8[%get3A_32, %get3A_33] : memref<256x512xf32, #tpu.memory_space<vmem>>, vector<256x512xf32>
    %dot_general3A = arith.constant dense<0.000000e+00> : vector<1024x512xf32>
    %dot_general3A_35 = tpu.matmul %div3A_31, %get3A_34, %dot_general3A {dimension_numbers = #tpu.dot_dimension_numbers<[1], [0], [0], [1], [0, 0, 1, 1], [], []>, transpose_lhs_hint = false} : vector<1024x256xf32>, vector<256x512xf32>, vector<1024x512xf32> -> vector<1024x512xf32>
    %get3A_36 = arith.constant 0 : index
    %get3A_37 = arith.constant 0 : index
    %get3A_38 = vector.load %arg7[%get3A_36, %get3A_37] : memref<1024x128xf32, #tpu.memory_space<vmem>>, vector<1024x128xf32>
    %get3A_39 = arith.constant 0 : index
    %get3A_40 = arith.constant 0 : index
    %get3A_41 = vector.load %arg9[%get3A_39, %get3A_40] : memref<128x512xf32, #tpu.memory_space<vmem>>, vector<128x512xf32>
    %dot_general3A_42 = arith.constant dense<0.000000e+00> : vector<1024x512xf32>
    %dot_general3A_43 = tpu.matmul %get3A_38, %get3A_41, %dot_general3A_42 {dimension_numbers = #tpu.dot_dimension_numbers<[1], [0], [0], [1], [0, 0, 1, 1], [], []>, transpose_lhs_hint = false} : vector<1024x128xf32>, vector<128x512xf32>, vector<1024x512xf32> -> vector<1024x512xf32>
    %add3A_44 = arith.addf %dot_general3A_35, %dot_general3A_43 : vector<1024x512xf32>
    %get3A_45 = arith.constant 0 : index
    %get3A_46 = arith.constant 0 : index
    %get3A_47 = vector.load %arg10[%get3A_45, %get3A_46] : memref<1x512xf32, #tpu.memory_space<vmem>>, vector<1x512xf32>
    %add3A_48 = vector.broadcast %get3A_47 : vector<1x512xf32> to vector<1024x512xf32>
    %add3A_49 = arith.addf %add3A_44, %add3A_48 : vector<1024x512xf32>
    %max3A = arith.constant 0.000000e+00 : f32
    %max3A_50 = vector.broadcast %max3A : f32 to vector<1024x512xf32>
    %max3A_51 = arith.maximumf %add3A_49, %max3A_50 : vector<1024x512xf32>
    %get3A_52 = arith.constant 0 : index
    %get3A_53 = arith.constant 0 : index
    %get3A_54 = vector.load %arg11[%get3A_52, %get3A_53] : memref<512x512xf32, #tpu.memory_space<vmem>>, vector<512x512xf32>
    %dot_general3A_55 = arith.constant dense<0.000000e+00> : vector<1024x512xf32>
    %dot_general3A_56 = tpu.matmul %max3A_51, %get3A_54, %dot_general3A_55 {dimension_numbers = #tpu.dot_dimension_numbers<[1], [0], [0], [1], [0, 0, 1, 1], [], []>, transpose_lhs_hint = false} : vector<1024x512xf32>, vector<512x512xf32>, vector<1024x512xf32> -> vector<1024x512xf32>
    %get3A_57 = arith.constant 0 : index
    %get3A_58 = arith.constant 0 : index
    %get3A_59 = vector.load %arg12[%get3A_57, %get3A_58] : memref<1x512xf32, #tpu.memory_space<vmem>>, vector<1x512xf32>
    %add3A_60 = vector.broadcast %get3A_59 : vector<1x512xf32> to vector<1024x512xf32>
    %add3A_61 = arith.addf %dot_general3A_56, %add3A_60 : vector<1024x512xf32>
    %swap3A = arith.constant 0 : index
    %swap3A_62 = arith.constant 0 : index
    %swap3A_63 = vector.load %arg13[%swap3A, %swap3A_62] : memref<1024x512xf32, #tpu.memory_space<vmem>>, vector<1024x512xf32>
    tpu.vector_store %arg13[%swap3A, %swap3A_62], %add3A_61 {strides = array<i32>} : memref<1024x512xf32, #tpu.memory_space<vmem>>, vector<1024x512xf32>,
    return
  }
  func.func @transform_0(%arg0: i32) -> (i32, i32, i32) {
    %c0_i32 = arith.constant 0 : i32
    %c0_i32_0 = arith.constant 0 : i32
    %c0_i32_1 = arith.constant 0 : i32
    return %c0_i32, %arg0, %c0_i32_0 : i32, i32, i32
  }
  func.func @transform_1(%arg0: i32) -> (i32, i32, i32) {
    %c1_i32 = arith.constant 1 : i32
    %c0_i32 = arith.constant 0 : i32
    %c0_i32_0 = arith.constant 0 : i32
    return %c1_i32, %arg0, %c0_i32 : i32, i32, i32
  }
  func.func @transform_2(%arg0: i32) -> (i32, i32, i32) {
    %c2_i32 = arith.constant 2 : i32
    %c0_i32 = arith.constant 0 : i32
    %c0_i32_0 = arith.constant 0 : i32
    return %c2_i32, %arg0, %c0_i32 : i32, i32, i32
  }
  func.func @transform_3(%arg0: i32) -> (i32, i32) {
    %c0_i32 = arith.constant 0 : i32
    %c0_i32_0 = arith.constant 0 : i32
    return %arg0, %c0_i32 : i32, i32
  }
  func.func @transform_4(%arg0: i32) -> (i32, i32) {
    %c0_i32 = arith.constant 0 : i32
    %c0_i32_0 = arith.constant 0 : i32
    return %arg0, %c0_i32 : i32, i32
  }
  func.func @transform_5(%arg0: i32) -> (i32, i32) {
    %c0_i32 = arith.constant 0 : i32
    %c0_i32_0 = arith.constant 0 : i32
    return %arg0, %c0_i32 : i32, i32
  }
  func.func @transform_6(%arg0: i32) -> (i32, i32) {
    %c0_i32 = arith.constant 0 : i32
    %c0_i32_0 = arith.constant 0 : i32
    return %arg0, %c0_i32 : i32, i32
  }
  func.func @transform_7(%arg0: i32) -> (i32, i32) {
    %c0_i32 = arith.constant 0 : i32
    %c0_i32_0 = arith.constant 0 : i32
    %c0_i32_1 = arith.constant 0 : i32
    return %c0_i32, %c0_i32_0 : i32, i32
  }
  func.func @transform_8(%arg0: i32) -> (i32, i32) {
    %c0_i32 = arith.constant 0 : i32
    %c0_i32_0 = arith.constant 0 : i32
    %c0_i32_1 = arith.constant 0 : i32
    return %c0_i32, %c0_i32_0 : i32, i32
  }
  func.func @transform_9(%arg0: i32) -> (i32, i32) {
    %c0_i32 = arith.constant 0 : i32
    %c0_i32_0 = arith.constant 0 : i32
    %c0_i32_1 = arith.constant 0 : i32
    return %c0_i32, %c0_i32_0 : i32, i32
  }
  func.func @transform_10(%arg0: i32) -> (i32, i32) {
    %c0_i32 = arith.constant 0 : i32
    %c0_i32_0 = arith.constant 0 : i32
    %c0_i32_1 = arith.constant 0 : i32
    return %c0_i32, %c0_i32_0 : i32, i32
  }
  func.func @transform_11(%arg0: i32) -> (i32, i32) {
    %c0_i32 = arith.constant 0 : i32
    %c0_i32_0 = arith.constant 0 : i32
    %c0_i32_1 = arith.constant 0 : i32
    return %c0_i32, %c0_i32_0 : i32, i32
  }
  func.func @transform_12(%arg0: i32) -> (i32, i32) {
    %c0_i32 = arith.constant 0 : i32
    %c0_i32_0 = arith.constant 0 : i32
    return %arg0, %c0_i32 : i32, i32
  }
}

</mosaic_0001>

<sc_bundles>
// kernel: kernel.5.cloned.1.call-start
scs
__scs_entry_jumppad:
0x0: {  	(pc) =	sbr.rel $0x88, $3  }
0x1: {  	(tag) =	ssettag $0x0;
	lr =	simm.s32 $0x1  }
0x2: {  	[smem:$0x3F97] =	sst lr;
	_ =	strace $0xD0000000  }
0x3: {  	_ = 	snop  }
0x4: {  	_ = 	snop  }
0x5: {  	_ = 	snop  }
0x6: {  	_ = 	snop  }
0x7: {  	_ = 	snop  }
__scs_overlays_trampoline_lowered:
0x8: {  	[smem:$0x3FA6] =	sst s0  }
0x9: {  	[smem:$0x3FA7] =	sst s1  }
0xa: {  	[smem:$0x3FA8] =	sst s2  }
0xb: {  	[smem:$0x3FA9] =	sst s3  }
0xc: {  	[smem:$0x3FAA] =	sst s4  }
0xd: {  	[smem:$0x3FAB] =	sst s5  }
0xe: {  	[smem:$0x3FAC] =	sst s6  }
0xf: {  	[smem:$0x3FAD] =	sst s7  }
0x10: {  	[smem:$0x3FAE] =	sst s8  }
0x11: {  	[smem:$0x3FAF] =	sst s9;
	s0 =	simm.s32 @!p0 $0x0  }
0x12: {  	s1 =	sld [smem:$0x3F95];
	s0 =	simm.s32 @p0 $0x1  }
0x13: {  	[smem:$0x3FB0] =	sst s0;
	s0 =	simm.s32 @!p1 $0x0  }
0x14: {  	s2 =	sld [smem:$0x3F94];
	s0 =	simm.s32 @p1 $0x1  }
0x15: {  	[smem:$0x3FB1] =	sst s0;
	s0 =	simm.s32 @!p2 $0x0  }
0x16: {  	s3 =	sld [smem:$0x3FDB];
	s0 =	simm.s32 @p2 $0x1  }
0x17: {  	s4 =	simm.s32 $0x1BF5;
	[smem:$0x3FB3] =	sst s0  }
0x18: {  	s0 =	sld [smem:$0x3F96];
	_ =	swait.ge [sflag:s4], $0x0  }
0x19: {  	s7 =	sld [smem:$0x3F97]  }
0x1a: {  	s8 =	sadd.s32 $0xFFFFE003, lr  }
0x1b: {  	s9 =	sadd.s32 $0xFFFFFEF7, lr;
	s5 =	simm.s32 $0xFFFFFFFF;
	p2 =	slt.u32 s8, $0xFFFFF086  }
0x1c: {  	p1 =	slt.u32 s9, $0xF7A;
	s5 =	simm.s32 @!p2 $0x0  }
0x1d: {  	s5 =	simm.s32 @p1 $0x1;
	p0 =	seq.s32 s7, s2  }
0x1e: {  	s7 =	smul.u32 @!p0 $0xF7A, s2;
	p2 =	seq.s32 @!p0 s5, $0x0  }
0x1f: {  	s9 =	smul.u32 $0xF7A, s1;
	s8 =	simm.s32 @!p0 $0x1BF5;
	p2 =	por !p2, p0  }
0x20: {  	[sflag:s8] =	ssyncset.s32 @!p0 $0xFFFFF086;
	s6 =	sadd.s32 @!p0 s3, s7;
	s7 =	simm.s32 @!p0 $0x108  }
0x21: {  	s3 =	sadd.s32 s3, s9;
	s6 =	sadd.s32 @!p0 $0x88, s6;
	s7 =	simm.s32 @p2 $0x1082  }
0x22: {  	[simem:s7], [sflag:s8] =	dma.local @!p0 [hbm:s6], $0xF7A  }
0x23: {  	s9 =	sor.u32 $0xD0000000, s2;
	s6 =	simm.s32 $0x108;
	_ =	swait.ge @!p0 [sflag:s8], $0x0  }
0x24: {  	s3 =	sadd.s32 $0x88, s3;
	s6 =	simm.s32 @!p1 $0x1082;
	[sflag:s4] =	ssyncset.s32 $0xFFFFF086  }
0x25: {  	[simem:s6], [sflag:s4] =	dma.local [hbm:s3], $0xF7A  }
0x26: {  	[smem:$0x3F97] =	sst s1;
	(tag) =	ssettag s2;
	_ =	strace s9  }
0x27: {  	s1 =	sld [smem:$0x3FA7]  }
0x28: {  	s2 =	sld [smem:$0x3FA8]  }
0x29: {  	s4 =	sld [smem:$0x3FAA]  }
0x2a: {  	p0 =	seq.s32 s5, $0x0;
	s5 =	sld [smem:$0x3FAB]  }
0x2b: {  	s6 =	sld [smem:$0x3FAC]  }
0x2c: {  	s7 =	sld [smem:$0x3FAD]  }
0x2d: {  	s3 =	simm.s32 $0x108;
	s8 =	sld [smem:$0x3FAE]  }
0x2e: {  	s3 =	simm.s32 @!p0 $0x1082;
	s9 =	sld [smem:$0x3FAF]  }
0x2f: {  	lr =	sadd.s32 s0, s3;
	s0 =	sld [smem:$0x3FA6]  }
0x30: {  	s3 =	sld [smem:$0x3FA9]  }
0x31: {  	[smem:$0x3FB2] =	sst s10  }
0x32: {  	s10 =	sld [smem:$0x3FB0];
	_ =	sdelay $0x3  }
0x33: {  	p0 =	seq.s32 s10, $0x1;
	s10 =	sld [smem:$0x3FB2];
	_ =	sdelay $0x3  }
0x34: {  	[smem:$0x3FB2] =	sst s10  }
0x35: {  	s10 =	sld [smem:$0x3FB1];
	_ =	sdelay $0x3  }
0x36: {  	p1 =	seq.s32 s10, $0x1;
	s10 =	sld [smem:$0x3FB2];
	_ =	sdelay $0x3  }
0x37: {  	[smem:$0x3FB2] =	sst s10  }
0x38: {  	s10 =	sld [smem:$0x3FB3]  }
0x39: {  	_ = 	snop;
	(pc) =	sbr.ind lr, $3  }
0x3a: {  	_ = 	snop  }
0x3b: {  	_ = 	snop  }
0x3c: {  	p2 =	seq.s32 s10, $0x1;
	s10 =	sld [smem:$0x3FB2]  }
0x3d: {  	_ =	shalt  }
0x3e: {  	_ =	shalt  }
0x3f: {  	_ =	shalt  }
0x40: {  	_ =	shalt  }
0x41: {  	_ =	shalt  }
0x42: {  	_ =	shalt  }
0x43: {  	_ =	shalt  }
0x44: {  	_ =	shalt  }
0x45: {  	_ =	shalt  }
0x46: {  	_ =	shalt  }
0x47: {  	_ =	shalt  }
0x48: {  	_ =	shalt  }
0x49: {  	_ =	shalt  }
0x4a: {  	_ =	shalt  }
0x4b: {  	_ =	shalt  }
0x4c: {  	_ =	shalt  }
0x4d: {  	_ =	shalt  }
0x4e: {  	_ =	shalt  }
0x4f: {  	_ =	shalt  }
0x50: {  	_ =	shalt  }
0x51: {  	_ =	shalt  }
0x52: {  	_ =	shalt  }
0x53: {  	_ =	shalt  }
0x54: {  	_ =	shalt  }
0x55: {  	_ =	shalt  }
0x56: {  	_ =	shalt  }
0x57: {  	_ =	shalt  }
0x58: {  	_ =	shalt  }
0x59: {  	_ =	shalt  }
0x5a: {  	_ =	shalt  }
0x5b: {  	_ =	shalt  }
0x5c: {  	_ =	shalt  }
0x5d: {  	_ =	shalt  }
0x5e: {  	_ =	shalt  }
0x5f: {  	_ =	shalt  }
0x60: {  	_ =	shalt  }
0x61: {  	_ =	shalt  }
0x62: {  	_ =	shalt  }
0x63: {  	_ =	shalt  }
0x64: {  	_ =	shalt  }
0x65: {  	_ =	shalt  }
0x66: {  	_ =	shalt  }
0x67: {  	_ =	shalt  }
0x68: {  	_ =	shalt  }
0x69: {  	_ =	shalt  }
0x6a: {  	_ =	shalt  }
0x6b: {  	_ =	shalt  }
0x6c: {  	_ =	shalt  }
0x6d: {  	_ =	shalt  }
0x6e: {  	_ =	shalt  }
0x6f: {  	_ =	shalt  }
0x70: {  	_ =	shalt  }
0x71: {  	_ =	shalt  }
0x72: {  	_ =	shalt  }
0x73: {  	_ =	shalt  }
0x74: {  	_ =	shalt  }
0x75: {  	_ =	shalt  }
0x76: {  	_ =	shalt  }
0x77: {  	_ =	shalt  }
0x78: {  	_ =	shalt  }
0x79: {  	_ =	shalt  }
0x7a: {  	_ =	shalt  }
0x7b: {  	_ =	shalt  }
0x7c: {  	_ =	shalt  }
0x7d: {  	_ =	shalt  }
0x7e: {  	_ =	shalt  }
0x7f: {  	_ =	shalt  }
0x80: {  	_ =	shalt  }
0x81: {  	_ =	shalt  }
0x82: {  	_ =	shalt  }
0x83: {  	_ =	shalt  }
0x84: {  	_ =	shalt  }
0x85: {  	_ =	shalt  }
0x86: {  	_ =	shalt  }
0x87: {  	_ =	shalt  }
.Lfunc_end0:
.L_simem_size_0:
called_computation_lowered:
.L_overlay_start_0:
0x88: {  	s2 =	sld [smem:$0x3FD9]  }
0x89: {  	s3 =	sld [smem:$0x3FFE];
	_ =	sdelay $0x1  }
0x8a: {  	s1 =	srdreg.scid  }
0x8b: {  	s0 =	sand.u32 $0x1, s1  }
0x8c: {  	s17 =	sshll.u32 s0, $0xA;
	s2 =	sadd.s32 s3, s2  }
0x8d: {  	s2 =	sadd.s32 s2, s17  }
0x8e: {  	[smem:$0x3FBE] =	sst s2  }
0x8f: {  	_ = 	snop  }
0x90: {  	s2 =	sld [smem:$0x3FC9]  }
0x91: {  	s18 =	sld [smem:$0x3FD0];
	(tm) =	ssettm $0x1  }
0x92: {  	s4 =	sld [smem:$0x3FFB];
	_ =	sdelay $0x3  }
0x93: {  	_ =	strace s4  }
0x94: {  	s4 =	sld [smem:$0x3FFC];
	_ =	sdelay $0x3  }
0x95: {  	_ =	strace s4  }
0x96: {  	s4 =	sld [smem:$0x3FFD];
	_ =	sdelay $0x3  }
0x97: {  	_ =	strace s4  }
0x98: {  	_ =	strace $0x8FFFFFFF  }
0x99: {  	s19 =	sld [smem:$0x3FDB];
	_ =	sdelay $0x1  }
0x9a: {  	s5 =	simm.s32 $_scs_section_size  }
0x9b: {  	s6 =	simm.s32 $_size__tile_overlayer_lowered;
	s7 =	simm.s32 $_tile_overlayer_lowered  }
0x9c: {  	s22 =	simm.s32 $0x1BFF;
	s21 =	sshll.u32 s7, $0x1;
	s4 =	sadd.s32 s5, s19  }
0x9d: {  	s8 =	simm.s32 $0x0;
	s20 =	sshll.u32 s6, $0x1;
	s6 =	sadd.s32 s21, s4  }
0x9e: {  	[timem:s8], [sflag:s22] =	dma.local [hbm:s6], s20  }
0x9f: {  	_ =	swait.ge [sflag:s22], s20  }
0xa0: {  	s5 =	ssub.s32 $0x0, s20;
	[sflag:s22] =	ssyncset.done $0x0  }
0xa1: {  	[sflag:s22] =	ssyncadd.s32 s5;
	_ =	sdelay $0x1  }
0xa2: {  	s23 =	simm.s32 $0x1B8B  }
0xa3: {  	_ =	swait.ge [sflag:s23], $0x1  }
0xa4: {  	[sflag:s23] =	ssyncset.done $0x0  }
0xa5: {  	s25 =	simm.s32 $0x1B8E;
	s24 =	sld [smem:$0x3FFE];
	[sflag:s23] =	ssyncadd.s32 $0xFFFFFFFF  }
0xa6: {  	s26 =	simm.s32 $execute0_lowered;
	[smem:$0x3FD2] =	sst s25  }
0xa7: {  	s6 =	sshll.u32 s26, $0x1;
	_ =	strace $0x80000046;
	[dreg:$0x1] =	wrdreg $0xFFFFFFFF  }
0xa8: {  	s28 =	simm.s32 $_size_execute0_lowered;
	s4 =	sadd.s32 s4, s6;
	[dreg:$0x0] =	wrdreg $0x0  }
0xa9: {  	s6 =	sshll.u32 s28, $0x1;
	[dreg:$0x2] =	wrdreg s4  }
0xaa: {  	[dreg:$0x3] =	wrdreg s6  }
0xab: {  	[dreg:$0x4] =	wrdreg $0xC0  }
0xac: {  	_ =	task [dreg:s8], $0x5FFFF  }
0xad: {  	[dreg:$0x1] =	wrdreg $0xFFFFFFFF  }
0xae: {  	[dreg:$0x0] =	wrdreg $0x60  }
0xaf: {  	[dreg:$0x2] =	wrdreg s2  }
0xb0: {  	[dreg:$0x3] =	wrdreg s18  }
0xb1: {  	[dreg:$0x4] =	wrdreg s24  }
0xb2: {  	[dreg:$0x5] =	wrdreg $0x9  }
0xb3: {  	_ =	task.clear_ibuf [dreg:s8], $0x6FFFF;
	_ =	strace $0x90000046  }
0xb4: {  	s29 =	simm.s32 $0x9;
	_ =	strace $0x80000048  }
0xb5: {  	_ =	swait.ge [sflag:s29], $0x1  }
0xb6: {  	[sflag:s29] =	ssyncadd.s32 $0xFFFFFFFF  }
0xb7: {  	_ =	strace $0x90000048  }
0xb8: {  	_ =	sfence  }
0xb9: {  	s30 =	sld [smem:$0x0];
	_ =	sdelay $0x2  }
0xba: {  	s31 =	sshll.u32 s1, $0xD;
	s1 =	sshrl.u32 s1, $0x2  }
0xbb: {  	s3 =	sand.u32 $0x4000, s31;
	s1 =	sadd.s32 s1, s30  }
0xbc: {  	s0 =	sor.u32 s3, s0;
	s1 =	sshll.u32 s1, $0x11  }
0xbd: {  	s0 =	sor.u32 s1, s0  }
0xbe: {  	s0 =	sadd.s32 $0x8F2B, s0  }
0xbf: {  	[sflag:s0] =	ssyncadd.remote.s32 $0x1  }
0xc0: {  	_ =	sfence.sel $0xFFFF  }
0xc1: {  	[dreg:$0x0] =	wrdreg $0xFFFFFFFF;
	(pc) =	sbr.abs _section_cstart, $3  }
0xc2: {  	[dreg:$0x1] =	wrdreg $0xFFFFFFFF  }
0xc3: {  	_ =	task.clear_ibuf [dreg:s8], $0x2FFFF;
	_ =	strace $0x9FFFFFFF  }
0xc4: {  	(tm) =	ssettm $0x7FFFFFFF  }
0xc5: {  	_ =	shalt  }
tec
execute0_lowered:
.L_overlay_start_1:
0x0: {  	(tag) =	ssettag $0x1  }
0x1: {  	s0 =	srdreg.scid  }
0x2: {  	s2 =	stileid.u32;
	s1 =	rddreg [dreg:$0x0]  }
0x3: {  	s4 =	rddreg [dreg:$0x1];
	s0 =	sand.u32 $0x1, s0;
	s2 =	sshll.u32 s2, $0x1  }
0x4: {  	s5 =	rddreg [dreg:$0x2];
	s3 =	simm.s32 $0x0;
	s2 =	sor.u32 s0, s2  }
0x5: {  	s29 =	simm.s32 $0x1;
	s30 =	simm.s32 $0x3;
	s6 =	smul.u32 $0xC0, s2  }
0x6: {  	s31 =	simm.s32 $0x2;
	[smem:$0x7FF] =	sst s3;
	s7 =	smul.u32 $0xC000, s2  }
0x7: {  	s5 =	sadd.s32 $0x1600, s5;
	s2 =	smul.u32 $0x60000, s2;
	s4 =	sadd.s32 s4, s6  }
0x8: {  	_ =	strace $0x80000047;
	s20 =	sadd.s32 s5, s7;
	[dreg:$0x4] =	wrdreg s4  }
0x9: {  	s2 =	sshrl.u32 s2, $0x3;
	s21 =	sadd.s32 $0x1800, s20;
	[dreg:$0xc] =	wrdreg s20  }
0xa: {  	s22 =	sadd.s32 $0x3000, s20;
	s2 =	sadd.s32 s5, s2;
	[dreg:$0x5] =	wrdreg s21  }
0xb: {  	s0 =	ssub.s32 $0x2, s0;
	[dreg:$0x6] =	wrdreg s22;
	s23 =	sadd.s32 $0x4800, s2  }
0xc: {  	s28 =	sshrl.u32 s0, $0x1;
	s24 =	sadd.s32 $0x6000, s2;
	[dreg:$0x7] =	wrdreg s23  }
0xd: {  	s0 =	ssub.s32 s0, s28;
	s25 =	sadd.s32 $0x7800, s2;
	[dreg:$0x8] =	wrdreg s24  }
0xe: {  	v2 =	vlaneseq.u32;
	s6 =	simm.s32 $0x600;
	s26 =	sadd.s32 $0x9000, s2;
	[dreg:$0x9] =	wrdreg s25  }
0xf: {  	vm0 =	vmmov $0xffff;
	v1 =	vshrl.u32 v2, $0x3;
	s5 =	smax.u32 s0, $0x1;
	s2 =	sadd.s32 $0xA800, s2;
	[dreg:$0xa] =	wrdreg s26  }
0x10: {  	v0 =	vand.u32 $0x7, v2;
	v2 =	vor.u32 $0x8, v2;
	v1 =	vmul.u32 $0x8, v1;
	s0 =	simm.s32 $0x4;
	[dreg:$0xb] =	wrdreg s2;
	s2 =	simm.s32 $0xC600  }
.LBB2_1:
0x11: {  	s4 =	rddreg [dreg:$0x4];
	s16 =	simm.s32 $0x5  }
0x12: {  	[tilespmem:s3], [sflag:$0x5] =	stream.linear.gather [hbm4b:s4+s3], $0x600, $0x38;
	[tilespmem:$0x18600] =	vst v63  }
0x13: {  	_ =	swait.ge [sflag:s16], $0x600  }
0x14: {  	[sflag:s16] =	ssyncset.done $0x0  }
0x15: {  	[sflag:s16] =	ssyncadd.s32 $0xFFFFFA00  }
0x16: {  	v3 =	vld [tilespmem:$0x0];
	_ =	sdelay $0x4  }
0x17: {  	v4 =	vshll.u32 v3, $0x1  }
0x18: {  	v3 =	vand.u32 $0x7, v3;
	v4 =	vand.u32 $0xFFFFFFF0, v4  }
0x19: {  	v3 =	vor.u32 v3, v4  }
0x1a: {  	v4 =	vperm.xlane v3, v0;
	_ =	sdelay $0x1  }
0x1b: {  	v3 =	vperm.xlane v3, v2;
	v4 =	vadd.s32 v1, v4;
	_ =	sdelay $0x1  }
0x1c: {  	v3 =	vadd.s32 v1, v3;
	_ =	sdelay $0x2  }
0x1d: {  	[tilespmem:s6], [sflag:$0x1] =	stream.indirect_vreg.gather [hbm4b:s1+s3], $0x80, v4, vm0, $0xb8;
	[tilespmem:$0x18600] =	vst v63  }
0x1e: {  	s17 =	simm.s32 $0xE00  }
0x1f: {  	[tilespmem:s17], [sflag:$0x1] =	stream.indirect_vreg.gather [hbm4b:s1+s3], $0x80, v3, vm0, $0xb8;
	[tilespmem:$0x18600] =	vst v63  }
0x20: {  	v3 =	vld [tilespmem:$0x10];
	_ =	sdelay $0x4  }
0x21: {  	v25 =	vshll.u32 v3, $0x1  }
0x22: {  	v3 =	vand.u32 $0x7, v3;
	v4 =	vand.u32 $0xFFFFFFF0, v25  }
0x23: {  	v3 =	vor.u32 v3, v4  }
0x24: {  	v4 =	vperm.xlane v3, v0;
	_ =	sdelay $0x1  }
0x25: {  	v3 =	vperm.xlane v3, v2;
	v4 =	vadd.s32 v1, v4;
	_ =	sdelay $0x1  }
0x26: {  	v3 =	vadd.s32 v1, v3;
	_ =	sdelay $0x1  }
0x27: {  	s18 =	simm.s32 $0x1600  }
0x28: {  	[tilespmem:s18], [sflag:$0x1] =	stream.indirect_vreg.gather [hbm4b:s1+s3], $0x80, v4, vm0, $0xb8;
	[tilespmem:$0x18600] =	vst v63  }
0x29: {  	s19 =	simm.s32 $0x1E00  }
0x2a: {  	[tilespmem:s19], [sflag:$0x1] =	stream.indirect_vreg.gather [hbm4b:s1+s3], $0x80, v3, vm0, $0xb8;
	[tilespmem:$0x18600] =	vst v63  }
0x2b: {  	v3 =	vld [tilespmem:$0x20];
	_ =	sdelay $0x4  }
0x2c: {  	v26 =	vshll.u32 v3, $0x1  }
0x2d: {  	v3 =	vand.u32 $0x7, v3;
	v4 =	vand.u32 $0xFFFFFFF0, v26  }
0x2e: {  	v3 =	vor.u32 v3, v4  }
0x2f: {  	v4 =	vperm.xlane v3, v0;
	_ =	sdelay $0x1  }
0x30: {  	v3 =	vperm.xlane v3, v2;
	v4 =	vadd.s32 v1, v4;
	_ =	sdelay $0x1  }
0x31: {  	v3 =	vadd.s32 v1, v3;
	_ =	sdelay $0x1  }
0x32: {  	s20 =	simm.s32 $0x2600  }
0x33: {  	[tilespmem:s20], [sflag:$0x1] =	stream.indirect_vreg.gather [hbm4b:s1+s3], $0x80, v4, vm0, $0xb8;
	[tilespmem:$0x18600] =	vst v63  }
0x34: {  	s21 =	simm.s32 $0x2E00  }
0x35: {  	[tilespmem:s21], [sflag:$0x1] =	stream.indirect_vreg.gather [hbm4b:s1+s3], $0x80, v3, vm0, $0xb8;
	[tilespmem:$0x18600] =	vst v63  }
0x36: {  	v3 =	vld [tilespmem:$0x30];
	_ =	sdelay $0x4  }
0x37: {  	v27 =	vshll.u32 v3, $0x1  }
0x38: {  	v3 =	vand.u32 $0x7, v3;
	v4 =	vand.u32 $0xFFFFFFF0, v27  }
0x39: {  	v3 =	vor.u32 v3, v4  }
0x3a: {  	v4 =	vperm.xlane v3, v0;
	_ =	sdelay $0x1  }
0x3b: {  	v3 =	vperm.xlane v3, v2;
	v4 =	vadd.s32 v1, v4;
	_ =	sdelay $0x1  }
0x3c: {  	v3 =	vadd.s32 v1, v3;
	_ =	sdelay $0x1  }
0x3d: {  	s22 =	simm.s32 $0x3600  }
0x3e: {  	[tilespmem:s22], [sflag:$0x1] =	stream.indirect_vreg.gather [hbm4b:s1+s3], $0x80, v4, vm0, $0xb8;
	[tilespmem:$0x18600] =	vst v63  }
0x3f: {  	s23 =	simm.s32 $0x3E00  }
0x40: {  	[tilespmem:s23], [sflag:$0x1] =	stream.indirect_vreg.gather [hbm4b:s1+s3], $0x80, v3, vm0, $0xb8;
	[tilespmem:$0x18600] =	vst v63  }
0x41: {  	v3 =	vld [tilespmem:$0x40];
	_ =	sdelay $0x4  }
0x42: {  	v28 =	vshll.u32 v3, $0x1  }
0x43: {  	v3 =	vand.u32 $0x7, v3;
	v4 =	vand.u32 $0xFFFFFFF0, v28  }
0x44: {  	v3 =	vor.u32 v3, v4  }
0x45: {  	v4 =	vperm.xlane v3, v0;
	_ =	sdelay $0x1  }
0x46: {  	v3 =	vperm.xlane v3, v2;
	v4 =	vadd.s32 v1, v4;
	_ =	sdelay $0x1  }
0x47: {  	v3 =	vadd.s32 v1, v3;
	_ =	sdelay $0x1  }
0x48: {  	s24 =	simm.s32 $0x4600  }
0x49: {  	[tilespmem:s24], [sflag:$0x1] =	stream.indirect_vreg.gather [hbm4b:s1+s3], $0x80, v4, vm0, $0xb8;
	[tilespmem:$0x18600] =	vst v63  }
0x4a: {  	s25 =	simm.s32 $0x4E00  }
0x4b: {  	[tilespmem:s25], [sflag:$0x1] =	stream.indirect_vreg.gather [hbm4b:s1+s3], $0x80, v3, vm0, $0xb8;
	[tilespmem:$0x18600] =	vst v63  }
0x4c: {  	v3 =	vld [tilespmem:$0x50];
	_ =	sdelay $0x4  }
0x4d: {  	v29 =	vshll.u32 v3, $0x1  }
0x4e: {  	v3 =	vand.u32 $0x7, v3;
	v4 =	vand.u32 $0xFFFFFFF0, v29  }
0x4f: {  	v3 =	vor.u32 v3, v4  }
0x50: {  	v4 =	vperm.xlane v3, v0;
	_ =	sdelay $0x1  }
0x51: {  	v3 =	vperm.xlane v3, v2;
	v4 =	vadd.s32 v1, v4;
	_ =	sdelay $0x1  }
0x52: {  	v3 =	vadd.s32 v1, v3;
	_ =	sdelay $0x1  }
0x53: {  	s26 =	simm.s32 $0x5600  }
0x54: {  	[tilespmem:s26], [sflag:$0x1] =	stream.indirect_vreg.gather [hbm4b:s1+s3], $0x80, v4, vm0, $0xb8;
	[tilespmem:$0x18600] =	vst v63  }
0x55: {  	s28 =	simm.s32 $0x5E00  }
0x56: {  	[tilespmem:s28], [sflag:$0x1] =	stream.indirect_vreg.gather [hbm4b:s1+s3], $0x80, v3, vm0, $0xb8;
	[tilespmem:$0x18600] =	vst v63  }
0x57: {  	v3 =	vld [tilespmem:$0x60];
	_ =	sdelay $0x4  }
0x58: {  	v30 =	vshll.u32 v3, $0x1  }
0x59: {  	v3 =	vand.u32 $0x7, v3;
	v4 =	vand.u32 $0xFFFFFFF0, v30  }
0x5a: {  	v3 =	vor.u32 v3, v4  }
0x5b: {  	v4 =	vperm.xlane v3, v0;
	_ =	sdelay $0x1  }
0x5c: {  	v3 =	vperm.xlane v3, v2;
	v4 =	vadd.s32 v1, v4;
	_ =	sdelay $0x1  }
0x5d: {  	v3 =	vadd.s32 v1, v3;
	_ =	sdelay $0x1  }
0x5e: {  	s7 =	simm.s32 $0x6600  }
0x5f: {  	[tilespmem:s7], [sflag:$0x1] =	stream.indirect_vreg.gather [hbm4b:s1+s3], $0x80, v4, vm0, $0xb8;
	[tilespmem:$0x18600] =	vst v63  }
0x60: {  	s14 =	simm.s32 $0x6E00  }
0x61: {  	[tilespmem:s14], [sflag:$0x1] =	stream.indirect_vreg.gather [hbm4b:s1+s3], $0x80, v3, vm0, $0xb8;
	[tilespmem:$0x18600] =	vst v63  }
0x62: {  	v3 =	vld [tilespmem:$0x70];
	_ =	sdelay $0x4  }
0x63: {  	v31 =	vshll.u32 v3, $0x1  }
0x64: {  	v3 =	vand.u32 $0x7, v3;
	v4 =	vand.u32 $0xFFFFFFF0, v31  }
0x65: {  	v3 =	vor.u32 v3, v4  }
0x66: {  	v4 =	vperm.xlane v3, v0;
	_ =	sdelay $0x1  }
0x67: {  	v3 =	vperm.xlane v3, v2;
	v4 =	vadd.s32 v1, v4;
	_ =	sdelay $0x1  }
0x68: {  	v3 =	vadd.s32 v1, v3;
	_ =	sdelay $0x1  }
0x69: {  	s15 =	simm.s32 $0x7600  }
0x6a: {  	[tilespmem:s15], [sflag:$0x1] =	stream.indirect_vreg.gather [hbm4b:s1+s3], $0x80, v4, vm0, $0xb8;
	[tilespmem:$0x18600] =	vst v63  }
0x6b: {  	s16 =	simm.s32 $0x7E00  }
0x6c: {  	[tilespmem:s16], [sflag:$0x1] =	stream.indirect_vreg.gather [hbm4b:s1+s3], $0x80, v3, vm0, $0xb8;
	[tilespmem:$0x18600] =	vst v63  }
0x6d: {  	v3 =	vld [tilespmem:$0x80];
	_ =	sdelay $0x4  }
0x6e: {  	v32 =	vshll.u32 v3, $0x1  }
0x6f: {  	v3 =	vand.u32 $0x7, v3;
	v4 =	vand.u32 $0xFFFFFFF0, v32  }
0x70: {  	v3 =	vor.u32 v3, v4  }
0x71: {  	v4 =	vperm.xlane v3, v0;
	_ =	sdelay $0x1  }
0x72: {  	v3 =	vperm.xlane v3, v2;
	v4 =	vadd.s32 v1, v4;
	_ =	sdelay $0x1  }
0x73: {  	v3 =	vadd.s32 v1, v3;
	_ =	sdelay $0x1  }
0x74: {  	s17 =	simm.s32 $0x8600  }
0x75: {  	[tilespmem:s17], [sflag:$0x1] =	stream.indirect_vreg.gather [hbm4b:s1+s3], $0x80, v4, vm0, $0xb8;
	[tilespmem:$0x18600] =	vst v63  }
0x76: {  	s18 =	simm.s32 $0x8E00  }
0x77: {  	[tilespmem:s18], [sflag:$0x1] =	stream.indirect_vreg.gather [hbm4b:s1+s3], $0x80, v3, vm0, $0xb8;
	[tilespmem:$0x18600] =	vst v63  }
0x78: {  	v3 =	vld [tilespmem:$0x90];
	_ =	sdelay $0x4  }
0x79: {  	v33 =	vshll.u32 v3, $0x1  }
0x7a: {  	v3 =	vand.u32 $0x7, v3;
	v4 =	vand.u32 $0xFFFFFFF0, v33  }
0x7b: {  	v3 =	vor.u32 v3, v4  }
0x7c: {  	v4 =	vperm.xlane v3, v0;
	_ =	sdelay $0x1  }
0x7d: {  	v3 =	vperm.xlane v3, v2;
	v4 =	vadd.s32 v1, v4;
	_ =	sdelay $0x1  }
0x7e: {  	v3 =	vadd.s32 v1, v3;
	_ =	sdelay $0x1  }
0x7f: {  	s26 =	simm.s32 $0x9600  }
0x80: {  	[tilespmem:s26], [sflag:$0x1] =	stream.indirect_vreg.gather [hbm4b:s1+s3], $0x80, v4, vm0, $0xb8;
	[tilespmem:$0x18600] =	vst v63  }
0x81: {  	s28 =	simm.s32 $0x9E00  }
0x82: {  	[tilespmem:s28], [sflag:$0x1] =	stream.indirect_vreg.gather [hbm4b:s1+s3], $0x80, v3, vm0, $0xb8;
	[tilespmem:$0x18600] =	vst v63  }
0x83: {  	v3 =	vld [tilespmem:$0xA0];
	_ =	sdelay $0x4  }
0x84: {  	v34 =	vshll.u32 v3, $0x1  }
0x85: {  	v3 =	vand.u32 $0x7, v3;
	v4 =	vand.u32 $0xFFFFFFF0, v34  }
0x86: {  	v3 =	vor.u32 v3, v4  }
0x87: {  	v4 =	vperm.xlane v3, v0;
	_ =	sdelay $0x1  }
0x88: {  	v3 =	vperm.xlane v3, v2;
	v4 =	vadd.s32 v1, v4;
	_ =	sdelay $0x1  }
0x89: {  	v3 =	vadd.s32 v1, v3;
	_ =	sdelay $0x1  }
0x8a: {  	s7 =	simm.s32 $0xA600  }
0x8b: {  	[tilespmem:s7], [sflag:$0x1] =	stream.indirect_vreg.gather [hbm4b:s1+s3], $0x80, v4, vm0, $0xb8;
	[tilespmem:$0x18600] =	vst v63  }
0x8c: {  	s18 =	simm.s32 $0xAE00  }
0x8d: {  	[tilespmem:s18], [sflag:$0x1] =	stream.indirect_vreg.gather [hbm4b:s1+s3], $0x80, v3, vm0, $0xb8;
	[tilespmem:$0x18600] =	vst v63  }
0x8e: {  	v3 =	vld [tilespmem:$0xB0];
	_ =	sdelay $0x4  }
0x8f: {  	v35 =	vshll.u32 v3, $0x1  }
0x90: {  	v3 =	vand.u32 $0x7, v3;
	v4 =	vand.u32 $0xFFFFFFF0, v35  }
0x91: {  	v3 =	vor.u32 v3, v4  }
0x92: {  	v4 =	vperm.xlane v3, v0;
	_ =	sdelay $0x1  }
0x93: {  	v3 =	vperm.xlane v3, v2;
	v4 =	vadd.s32 v1, v4;
	_ =	sdelay $0x1  }
0x94: {  	v3 =	vadd.s32 v1, v3;
	_ =	sdelay $0x1  }
0x95: {  	s7 =	simm.s32 $0xB600  }
0x96: {  	[tilespmem:s7], [sflag:$0x1] =	stream.indirect_vreg.gather [hbm4b:s1+s3], $0x80, v4, vm0, $0xb8;
	[tilespmem:$0x18600] =	vst v63  }
0x97: {  	s7 =	simm.s32 $0xBE00  }
0x98: {  	[tilespmem:s7], [sflag:$0x1] =	stream.indirect_vreg.gather [hbm4b:s1+s3], $0x80, v3, vm0, $0xb8;
	[tilespmem:$0x18600] =	vst v63  }
0x99: {  	v3 =	vld [tilespmem:$0xC0];
	_ =	sdelay $0x4  }
0x9a: {  	v36 =	vshll.u32 v3, $0x1  }
0x9b: {  	v3 =	vand.u32 $0x7, v3;
	v4 =	vand.u32 $0xFFFFFFF0, v36  }
0x9c: {  	v3 =	vor.u32 v3, v4  }
0x9d: {  	v4 =	vperm.xlane v3, v0;
	_ =	sdelay $0x1  }
0x9e: {  	v3 =	vperm.xlane v3, v2;
	v4 =	vadd.s32 v1, v4;
	_ =	sdelay $0x1  }
0x9f: {  	v3 =	vadd.s32 v1, v3;
	_ =	sdelay $0x2  }
0xa0: {  	[tilespmem:s2], [sflag:$0x2] =	stream.indirect_vreg.gather [hbm4b:s1+s3], $0x80, v4, vm0, $0xb8;
	[tilespmem:$0x18600] =	vst v63  }
0xa1: {  	s4 =	simm.s32 $0xCE00  }
0xa2: {  	[tilespmem:s4], [sflag:$0x2] =	stream.indirect_vreg.gather [hbm4b:s1+s3], $0x80, v3, vm0, $0xb8;
	[tilespmem:$0x18600] =	vst v63  }
0xa3: {  	v3 =	vld [tilespmem:$0xD0];
	_ =	sdelay $0x4  }
0xa4: {  	v37 =	vshll.u32 v3, $0x1  }
0xa5: {  	v3 =	vand.u32 $0x7, v3;
	v4 =	vand.u32 $0xFFFFFFF0, v37  }
0xa6: {  	v3 =	vor.u32 v3, v4  }
0xa7: {  	v4 =	vperm.xlane v3, v0;
	_ =	sdelay $0x1  }
0xa8: {  	v3 =	vperm.xlane v3, v2;
	v4 =	vadd.s32 v1, v4;
	_ =	sdelay $0x1  }
0xa9: {  	v3 =	vadd.s32 v1, v3;
	_ =	sdelay $0x1  }
0xaa: {  	s4 =	simm.s32 $0xD600  }
0xab: {  	[tilespmem:s4], [sflag:$0x2] =	stream.indirect_vreg.gather [hbm4b:s1+s3], $0x80, v4, vm0, $0xb8;
	[tilespmem:$0x18600] =	vst v63  }
0xac: {  	s4 =	simm.s32 $0xDE00  }
0xad: {  	[tilespmem:s4], [sflag:$0x2] =	stream.indirect_vreg.gather [hbm4b:s1+s3], $0x80, v3, vm0, $0xb8;
	[tilespmem:$0x18600] =	vst v63  }
0xae: {  	v3 =	vld [tilespmem:$0xE0];
	_ =	sdelay $0x4  }
0xaf: {  	v38 =	vshll.u32 v3, $0x1  }
0xb0: {  	v3 =	vand.u32 $0x7, v3;
	v4 =	vand.u32 $0xFFFFFFF0, v38  }
0xb1: {  	v3 =	vor.u32 v3, v4  }
0xb2: {  	v4 =	vperm.xlane v3, v0;
	_ =	sdelay $0x1  }
0xb3: {  	v3 =	vperm.xlane v3, v2;
	v4 =	vadd.s32 v1, v4;
	_ =	sdelay $0x1  }
0xb4: {  	v3 =	vadd.s32 v1, v3;
	_ =	sdelay $0x1  }
0xb5: {  	s4 =	simm.s32 $0xE600  }
0xb6: {  	[tilespmem:s4], [sflag:$0x2] =	stream.indirect_vreg.gather [hbm4b:s1+s3], $0x80, v4, vm0, $0xb8;
	[tilespmem:$0x18600] =	vst v63  }
0xb7: {  	s4 =	simm.s32 $0xEE00  }
0xb8: {  	[tilespmem:s4], [sflag:$0x2] =	stream.indirect_vreg.gather [hbm4b:s1+s3], $0x80, v3, vm0, $0xb8;
	[tilespmem:$0x18600] =	vst v63  }
0xb9: {  	v3 =	vld [tilespmem:$0xF0];
	_ =	sdelay $0x4  }
0xba: {  	v39 =	vshll.u32 v3, $0x1  }
0xbb: {  	v3 =	vand.u32 $0x7, v3;
	v4 =	vand.u32 $0xFFFFFFF0, v39  }
0xbc: {  	v3 =	vor.u32 v3, v4  }
0xbd: {  	v4 =	vperm.xlane v3, v0;
	_ =	sdelay $0x1  }
0xbe: {  	v3 =	vperm.xlane v3, v2;
	v4 =	vadd.s32 v1, v4;
	_ =	sdelay $0x1  }
0xbf: {  	v3 =	vadd.s32 v1, v3;
	_ =	sdelay $0x1  }
0xc0: {  	s4 =	simm.s32 $0xF600  }
0xc1: {  	[tilespmem:s4], [sflag:$0x2] =	stream.indirect_vreg.gather [hbm4b:s1+s3], $0x80, v4, vm0, $0xb8;
	[tilespmem:$0x18600] =	vst v63  }
0xc2: {  	s4 =	simm.s32 $0xFE00  }
0xc3: {  	[tilespmem:s4], [sflag:$0x2] =	stream.indirect_vreg.gather [hbm4b:s1+s3], $0x80, v3, vm0, $0xb8;
	[tilespmem:$0x18600] =	vst v63  }
0xc4: {  	v3 =	vld [tilespmem:$0x100];
	_ =	sdelay $0x4  }
0xc5: {  	v40 =	vshll.u32 v3, $0x1  }
0xc6: {  	v3 =	vand.u32 $0x7, v3;
	v4 =	vand.u32 $0xFFFFFFF0, v40  }
0xc7: {  	v3 =	vor.u32 v3, v4  }
0xc8: {  	v4 =	vperm.xlane v3, v0;
	_ =	sdelay $0x1  }
0xc9: {  	v3 =	vperm.xlane v3, v2;
	v4 =	vadd.s32 v1, v4;
	_ =	sdelay $0x1  }
0xca: {  	v3 =	vadd.s32 v1, v3;
	_ =	sdelay $0x1  }
0xcb: {  	s4 =	simm.s32 $0x10600  }
0xcc: {  	[tilespmem:s4], [sflag:$0x2] =	stream.indirect_vreg.gather [hbm4b:s1+s3], $0x80, v4, vm0, $0xb8;
	[tilespmem:$0x18600] =	vst v63  }
0xcd: {  	s4 =	simm.s32 $0x10E00  }
0xce: {  	[tilespmem:s4], [sflag:$0x2] =	stream.indirect_vreg.gather [hbm4b:s1+s3], $0x80, v3, vm0, $0xb8;
	[tilespmem:$0x18600] =	vst v63  }
0xcf: {  	v3 =	vld [tilespmem:$0x110];
	_ =	sdelay $0x4  }
0xd0: {  	v41 =	vshll.u32 v3, $0x1  }
0xd1: {  	v3 =	vand.u32 $0x7, v3;
	v4 =	vand.u32 $0xFFFFFFF0, v41  }
0xd2: {  	v3 =	vor.u32 v3, v4  }
0xd3: {  	v4 =	vperm.xlane v3, v0;
	_ =	sdelay $0x1  }
0xd4: {  	v3 =	vperm.xlane v3, v2;
	v4 =	vadd.s32 v1, v4;
	_ =	sdelay $0x1  }
0xd5: {  	v3 =	vadd.s32 v1, v3;
	_ =	sdelay $0x1  }
0xd6: {  	s4 =	simm.s32 $0x11600  }
0xd7: {  	[tilespmem:s4], [sflag:$0x2] =	stream.indirect_vreg.gather [hbm4b:s1+s3], $0x80, v4, vm0, $0xb8;
	[tilespmem:$0x18600] =	vst v63  }
0xd8: {  	s4 =	simm.s32 $0x11E00  }
0xd9: {  	[tilespmem:s4], [sflag:$0x2] =	stream.indirect_vreg.gather [hbm4b:s1+s3], $0x80, v3, vm0, $0xb8;
	[tilespmem:$0x18600] =	vst v63  }
0xda: {  	v3 =	vld [tilespmem:$0x120];
	_ =	sdelay $0x4  }
0xdb: {  	v42 =	vshll.u32 v3, $0x1  }
0xdc: {  	v3 =	vand.u32 $0x7, v3;
	v4 =	vand.u32 $0xFFFFFFF0, v42  }
0xdd: {  	v3 =	vor.u32 v3, v4  }
0xde: {  	v4 =	vperm.xlane v3, v0;
	_ =	sdelay $0x1  }
0xdf: {  	v3 =	vperm.xlane v3, v2;
	v4 =	vadd.s32 v1, v4;
	_ =	sdelay $0x1  }
0xe0: {  	v3 =	vadd.s32 v1, v3;
	_ =	sdelay $0x1  }
0xe1: {  	s4 =	simm.s32 $0x12600  }
0xe2: {  	[tilespmem:s4], [sflag:$0x2] =	stream.indirect_vreg.gather [hbm4b:s1+s3], $0x80, v4, vm0, $0xb8;
	[tilespmem:$0x18600] =	vst v63  }
0xe3: {  	s4 =	simm.s32 $0x12E00  }
0xe4: {  	[tilespmem:s4], [sflag:$0x2] =	stream.indirect_vreg.gather [hbm4b:s1+s3], $0x80, v3, vm0, $0xb8;
	[tilespmem:$0x18600] =	vst v63  }
0xe5: {  	v3 =	vld [tilespmem:$0x130];
	_ =	sdelay $0x4  }
0xe6: {  	v43 =	vshll.u32 v3, $0x1  }
0xe7: {  	v3 =	vand.u32 $0x7, v3;
	v4 =	vand.u32 $0xFFFFFFF0, v43  }
0xe8: {  	v3 =	vor.u32 v3, v4  }
0xe9: {  	v4 =	vperm.xlane v3, v0;
	_ =	sdelay $0x1  }
0xea: {  	v3 =	vperm.xlane v3, v2;
	v4 =	vadd.s32 v1, v4;
	_ =	sdelay $0x1  }
0xeb: {  	v3 =	vadd.s32 v1, v3;
	_ =	sdelay $0x1  }
0xec: {  	s4 =	simm.s32 $0x13600  }
0xed: {  	[tilespmem:s4], [sflag:$0x2] =	stream.indirect_vreg.gather [hbm4b:s1+s3], $0x80, v4, vm0, $0xb8;
	[tilespmem:$0x18600] =	vst v63  }
0xee: {  	s4 =	simm.s32 $0x13E00  }
0xef: {  	[tilespmem:s4], [sflag:$0x2] =	stream.indirect_vreg.gather [hbm4b:s1+s3], $0x80, v3, vm0, $0xb8;
	[tilespmem:$0x18600] =	vst v63  }
0xf0: {  	v3 =	vld [tilespmem:$0x140];
	_ =	sdelay $0x4  }
0xf1: {  	v44 =	vshll.u32 v3, $0x1  }
0xf2: {  	v3 =	vand.u32 $0x7, v3;
	v4 =	vand.u32 $0xFFFFFFF0, v44  }
0xf3: {  	v3 =	vor.u32 v3, v4  }
0xf4: {  	v4 =	vperm.xlane v3, v0;
	_ =	sdelay $0x1  }
0xf5: {  	v3 =	vperm.xlane v3, v2;
	v4 =	vadd.s32 v1, v4;
	_ =	sdelay $0x1  }
0xf6: {  	v3 =	vadd.s32 v1, v3;
	_ =	sdelay $0x1  }
0xf7: {  	s4 =	simm.s32 $0x14600  }
0xf8: {  	[tilespmem:s4], [sflag:$0x2] =	stream.indirect_vreg.gather [hbm4b:s1+s3], $0x80, v4, vm0, $0xb8;
	[tilespmem:$0x18600] =	vst v63  }
0xf9: {  	s4 =	simm.s32 $0x14E00  }
0xfa: {  	[tilespmem:s4], [sflag:$0x2] =	stream.indirect_vreg.gather [hbm4b:s1+s3], $0x80, v3, vm0, $0xb8;
	[tilespmem:$0x18600] =	vst v63  }
0xfb: {  	v3 =	vld [tilespmem:$0x150];
	_ =	sdelay $0x4  }
0xfc: {  	v45 =	vshll.u32 v3, $0x1  }
0xfd: {  	v3 =	vand.u32 $0x7, v3;
	v4 =	vand.u32 $0xFFFFFFF0, v45  }
0xfe: {  	v3 =	vor.u32 v3, v4  }
0xff: {  	v4 =	vperm.xlane v3, v0;
	_ =	sdelay $0x1  }
0x100: {  	v3 =	vperm.xlane v3, v2;
	v4 =	vadd.s32 v1, v4;
	_ =	sdelay $0x1  }
0x101: {  	v3 =	vadd.s32 v1, v3;
	_ =	sdelay $0x1  }
0x102: {  	s4 =	simm.s32 $0x15600  }
0x103: {  	[tilespmem:s4], [sflag:$0x2] =	stream.indirect_vreg.gather [hbm4b:s1+s3], $0x80, v4, vm0, $0xb8;
	[tilespmem:$0x18600] =	vst v63  }
0x104: {  	s4 =	simm.s32 $0x15E00  }
0x105: {  	[tilespmem:s4], [sflag:$0x2] =	stream.indirect_vreg.gather [hbm4b:s1+s3], $0x80, v3, vm0, $0xb8;
	[tilespmem:$0x18600] =	vst v63  }
0x106: {  	v3 =	vld [tilespmem:$0x160];
	_ =	sdelay $0x4  }
0x107: {  	v46 =	vshll.u32 v3, $0x1  }
0x108: {  	v3 =	vand.u32 $0x7, v3;
	v4 =	vand.u32 $0xFFFFFFF0, v46  }
0x109: {  	v3 =	vor.u32 v3, v4  }
0x10a: {  	v4 =	vperm.xlane v3, v0;
	_ =	sdelay $0x1  }
0x10b: {  	v3 =	vperm.xlane v3, v2;
	v4 =	vadd.s32 v1, v4;
	_ =	sdelay $0x1  }
0x10c: {  	v3 =	vadd.s32 v1, v3;
	_ =	sdelay $0x1  }
0x10d: {  	s4 =	simm.s32 $0x16600  }
0x10e: {  	[tilespmem:s4], [sflag:$0x2] =	stream.indirect_vreg.gather [hbm4b:s1+s3], $0x80, v4, vm0, $0xb8;
	[tilespmem:$0x18600] =	vst v63  }
0x10f: {  	s4 =	simm.s32 $0x16E00  }
0x110: {  	[tilespmem:s4], [sflag:$0x2] =	stream.indirect_vreg.gather [hbm4b:s1+s3], $0x80, v3, vm0, $0xb8;
	[tilespmem:$0x18600] =	vst v63  }
0x111: {  	v3 =	vld [tilespmem:$0x170];
	_ =	sdelay $0x4  }
0x112: {  	v47 =	vshll.u32 v3, $0x1  }
0x113: {  	v3 =	vand.u32 $0x7, v3;
	v4 =	vand.u32 $0xFFFFFFF0, v47  }
0x114: {  	v3 =	vor.u32 v3, v4  }
0x115: {  	v4 =	vperm.xlane v3, v0;
	_ =	sdelay $0x1  }
0x116: {  	v3 =	vperm.xlane v3, v2;
	v4 =	vadd.s32 v1, v4;
	_ =	sdelay $0x1  }
0x117: {  	v3 =	vadd.s32 v1, v3;
	_ =	sdelay $0x1  }
0x118: {  	s4 =	simm.s32 $0x17600  }
0x119: {  	[tilespmem:s4], [sflag:$0x2] =	stream.indirect_vreg.gather [hbm4b:s1+s3], $0x80, v4, vm0, $0xb8;
	[tilespmem:$0x18600] =	vst v63  }
0x11a: {  	s4 =	simm.s32 $0x17E00  }
0x11b: {  	[tilespmem:s4], [sflag:$0x2] =	stream.indirect_vreg.gather [hbm4b:s1+s3], $0x80, v3, vm0, $0xb8;
	[tilespmem:$0x18600] =	vst v63  }
0x11c: {  	_ =	swait.ge [sflag:s29], $0xC000  }
0x11d: {  	[sflag:s29] =	ssyncset.done $0x0  }
0x11e: {  	s4 =	rddreg [dreg:$0xc];
	[sflag:s29] =	ssyncadd.s32 $0xFFFF4000  }
0x11f: {  	[hbm4b:s4+s3] =	stream.linear.scatter [tilespmem:s6], [sflag:$0x3], $0xC000, $0x38;
	[tilespmem:$0x18600] =	vst v63  }
0x120: {  	_ =	swait.ge [sflag:s30], $0xC000  }
0x121: {  	[sflag:s30] =	ssyncset.done $0x0  }
0x122: {  	[sflag:s30] =	ssyncadd.s32 $0xFFFF4000  }
0x123: {  	v3 =	vld [tilespmem:$0x180];
	_ =	sdelay $0x4  }
0x124: {  	v48 =	vshll.u32 v3, $0x1  }
0x125: {  	v3 =	vand.u32 $0x7, v3;
	v4 =	vand.u32 $0xFFFFFFF0, v48  }
0x126: {  	v3 =	vor.u32 v3, v4  }
0x127: {  	v4 =	vperm.xlane v3, v0;
	_ =	sdelay $0x1  }
0x128: {  	v3 =	vperm.xlane v3, v2;
	v4 =	vadd.s32 v1, v4;
	_ =	sdelay $0x1  }
0x129: {  	v3 =	vadd.s32 v1, v3;
	_ =	sdelay $0x2  }
0x12a: {  	[tilespmem:s6], [sflag:$0x1] =	stream.indirect_vreg.gather [hbm4b:s1+s3], $0x80, v4, vm0, $0xb8;
	[tilespmem:$0x18600] =	vst v63  }
0x12b: {  	s8 =	simm.s32 $0xE00  }
0x12c: {  	[tilespmem:s8], [sflag:$0x1] =	stream.indirect_vreg.gather [hbm4b:s1+s3], $0x80, v3, vm0, $0xb8;
	[tilespmem:$0x18600] =	vst v63  }
0x12d: {  	v3 =	vld [tilespmem:$0x190];
	_ =	sdelay $0x4  }
0x12e: {  	v49 =	vshll.u32 v3, $0x1  }
0x12f: {  	v3 =	vand.u32 $0x7, v3;
	v4 =	vand.u32 $0xFFFFFFF0, v49  }
0x130: {  	v3 =	vor.u32 v3, v4  }
0x131: {  	v4 =	vperm.xlane v3, v0;
	_ =	sdelay $0x1  }
0x132: {  	v3 =	vperm.xlane v3, v2;
	v4 =	vadd.s32 v1, v4;
	_ =	sdelay $0x1  }
0x133: {  	v3 =	vadd.s32 v1, v3;
	_ =	sdelay $0x1  }
0x134: {  	s8 =	simm.s32 $0x1600  }
0x135: {  	[tilespmem:s8], [sflag:$0x1] =	stream.indirect_vreg.gather [hbm4b:s1+s3], $0x80, v4, vm0, $0xb8;
	[tilespmem:$0x18600] =	vst v63  }
0x136: {  	s9 =	simm.s32 $0x1E00  }
0x137: {  	[tilespmem:s9], [sflag:$0x1] =	stream.indirect_vreg.gather [hbm4b:s1+s3], $0x80, v3, vm0, $0xb8;
	[tilespmem:$0x18600] =	vst v63  }
0x138: {  	v3 =	vld [tilespmem:$0x1A0];
	_ =	sdelay $0x4  }
0x139: {  	v50 =	vshll.u32 v3, $0x1  }
0x13a: {  	v3 =	vand.u32 $0x7, v3;
	v4 =	vand.u32 $0xFFFFFFF0, v50  }
0x13b: {  	v3 =	vor.u32 v3, v4  }
0x13c: {  	v4 =	vperm.xlane v3, v0;
	_ =	sdelay $0x1  }
0x13d: {  	v3 =	vperm.xlane v3, v2;
	v4 =	vadd.s32 v1, v4;
	_ =	sdelay $0x1  }
0x13e: {  	v3 =	vadd.s32 v1, v3;
	_ =	sdelay $0x1  }
0x13f: {  	s19 =	simm.s32 $0x2600  }
0x140: {  	[tilespmem:s19], [sflag:$0x1] =	stream.indirect_vreg.gather [hbm4b:s1+s3], $0x80, v4, vm0, $0xb8;
	[tilespmem:$0x18600] =	vst v63  }
0x141: {  	s10 =	simm.s32 $0x2E00  }
0x142: {  	[tilespmem:s10], [sflag:$0x1] =	stream.indirect_vreg.gather [hbm4b:s1+s3], $0x80, v3, vm0, $0xb8;
	[tilespmem:$0x18600] =	vst v63  }
0x143: {  	v3 =	vld [tilespmem:$0x1B0];
	_ =	sdelay $0x4  }
0x144: {  	v51 =	vshll.u32 v3, $0x1  }
0x145: {  	v3 =	vand.u32 $0x7, v3;
	v4 =	vand.u32 $0xFFFFFFF0, v51  }
0x146: {  	v3 =	vor.u32 v3, v4  }
0x147: {  	v4 =	vperm.xlane v3, v0;
	_ =	sdelay $0x1  }
0x148: {  	v3 =	vperm.xlane v3, v2;
	v4 =	vadd.s32 v1, v4;
	_ =	sdelay $0x1  }
0x149: {  	v3 =	vadd.s32 v1, v3;
	_ =	sdelay $0x1  }
0x14a: {  	s20 =	simm.s32 $0x3600  }
0x14b: {  	[tilespmem:s20], [sflag:$0x1] =	stream.indirect_vreg.gather [hbm4b:s1+s3], $0x80, v4, vm0, $0xb8;
	[tilespmem:$0x18600] =	vst v63  }
0x14c: {  	s11 =	simm.s32 $0x3E00  }
0x14d: {  	[tilespmem:s11], [sflag:$0x1] =	stream.indirect_vreg.gather [hbm4b:s1+s3], $0x80, v3, vm0, $0xb8;
	[tilespmem:$0x18600] =	vst v63  }
0x14e: {  	v3 =	vld [tilespmem:$0x1C0];
	_ =	sdelay $0x4  }
0x14f: {  	v52 =	vshll.u32 v3, $0x1  }
0x150: {  	v3 =	vand.u32 $0x7, v3;
	v4 =	vand.u32 $0xFFFFFFF0, v52  }
0x151: {  	v3 =	vor.u32 v3, v4  }
0x152: {  	v4 =	vperm.xlane v3, v0;
	_ =	sdelay $0x1  }
0x153: {  	v3 =	vperm.xlane v3, v2;
	v4 =	vadd.s32 v1, v4;
	_ =	sdelay $0x1  }
0x154: {  	v3 =	vadd.s32 v1, v3;
	_ =	sdelay $0x1  }
0x155: {  	s21 =	simm.s32 $0x4600  }
0x156: {  	[tilespmem:s21], [sflag:$0x1] =	stream.indirect_vreg.gather [hbm4b:s1+s3], $0x80, v4, vm0, $0xb8;
	[tilespmem:$0x18600] =	vst v63  }
0x157: {  	s12 =	simm.s32 $0x4E00  }
0x158: {  	[tilespmem:s12], [sflag:$0x1] =	stream.indirect_vreg.gather [hbm4b:s1+s3], $0x80, v3, vm0, $0xb8;
	[tilespmem:$0x18600] =	vst v63  }
0x159: {  	v3 =	vld [tilespmem:$0x1D0];
	_ =	sdelay $0x4  }
0x15a: {  	v53 =	vshll.u32 v3, $0x1  }
0x15b: {  	v3 =	vand.u32 $0x7, v3;
	v4 =	vand.u32 $0xFFFFFFF0, v53  }
0x15c: {  	v3 =	vor.u32 v3, v4  }
0x15d: {  	v4 =	vperm.xlane v3, v0;
	_ =	sdelay $0x1  }
0x15e: {  	v3 =	vperm.xlane v3, v2;
	v4 =	vadd.s32 v1, v4;
	_ =	sdelay $0x1  }
0x15f: {  	v3 =	vadd.s32 v1, v3;
	_ =	sdelay $0x1  }
0x160: {  	s22 =	simm.s32 $0x5600  }
0x161: {  	[tilespmem:s22], [sflag:$0x1] =	stream.indirect_vreg.gather [hbm4b:s1+s3], $0x80, v4, vm0, $0xb8;
	[tilespmem:$0x18600] =	vst v63  }
0x162: {  	s13 =	simm.s32 $0x5E00  }
0x163: {  	[tilespmem:s13], [sflag:$0x1] =	stream.indirect_vreg.gather [hbm4b:s1+s3], $0x80, v3, vm0, $0xb8;
	[tilespmem:$0x18600] =	vst v63  }
0x164: {  	v3 =	vld [tilespmem:$0x1E0];
	_ =	sdelay $0x4  }
0x165: {  	v54 =	vshll.u32 v3, $0x1  }
0x166: {  	v3 =	vand.u32 $0x7, v3;
	v4 =	vand.u32 $0xFFFFFFF0, v54  }
0x167: {  	v3 =	vor.u32 v3, v4  }
0x168: {  	v4 =	vperm.xlane v3, v0;
	_ =	sdelay $0x1  }
0x169: {  	v3 =	vperm.xlane v3, v2;
	v4 =	vadd.s32 v1, v4;
	_ =	sdelay $0x1  }
0x16a: {  	v3 =	vadd.s32 v1, v3;
	_ =	sdelay $0x1  }
0x16b: {  	s23 =	simm.s32 $0x6600  }
0x16c: {  	[tilespmem:s23], [sflag:$0x1] =	stream.indirect_vreg.gather [hbm4b:s1+s3], $0x80, v4, vm0, $0xb8;
	[tilespmem:$0x18600] =	vst v63  }
0x16d: {  	s14 =	simm.s32 $0x6E00  }
0x16e: {  	[tilespmem:s14], [sflag:$0x1] =	stream.indirect_vreg.gather [hbm4b:s1+s3], $0x80, v3, vm0, $0xb8;
	[tilespmem:$0x18600] =	vst v63  }
0x16f: {  	v3 =	vld [tilespmem:$0x1F0];
	_ =	sdelay $0x4  }
0x170: {  	v55 =	vshll.u32 v3, $0x1  }
0x171: {  	v3 =	vand.u32 $0x7, v3;
	v4 =	vand.u32 $0xFFFFFFF0, v55  }
0x172: {  	v3 =	vor.u32 v3, v4  }
0x173: {  	v4 =	vperm.xlane v3, v0;
	_ =	sdelay $0x1  }
0x174: {  	v3 =	vperm.xlane v3, v2;
	v4 =	vadd.s32 v1, v4;
	_ =	sdelay $0x1  }
0x175: {  	v3 =	vadd.s32 v1, v3;
	_ =	sdelay $0x1  }
0x176: {  	s24 =	simm.s32 $0x7600  }
0x177: {  	[tilespmem:s24], [sflag:$0x1] =	stream.indirect_vreg.gather [hbm4b:s1+s3], $0x80, v4, vm0, $0xb8;
	[tilespmem:$0x18600] =	vst v63  }
0x178: {  	s15 =	simm.s32 $0x7E00  }
0x179: {  	[tilespmem:s15], [sflag:$0x1] =	stream.indirect_vreg.gather [hbm4b:s1+s3], $0x80, v3, vm0, $0xb8;
	[tilespmem:$0x18600] =	vst v63  }
0x17a: {  	v3 =	vld [tilespmem:$0x200];
	_ =	sdelay $0x4  }
0x17b: {  	v56 =	vshll.u32 v3, $0x1  }
0x17c: {  	v3 =	vand.u32 $0x7, v3;
	v4 =	vand.u32 $0xFFFFFFF0, v56  }
0x17d: {  	v3 =	vor.u32 v3, v4  }
0x17e: {  	v4 =	vperm.xlane v3, v0;
	_ =	sdelay $0x1  }
0x17f: {  	v3 =	vperm.xlane v3, v2;
	v4 =	vadd.s32 v1, v4;
	_ =	sdelay $0x1  }
0x180: {  	v3 =	vadd.s32 v1, v3;
	_ =	sdelay $0x1  }
0x181: {  	s25 =	simm.s32 $0x8600  }
0x182: {  	[tilespmem:s25], [sflag:$0x1] =	stream.indirect_vreg.gather [hbm4b:s1+s3], $0x80, v4, vm0, $0xb8;
	[tilespmem:$0x18600] =	vst v63  }
0x183: {  	s16 =	simm.s32 $0x8E00  }
0x184: {  	[tilespmem:s16], [sflag:$0x1] =	stream.indirect_vreg.gather [hbm4b:s1+s3], $0x80, v3, vm0, $0xb8;
	[tilespmem:$0x18600] =	vst v63  }
0x185: {  	v3 =	vld [tilespmem:$0x210];
	_ =	sdelay $0x4  }
0x186: {  	v57 =	vshll.u32 v3, $0x1  }
0x187: {  	v3 =	vand.u32 $0x7, v3;
	v4 =	vand.u32 $0xFFFFFFF0, v57  }
0x188: {  	v3 =	vor.u32 v3, v4  }
0x189: {  	v4 =	vperm.xlane v3, v0;
	_ =	sdelay $0x1  }
0x18a: {  	v3 =	vperm.xlane v3, v2;
	v4 =	vadd.s32 v1, v4;
	_ =	sdelay $0x1  }
0x18b: {  	v3 =	vadd.s32 v1, v3;
	_ =	sdelay $0x1  }
0x18c: {  	s26 =	simm.s32 $0x9600  }
0x18d: {  	[tilespmem:s26], [sflag:$0x1] =	stream.indirect_vreg.gather [hbm4b:s1+s3], $0x80, v4, vm0, $0xb8;
	[tilespmem:$0x18600] =	vst v63  }
0x18e: {  	s17 =	simm.s32 $0x9E00  }
0x18f: {  	[tilespmem:s17], [sflag:$0x1] =	stream.indirect_vreg.gather [hbm4b:s1+s3], $0x80, v3, vm0, $0xb8;
	[tilespmem:$0x18600] =	vst v63  }
0x190: {  	v3 =	vld [tilespmem:$0x220];
	_ =	sdelay $0x4  }
0x191: {  	v58 =	vshll.u32 v3, $0x1  }
0x192: {  	v3 =	vand.u32 $0x7, v3;
	v4 =	vand.u32 $0xFFFFFFF0, v58  }
0x193: {  	v3 =	vor.u32 v3, v4  }
0x194: {  	v4 =	vperm.xlane v3, v0;
	_ =	sdelay $0x1  }
0x195: {  	v3 =	vperm.xlane v3, v2;
	v4 =	vadd.s32 v1, v4;
	_ =	sdelay $0x1  }
0x196: {  	v3 =	vadd.s32 v1, v3;
	_ =	sdelay $0x1  }
0x197: {  	s28 =	simm.s32 $0xA600  }
0x198: {  	[tilespmem:s28], [sflag:$0x1] =	stream.indirect_vreg.gather [hbm4b:s1+s3], $0x80, v4, vm0, $0xb8;
	[tilespmem:$0x18600] =	vst v63  }
0x199: {  	s18 =	simm.s32 $0xAE00  }
0x19a: {  	[tilespmem:s18], [sflag:$0x1] =	stream.indirect_vreg.gather [hbm4b:s1+s3], $0x80, v3, vm0, $0xb8;
	[tilespmem:$0x18600] =	vst v63  }
0x19b: {  	v3 =	vld [tilespmem:$0x230];
	_ =	sdelay $0x4  }
0x19c: {  	v59 =	vshll.u32 v3, $0x1  }
0x19d: {  	v3 =	vand.u32 $0x7, v3;
	v4 =	vand.u32 $0xFFFFFFF0, v59  }
0x19e: {  	v3 =	vor.u32 v3, v4  }
0x19f: {  	v4 =	vperm.xlane v3, v0;
	_ =	sdelay $0x1  }
0x1a0: {  	v3 =	vperm.xlane v3, v2;
	v4 =	vadd.s32 v1, v4;
	_ =	sdelay $0x1  }
0x1a1: {  	v3 =	vadd.s32 v1, v3;
	_ =	sdelay $0x1  }
0x1a2: {  	s22 =	simm.s32 $0xB600  }
0x1a3: {  	[tilespmem:s22], [sflag:$0x1] =	stream.indirect_vreg.gather [hbm4b:s1+s3], $0x80, v4, vm0, $0xb8;
	[tilespmem:$0x18600] =	vst v63  }
0x1a4: {  	s7 =	simm.s32 $0xBE00  }
0x1a5: {  	[tilespmem:s7], [sflag:$0x1] =	stream.indirect_vreg.gather [hbm4b:s1+s3], $0x80, v3, vm0, $0xb8;
	[tilespmem:$0x18600] =	vst v63  }
0x1a6: {  	_ =	swait.ge [sflag:s31], $0xC000  }
0x1a7: {  	[sflag:s31] =	ssyncset.done $0x0  }
0x1a8: {  	s23 =	rddreg [dreg:$0x5];
	[sflag:s31] =	ssyncadd.s32 $0xFFFF4000  }
0x1a9: {  	[hbm4b:s23+s3] =	stream.linear.scatter [tilespmem:s2], [sflag:$0x4], $0xC000, $0x38;
	[tilespmem:$0x18600] =	vst v63  }
0x1aa: {  	_ =	swait.ge [sflag:s0], $0xC000  }
0x1ab: {  	[sflag:s0] =	ssyncset.done $0x0  }
0x1ac: {  	[sflag:s0] =	ssyncadd.s32 $0xFFFF4000  }
0x1ad: {  	v3 =	vld [tilespmem:$0x240];
	_ =	sdelay $0x4  }
0x1ae: {  	v60 =	vshll.u32 v3, $0x1  }
0x1af: {  	v3 =	vand.u32 $0x7, v3;
	v4 =	vand.u32 $0xFFFFFFF0, v60  }
0x1b0: {  	v3 =	vor.u32 v3, v4  }
0x1b1: {  	v4 =	vperm.xlane v3, v0;
	_ =	sdelay $0x1  }
0x1b2: {  	v3 =	vperm.xlane v3, v2;
	v4 =	vadd.s32 v1, v4;
	_ =	sdelay $0x1  }
0x1b3: {  	v3 =	vadd.s32 v1, v3;
	_ =	sdelay $0x2  }
0x1b4: {  	[tilespmem:s2], [sflag:$0x2] =	stream.indirect_vreg.gather [hbm4b:s1+s3], $0x80, v4, vm0, $0xb8;
	[tilespmem:$0x18600] =	vst v63  }
0x1b5: {  	s24 =	simm.s32 $0xCE00  }
0x1b6: {  	[tilespmem:s24], [sflag:$0x2] =	stream.indirect_vreg.gather [hbm4b:s1+s3], $0x80, v3, vm0, $0xb8;
	[tilespmem:$0x18600] =	vst v63  }
0x1b7: {  	v3 =	vld [tilespmem:$0x250];
	_ =	sdelay $0x4  }
0x1b8: {  	v61 =	vshll.u32 v3, $0x1  }
0x1b9: {  	v3 =	vand.u32 $0x7, v3;
	v4 =	vand.u32 $0xFFFFFFF0, v61  }
0x1ba: {  	v3 =	vor.u32 v3, v4  }
0x1bb: {  	v4 =	vperm.xlane v3, v0;
	_ =	sdelay $0x1  }
0x1bc: {  	v3 =	vperm.xlane v3, v2;
	v4 =	vadd.s32 v1, v4;
	_ =	sdelay $0x1  }
0x1bd: {  	v3 =	vadd.s32 v1, v3;
	_ =	sdelay $0x1  }
0x1be: {  	s25 =	simm.s32 $0xD600  }
0x1bf: {  	[tilespmem:s25], [sflag:$0x2] =	stream.indirect_vreg.gather [hbm4b:s1+s3], $0x80, v4, vm0, $0xb8;
	[tilespmem:$0x18600] =	vst v63  }
0x1c0: {  	s26 =	simm.s32 $0xDE00  }
0x1c1: {  	[tilespmem:s26], [sflag:$0x2] =	stream.indirect_vreg.gather [hbm4b:s1+s3], $0x80, v3, vm0, $0xb8;
	[tilespmem:$0x18600] =	vst v63  }
0x1c2: {  	v3 =	vld [tilespmem:$0x260];
	_ =	sdelay $0x4  }
0x1c3: {  	v62 =	vshll.u32 v3, $0x1  }
0x1c4: {  	v3 =	vand.u32 $0x7, v3;
	v4 =	vand.u32 $0xFFFFFFF0, v62  }
0x1c5: {  	v3 =	vor.u32 v3, v4  }
0x1c6: {  	v4 =	vperm.xlane v3, v0;
	_ =	sdelay $0x1  }
0x1c7: {  	v3 =	vperm.xlane v3, v2;
	v4 =	vadd.s32 v1, v4;
	_ =	sdelay $0x1  }
0x1c8: {  	v3 =	vadd.s32 v1, v3;
	_ =	sdelay $0x1  }
0x1c9: {  	s28 =	simm.s32 $0xE600  }
0x1ca: {  	[tilespmem:s28], [sflag:$0x2] =	stream.indirect_vreg.gather [hbm4b:s1+s3], $0x80, v4, vm0, $0xb8;
	[tilespmem:$0x18600] =	vst v63  }
0x1cb: {  	s9 =	simm.s32 $0xEE00  }
0x1cc: {  	[tilespmem:s9], [sflag:$0x2] =	stream.indirect_vreg.gather [hbm4b:s1+s3], $0x80, v3, vm0, $0xb8;
	[tilespmem:$0x18600] =	vst v63  }
0x1cd: {  	v3 =	vld [tilespmem:$0x270];
	_ =	sdelay $0x4  }
0x1ce: {  	v63 =	vshll.u32 v3, $0x1  }
0x1cf: {  	v3 =	vand.u32 $0x7, v3;
	v4 =	vand.u32 $0xFFFFFFF0, v63  }
0x1d0: {  	v3 =	vor.u32 v3, v4  }
0x1d1: {  	v4 =	vperm.xlane v3, v0;
	_ =	sdelay $0x1  }
0x1d2: {  	v3 =	vperm.xlane v3, v2;
	v4 =	vadd.s32 v1, v4;
	_ =	sdelay $0x1  }
0x1d3: {  	v3 =	vadd.s32 v1, v3;
	_ =	sdelay $0x1  }
0x1d4: {  	s10 =	simm.s32 $0xF600  }
0x1d5: {  	[tilespmem:s10], [sflag:$0x2] =	stream.indirect_vreg.gather [hbm4b:s1+s3], $0x80, v4, vm0, $0xb8;
	[tilespmem:$0x18600] =	vst v63  }
0x1d6: {  	s11 =	simm.s32 $0xFE00  }
0x1d7: {  	[tilespmem:s11], [sflag:$0x2] =	stream.indirect_vreg.gather [hbm4b:s1+s3], $0x80, v3, vm0, $0xb8;
	[tilespmem:$0x18600] =	vst v63  }
0x1d8: {  	v3 =	vld [tilespmem:$0x280];
	_ =	sdelay $0x4  }
0x1d9: {  	v8 =	vshll.u32 v3, $0x1  }
0x1da: {  	v3 =	vand.u32 $0x7, v3;
	v4 =	vand.u32 $0xFFFFFFF0, v8  }
0x1db: {  	v3 =	vor.u32 v3, v4  }
0x1dc: {  	v4 =	vperm.xlane v3, v0;
	_ =	sdelay $0x1  }
0x1dd: {  	v3 =	vperm.xlane v3, v2;
	v4 =	vadd.s32 v1, v4;
	_ =	sdelay $0x1  }
0x1de: {  	v3 =	vadd.s32 v1, v3;
	_ =	sdelay $0x1  }
0x1df: {  	s12 =	simm.s32 $0x10600  }
0x1e0: {  	[tilespmem:s12], [sflag:$0x2] =	stream.indirect_vreg.gather [hbm4b:s1+s3], $0x80, v4, vm0, $0xb8;
	[tilespmem:$0x18600] =	vst v63  }
0x1e1: {  	s13 =	simm.s32 $0x10E00  }
0x1e2: {  	[tilespmem:s13], [sflag:$0x2] =	stream.indirect_vreg.gather [hbm4b:s1+s3], $0x80, v3, vm0, $0xb8;
	[tilespmem:$0x18600] =	vst v63  }
0x1e3: {  	v3 =	vld [tilespmem:$0x290];
	_ =	sdelay $0x4  }
0x1e4: {  	v9 =	vshll.u32 v3, $0x1  }
0x1e5: {  	v3 =	vand.u32 $0x7, v3;
	v4 =	vand.u32 $0xFFFFFFF0, v9  }
0x1e6: {  	v3 =	vor.u32 v3, v4  }
0x1e7: {  	v4 =	vperm.xlane v3, v0;
	_ =	sdelay $0x1  }
0x1e8: {  	v3 =	vperm.xlane v3, v2;
	v4 =	vadd.s32 v1, v4;
	_ =	sdelay $0x1  }
0x1e9: {  	v3 =	vadd.s32 v1, v3;
	_ =	sdelay $0x1  }
0x1ea: {  	s14 =	simm.s32 $0x11600  }
0x1eb: {  	[tilespmem:s14], [sflag:$0x2] =	stream.indirect_vreg.gather [hbm4b:s1+s3], $0x80, v4, vm0, $0xb8;
	[tilespmem:$0x18600] =	vst v63  }
0x1ec: {  	s15 =	simm.s32 $0x11E00  }
0x1ed: {  	[tilespmem:s15], [sflag:$0x2] =	stream.indirect_vreg.gather [hbm4b:s1+s3], $0x80, v3, vm0, $0xb8;
	[tilespmem:$0x18600] =	vst v63  }
0x1ee: {  	v3 =	vld [tilespmem:$0x2A0];
	_ =	sdelay $0x4  }
0x1ef: {  	v10 =	vshll.u32 v3, $0x1  }
0x1f0: {  	v3 =	vand.u32 $0x7, v3;
	v4 =	vand.u32 $0xFFFFFFF0, v10  }
0x1f1: {  	v3 =	vor.u32 v3, v4  }
0x1f2: {  	v4 =	vperm.xlane v3, v0;
	_ =	sdelay $0x1  }
0x1f3: {  	v3 =	vperm.xlane v3, v2;
	v4 =	vadd.s32 v1, v4;
	_ =	sdelay $0x1  }
0x1f4: {  	v3 =	vadd.s32 v1, v3;
	_ =	sdelay $0x1  }
0x1f5: {  	s16 =	simm.s32 $0x12600  }
0x1f6: {  	[tilespmem:s16], [sflag:$0x2] =	stream.indirect_vreg.gather [hbm4b:s1+s3], $0x80, v4, vm0, $0xb8;
	[tilespmem:$0x18600] =	vst v63  }
0x1f7: {  	s23 =	simm.s32 $0x12E00  }
0x1f8: {  	[tilespmem:s23], [sflag:$0x2] =	stream.indirect_vreg.gather [hbm4b:s1+s3], $0x80, v3, vm0, $0xb8;
	[tilespmem:$0x18600] =	vst v63  }
0x1f9: {  	v3 =	vld [tilespmem:$0x2B0];
	_ =	sdelay $0x4  }
0x1fa: {  	v11 =	vshll.u32 v3, $0x1  }
0x1fb: {  	v3 =	vand.u32 $0x7, v3;
	v4 =	vand.u32 $0xFFFFFFF0, v11  }
0x1fc: {  	v3 =	vor.u32 v3, v4  }
0x1fd: {  	v4 =	vperm.xlane v3, v0;
	_ =	sdelay $0x1  }
0x1fe: {  	v3 =	vperm.xlane v3, v2;
	v4 =	vadd.s32 v1, v4;
	_ =	sdelay $0x1  }
0x1ff: {  	v3 =	vadd.s32 v1, v3;
	_ =	sdelay $0x1  }
0x200: {  	s24 =	simm.s32 $0x13600  }
0x201: {  	[tilespmem:s24], [sflag:$0x2] =	stream.indirect_vreg.gather [hbm4b:s1+s3], $0x80, v4, vm0, $0xb8;
	[tilespmem:$0x18600] =	vst v63  }
0x202: {  	s25 =	simm.s32 $0x13E00  }
0x203: {  	[tilespmem:s25], [sflag:$0x2] =	stream.indirect_vreg.gather [hbm4b:s1+s3], $0x80, v3, vm0, $0xb8;
	[tilespmem:$0x18600] =	vst v63  }
0x204: {  	v3 =	vld [tilespmem:$0x2C0];
	_ =	sdelay $0x4  }
0x205: {  	v12 =	vshll.u32 v3, $0x1  }
0x206: {  	v3 =	vand.u32 $0x7, v3;
	v4 =	vand.u32 $0xFFFFFFF0, v12  }
0x207: {  	v3 =	vor.u32 v3, v4  }
0x208: {  	v4 =	vperm.xlane v3, v0;
	_ =	sdelay $0x1  }
0x209: {  	v3 =	vperm.xlane v3, v2;
	v4 =	vadd.s32 v1, v4;
	_ =	sdelay $0x1  }
0x20a: {  	v3 =	vadd.s32 v1, v3;
	_ =	sdelay $0x1  }
0x20b: {  	s26 =	simm.s32 $0x14600  }
0x20c: {  	[tilespmem:s26], [sflag:$0x2] =	stream.indirect_vreg.gather [hbm4b:s1+s3], $0x80, v4, vm0, $0xb8;
	[tilespmem:$0x18600] =	vst v63  }
0x20d: {  	s28 =	simm.s32 $0x14E00  }
0x20e: {  	[tilespmem:s28], [sflag:$0x2] =	stream.indirect_vreg.gather [hbm4b:s1+s3], $0x80, v3, vm0, $0xb8;
	[tilespmem:$0x18600] =	vst v63  }
0x20f: {  	v3 =	vld [tilespmem:$0x2D0];
	_ =	sdelay $0x4  }
0x210: {  	v13 =	vshll.u32 v3, $0x1  }
0x211: {  	v3 =	vand.u32 $0x7, v3;
	v4 =	vand.u32 $0xFFFFFFF0, v13  }
0x212: {  	v3 =	vor.u32 v3, v4  }
0x213: {  	v4 =	vperm.xlane v3, v0;
	_ =	sdelay $0x1  }
0x214: {  	v3 =	vperm.xlane v3, v2;
	v4 =	vadd.s32 v1, v4;
	_ =	sdelay $0x1  }
0x215: {  	v3 =	vadd.s32 v1, v3;
	_ =	sdelay $0x1  }
0x216: {  	s14 =	simm.s32 $0x15600  }
0x217: {  	[tilespmem:s14], [sflag:$0x2] =	stream.indirect_vreg.gather [hbm4b:s1+s3], $0x80, v4, vm0, $0xb8;
	[tilespmem:$0x18600] =	vst v63  }
0x218: {  	s15 =	simm.s32 $0x15E00  }
0x219: {  	[tilespmem:s15], [sflag:$0x2] =	stream.indirect_vreg.gather [hbm4b:s1+s3], $0x80, v3, vm0, $0xb8;
	[tilespmem:$0x18600] =	vst v63  }
0x21a: {  	v3 =	vld [tilespmem:$0x2E0];
	_ =	sdelay $0x4  }
0x21b: {  	v14 =	vshll.u32 v3, $0x1  }
0x21c: {  	v3 =	vand.u32 $0x7, v3;
	v4 =	vand.u32 $0xFFFFFFF0, v14  }
0x21d: {  	v3 =	vor.u32 v3, v4  }
0x21e: {  	v4 =	vperm.xlane v3, v0;
	_ =	sdelay $0x1  }
0x21f: {  	v3 =	vperm.xlane v3, v2;
	v4 =	vadd.s32 v1, v4;
	_ =	sdelay $0x1  }
0x220: {  	v3 =	vadd.s32 v1, v3;
	_ =	sdelay $0x1  }
0x221: {  	s16 =	simm.s32 $0x16600  }
0x222: {  	[tilespmem:s16], [sflag:$0x2] =	stream.indirect_vreg.gather [hbm4b:s1+s3], $0x80, v4, vm0, $0xb8;
	[tilespmem:$0x18600] =	vst v63  }
0x223: {  	s28 =	simm.s32 $0x16E00  }
0x224: {  	[tilespmem:s28], [sflag:$0x2] =	stream.indirect_vreg.gather [hbm4b:s1+s3], $0x80, v3, vm0, $0xb8;
	[tilespmem:$0x18600] =	vst v63  }
0x225: {  	v3 =	vld [tilespmem:$0x2F0];
	_ =	sdelay $0x4  }
0x226: {  	v15 =	vshll.u32 v3, $0x1  }
0x227: {  	v3 =	vand.u32 $0x7, v3;
	v4 =	vand.u32 $0xFFFFFFF0, v15  }
0x228: {  	v3 =	vor.u32 v3, v4  }
0x229: {  	v4 =	vperm.xlane v3, v0;
	_ =	sdelay $0x1  }
0x22a: {  	v3 =	vperm.xlane v3, v2;
	v4 =	vadd.s32 v1, v4;
	_ =	sdelay $0x1  }
0x22b: {  	v3 =	vadd.s32 v1, v3;
	_ =	sdelay $0x1  }
0x22c: {  	s16 =	simm.s32 $0x17600  }
0x22d: {  	[tilespmem:s16], [sflag:$0x2] =	stream.indirect_vreg.gather [hbm4b:s1+s3], $0x80, v4, vm0, $0xb8;
	[tilespmem:$0x18600] =	vst v63  }
0x22e: {  	s4 =	simm.s32 $0x17E00  }
0x22f: {  	[tilespmem:s4], [sflag:$0x2] =	stream.indirect_vreg.gather [hbm4b:s1+s3], $0x80, v3, vm0, $0xb8;
	[tilespmem:$0x18600] =	vst v63  }
0x230: {  	_ =	swait.ge [sflag:s29], $0xC000  }
0x231: {  	[sflag:s29] =	ssyncset.done $0x0  }
0x232: {  	s4 =	rddreg [dreg:$0x6];
	[sflag:s29] =	ssyncadd.s32 $0xFFFF4000  }
0x233: {  	[hbm4b:s4+s3] =	stream.linear.scatter [tilespmem:s6], [sflag:$0x3], $0xC000, $0x38;
	[tilespmem:$0x18600] =	vst v63  }
0x234: {  	_ =	swait.ge [sflag:s30], $0xC000  }
0x235: {  	[sflag:s30] =	ssyncset.done $0x0  }
0x236: {  	[sflag:s30] =	ssyncadd.s32 $0xFFFF4000  }
0x237: {  	v3 =	vld [tilespmem:$0x300];
	_ =	sdelay $0x4  }
0x238: {  	v16 =	vshll.u32 v3, $0x1  }
0x239: {  	v3 =	vand.u32 $0x7, v3;
	v4 =	vand.u32 $0xFFFFFFF0, v16  }
0x23a: {  	v3 =	vor.u32 v3, v4  }
0x23b: {  	v4 =	vperm.xlane v3, v0;
	_ =	sdelay $0x1  }
0x23c: {  	v3 =	vperm.xlane v3, v2;
	v4 =	vadd.s32 v1, v4;
	_ =	sdelay $0x1  }
0x23d: {  	v3 =	vadd.s32 v1, v3;
	_ =	sdelay $0x2  }
0x23e: {  	[tilespmem:s6], [sflag:$0x1] =	stream.indirect_vreg.gather [hbm4b:s1+s3], $0x80, v4, vm0, $0xb8;
	[tilespmem:$0x18600] =	vst v63  }
0x23f: {  	s4 =	simm.s32 $0xE00  }
0x240: {  	[tilespmem:s4], [sflag:$0x1] =	stream.indirect_vreg.gather [hbm4b:s1+s3], $0x80, v3, vm0, $0xb8;
	[tilespmem:$0x18600] =	vst v63  }
0x241: {  	v3 =	vld [tilespmem:$0x310];
	_ =	sdelay $0x4  }
0x242: {  	v17 =	vshll.u32 v3, $0x1  }
0x243: {  	v3 =	vand.u32 $0x7, v3;
	v4 =	vand.u32 $0xFFFFFFF0, v17  }
0x244: {  	v3 =	vor.u32 v3, v4  }
0x245: {  	v4 =	vperm.xlane v3, v0;
	_ =	sdelay $0x1  }
0x246: {  	v3 =	vperm.xlane v3, v2;
	v4 =	vadd.s32 v1, v4;
	_ =	sdelay $0x1  }
0x247: {  	v3 =	vadd.s32 v1, v3;
	_ =	sdelay $0x1  }
0x248: {  	s4 =	simm.s32 $0x1600  }
0x249: {  	[tilespmem:s4], [sflag:$0x1] =	stream.indirect_vreg.gather [hbm4b:s1+s3], $0x80, v4, vm0, $0xb8;
	[tilespmem:$0x18600] =	vst v63  }
0x24a: {  	s4 =	simm.s32 $0x1E00  }
0x24b: {  	[tilespmem:s4], [sflag:$0x1] =	stream.indirect_vreg.gather [hbm4b:s1+s3], $0x80, v3, vm0, $0xb8;
	[tilespmem:$0x18600] =	vst v63  }
0x24c: {  	v3 =	vld [tilespmem:$0x320];
	_ =	sdelay $0x4  }
0x24d: {  	v18 =	vshll.u32 v3, $0x1  }
0x24e: {  	v3 =	vand.u32 $0x7, v3;
	v4 =	vand.u32 $0xFFFFFFF0, v18  }
0x24f: {  	v3 =	vor.u32 v3, v4  }
0x250: {  	v4 =	vperm.xlane v3, v0;
	_ =	sdelay $0x1  }
0x251: {  	v3 =	vperm.xlane v3, v2;
	v4 =	vadd.s32 v1, v4;
	_ =	sdelay $0x1  }
0x252: {  	v3 =	vadd.s32 v1, v3;
	_ =	sdelay $0x1  }
0x253: {  	s4 =	simm.s32 $0x2600  }
0x254: {  	[tilespmem:s4], [sflag:$0x1] =	stream.indirect_vreg.gather [hbm4b:s1+s3], $0x80, v4, vm0, $0xb8;
	[tilespmem:$0x18600] =	vst v63  }
0x255: {  	s4 =	simm.s32 $0x2E00  }
0x256: {  	[tilespmem:s4], [sflag:$0x1] =	stream.indirect_vreg.gather [hbm4b:s1+s3], $0x80, v3, vm0, $0xb8;
	[tilespmem:$0x18600] =	vst v63  }
0x257: {  	v3 =	vld [tilespmem:$0x330];
	_ =	sdelay $0x4  }
0x258: {  	v19 =	vshll.u32 v3, $0x1  }
0x259: {  	v3 =	vand.u32 $0x7, v3;
	v4 =	vand.u32 $0xFFFFFFF0, v19  }
0x25a: {  	v3 =	vor.u32 v3, v4  }
0x25b: {  	v4 =	vperm.xlane v3, v0;
	_ =	sdelay $0x1  }
0x25c: {  	v3 =	vperm.xlane v3, v2;
	v4 =	vadd.s32 v1, v4;
	_ =	sdelay $0x1  }
0x25d: {  	v3 =	vadd.s32 v1, v3;
	_ =	sdelay $0x1  }
0x25e: {  	s4 =	simm.s32 $0x3600  }
0x25f: {  	[tilespmem:s4], [sflag:$0x1] =	stream.indirect_vreg.gather [hbm4b:s1+s3], $0x80, v4, vm0, $0xb8;
	[tilespmem:$0x18600] =	vst v63  }
0x260: {  	s4 =	simm.s32 $0x3E00  }
0x261: {  	[tilespmem:s4], [sflag:$0x1] =	stream.indirect_vreg.gather [hbm4b:s1+s3], $0x80, v3, vm0, $0xb8;
	[tilespmem:$0x18600] =	vst v63  }
0x262: {  	v3 =	vld [tilespmem:$0x340];
	_ =	sdelay $0x4  }
0x263: {  	v20 =	vshll.u32 v3, $0x1  }
0x264: {  	v3 =	vand.u32 $0x7, v3;
	v4 =	vand.u32 $0xFFFFFFF0, v20  }
0x265: {  	v3 =	vor.u32 v3, v4  }
0x266: {  	v4 =	vperm.xlane v3, v0;
	_ =	sdelay $0x1  }
0x267: {  	v3 =	vperm.xlane v3, v2;
	v4 =	vadd.s32 v1, v4;
	_ =	sdelay $0x1  }
0x268: {  	v3 =	vadd.s32 v1, v3;
	_ =	sdelay $0x1  }
0x269: {  	s4 =	simm.s32 $0x4600  }
0x26a: {  	[tilespmem:s4], [sflag:$0x1] =	stream.indirect_vreg.gather [hbm4b:s1+s3], $0x80, v4, vm0, $0xb8;
	[tilespmem:$0x18600] =	vst v63  }
0x26b: {  	s4 =	simm.s32 $0x4E00  }
0x26c: {  	[tilespmem:s4], [sflag:$0x1] =	stream.indirect_vreg.gather [hbm4b:s1+s3], $0x80, v3, vm0, $0xb8;
	[tilespmem:$0x18600] =	vst v63  }
0x26d: {  	v3 =	vld [tilespmem:$0x350];
	_ =	sdelay $0x4  }
0x26e: {  	v21 =	vshll.u32 v3, $0x1  }
0x26f: {  	v3 =	vand.u32 $0x7, v3;
	v4 =	vand.u32 $0xFFFFFFF0, v21  }
0x270: {  	v3 =	vor.u32 v3, v4  }
0x271: {  	v4 =	vperm.xlane v3, v0;
	_ =	sdelay $0x1  }
0x272: {  	v3 =	vperm.xlane v3, v2;
	v4 =	vadd.s32 v1, v4;
	_ =	sdelay $0x1  }
0x273: {  	v3 =	vadd.s32 v1, v3;
	_ =	sdelay $0x1  }
0x274: {  	s4 =	simm.s32 $0x5600  }
0x275: {  	[tilespmem:s4], [sflag:$0x1] =	stream.indirect_vreg.gather [hbm4b:s1+s3], $0x80, v4, vm0, $0xb8;
	[tilespmem:$0x18600] =	vst v63  }
0x276: {  	s4 =	simm.s32 $0x5E00  }
0x277: {  	[tilespmem:s4], [sflag:$0x1] =	stream.indirect_vreg.gather [hbm4b:s1+s3], $0x80, v3, vm0, $0xb8;
	[tilespmem:$0x18600] =	vst v63  }
0x278: {  	v3 =	vld [tilespmem:$0x360];
	_ =	sdelay $0x4  }
0x279: {  	v22 =	vshll.u32 v3, $0x1  }
0x27a: {  	v3 =	vand.u32 $0x7, v3;
	v4 =	vand.u32 $0xFFFFFFF0, v22  }
0x27b: {  	v3 =	vor.u32 v3, v4  }
0x27c: {  	v4 =	vperm.xlane v3, v0;
	_ =	sdelay $0x1  }
0x27d: {  	v3 =	vperm.xlane v3, v2;
	v4 =	vadd.s32 v1, v4;
	_ =	sdelay $0x1  }
0x27e: {  	v3 =	vadd.s32 v1, v3;
	_ =	sdelay $0x1  }
0x27f: {  	s4 =	simm.s32 $0x6600  }
0x280: {  	[tilespmem:s4], [sflag:$0x1] =	stream.indirect_vreg.gather [hbm4b:s1+s3], $0x80, v4, vm0, $0xb8;
	[tilespmem:$0x18600] =	vst v63  }
0x281: {  	s4 =	simm.s32 $0x6E00  }
0x282: {  	[tilespmem:s4], [sflag:$0x1] =	stream.indirect_vreg.gather [hbm4b:s1+s3], $0x80, v3, vm0, $0xb8;
	[tilespmem:$0x18600] =	vst v63  }
0x283: {  	v3 =	vld [tilespmem:$0x370];
	_ =	sdelay $0x4  }
0x284: {  	v23 =	vshll.u32 v3, $0x1  }
0x285: {  	v3 =	vand.u32 $0x7, v3;
	v4 =	vand.u32 $0xFFFFFFF0, v23  }
0x286: {  	v3 =	vor.u32 v3, v4  }
0x287: {  	v4 =	vperm.xlane v3, v0;
	_ =	sdelay $0x1  }
0x288: {  	v3 =	vperm.xlane v3, v2;
	v4 =	vadd.s32 v1, v4;
	_ =	sdelay $0x1  }
0x289: {  	v3 =	vadd.s32 v1, v3;
	_ =	sdelay $0x1  }
0x28a: {  	s4 =	simm.s32 $0x7600  }
0x28b: {  	[tilespmem:s4], [sflag:$0x1] =	stream.indirect_vreg.gather [hbm4b:s1+s3], $0x80, v4, vm0, $0xb8;
	[tilespmem:$0x18600] =	vst v63  }
0x28c: {  	s4 =	simm.s32 $0x7E00  }
0x28d: {  	[tilespmem:s4], [sflag:$0x1] =	stream.indirect_vreg.gather [hbm4b:s1+s3], $0x80, v3, vm0, $0xb8;
	[tilespmem:$0x18600] =	vst v63  }
0x28e: {  	v3 =	vld [tilespmem:$0x380];
	_ =	sdelay $0x4  }
0x28f: {  	v24 =	vshll.u32 v3, $0x1  }
0x290: {  	v3 =	vand.u32 $0x7, v3;
	v4 =	vand.u32 $0xFFFFFFF0, v24  }
0x291: {  	v3 =	vor.u32 v3, v4  }
0x292: {  	v4 =	vperm.xlane v3, v0;
	_ =	sdelay $0x1  }
0x293: {  	v3 =	vperm.xlane v3, v2;
	v4 =	vadd.s32 v1, v4;
	_ =	sdelay $0x1  }
0x294: {  	v3 =	vadd.s32 v1, v3;
	_ =	sdelay $0x1  }
0x295: {  	s4 =	simm.s32 $0x8600  }
0x296: {  	[tilespmem:s4], [sflag:$0x1] =	stream.indirect_vreg.gather [hbm4b:s1+s3], $0x80, v4, vm0, $0xb8;
	[tilespmem:$0x18600] =	vst v63  }
0x297: {  	s4 =	simm.s32 $0x8E00  }
0x298: {  	[tilespmem:s4], [sflag:$0x1] =	stream.indirect_vreg.gather [hbm4b:s1+s3], $0x80, v3, vm0, $0xb8;
	[tilespmem:$0x18600] =	vst v63  }
0x299: {  	v3 =	vld [tilespmem:$0x390];
	_ =	sdelay $0x4  }
0x29a: {  	v25 =	vshll.u32 v3, $0x1  }
0x29b: {  	v3 =	vand.u32 $0x7, v3;
	v4 =	vand.u32 $0xFFFFFFF0, v25  }
0x29c: {  	v3 =	vor.u32 v3, v4  }
0x29d: {  	v4 =	vperm.xlane v3, v0;
	_ =	sdelay $0x1  }
0x29e: {  	v3 =	vperm.xlane v3, v2;
	v4 =	vadd.s32 v1, v4;
	_ =	sdelay $0x1  }
0x29f: {  	v3 =	vadd.s32 v1, v3;
	_ =	sdelay $0x1  }
0x2a0: {  	s4 =	simm.s32 $0x9600  }
0x2a1: {  	[tilespmem:s4], [sflag:$0x1] =	stream.indirect_vreg.gather [hbm4b:s1+s3], $0x80, v4, vm0, $0xb8;
	[tilespmem:$0x18600] =	vst v63  }
0x2a2: {  	s4 =	simm.s32 $0x9E00  }
0x2a3: {  	[tilespmem:s4], [sflag:$0x1] =	stream.indirect_vreg.gather [hbm4b:s1+s3], $0x80, v3, vm0, $0xb8;
	[tilespmem:$0x18600] =	vst v63  }
0x2a4: {  	v3 =	vld [tilespmem:$0x3A0];
	_ =	sdelay $0x4  }
0x2a5: {  	v26 =	vshll.u32 v3, $0x1  }
0x2a6: {  	v3 =	vand.u32 $0x7, v3;
	v4 =	vand.u32 $0xFFFFFFF0, v26  }
0x2a7: {  	v3 =	vor.u32 v3, v4  }
0x2a8: {  	v4 =	vperm.xlane v3, v0;
	_ =	sdelay $0x1  }
0x2a9: {  	v3 =	vperm.xlane v3, v2;
	v4 =	vadd.s32 v1, v4;
	_ =	sdelay $0x1  }
0x2aa: {  	v3 =	vadd.s32 v1, v3;
	_ =	sdelay $0x1  }
0x2ab: {  	s4 =	simm.s32 $0xA600  }
0x2ac: {  	[tilespmem:s4], [sflag:$0x1] =	stream.indirect_vreg.gather [hbm4b:s1+s3], $0x80, v4, vm0, $0xb8;
	[tilespmem:$0x18600] =	vst v63  }
0x2ad: {  	s4 =	simm.s32 $0xAE00  }
0x2ae: {  	[tilespmem:s4], [sflag:$0x1] =	stream.indirect_vreg.gather [hbm4b:s1+s3], $0x80, v3, vm0, $0xb8;
	[tilespmem:$0x18600] =	vst v63  }
0x2af: {  	v3 =	vld [tilespmem:$0x3B0];
	_ =	sdelay $0x4  }
0x2b0: {  	v27 =	vshll.u32 v3, $0x1  }
0x2b1: {  	v3 =	vand.u32 $0x7, v3;
	v4 =	vand.u32 $0xFFFFFFF0, v27  }
0x2b2: {  	v3 =	vor.u32 v3, v4  }
0x2b3: {  	v4 =	vperm.xlane v3, v0;
	_ =	sdelay $0x1  }
0x2b4: {  	v3 =	vperm.xlane v3, v2;
	v4 =	vadd.s32 v1, v4;
	_ =	sdelay $0x1  }
0x2b5: {  	v3 =	vadd.s32 v1, v3;
	_ =	sdelay $0x1  }
0x2b6: {  	s4 =	simm.s32 $0xB600  }
0x2b7: {  	[tilespmem:s4], [sflag:$0x1] =	stream.indirect_vreg.gather [hbm4b:s1+s3], $0x80, v4, vm0, $0xb8;
	[tilespmem:$0x18600] =	vst v63  }
0x2b8: {  	s4 =	simm.s32 $0xBE00  }
0x2b9: {  	[tilespmem:s4], [sflag:$0x1] =	stream.indirect_vreg.gather [hbm4b:s1+s3], $0x80, v3, vm0, $0xb8;
	[tilespmem:$0x18600] =	vst v63  }
0x2ba: {  	_ =	swait.ge [sflag:s31], $0xC000  }
0x2bb: {  	[sflag:s31] =	ssyncset.done $0x0  }
0x2bc: {  	s4 =	rddreg [dreg:$0x7];
	[sflag:s31] =	ssyncadd.s32 $0xFFFF4000  }
0x2bd: {  	[hbm4b:s4+s3] =	stream.linear.scatter [tilespmem:s2], [sflag:$0x4], $0xC000, $0x38;
	[tilespmem:$0x18600] =	vst v63  }
0x2be: {  	_ =	swait.ge [sflag:s0], $0xC000  }
0x2bf: {  	[sflag:s0] =	ssyncset.done $0x0  }
0x2c0: {  	[sflag:s0] =	ssyncadd.s32 $0xFFFF4000  }
0x2c1: {  	v3 =	vld [tilespmem:$0x3C0];
	_ =	sdelay $0x4  }
0x2c2: {  	v28 =	vshll.u32 v3, $0x1  }
0x2c3: {  	v3 =	vand.u32 $0x7, v3;
	v4 =	vand.u32 $0xFFFFFFF0, v28  }
0x2c4: {  	v3 =	vor.u32 v3, v4  }
0x2c5: {  	v4 =	vperm.xlane v3, v0;
	_ =	sdelay $0x1  }
0x2c6: {  	v3 =	vperm.xlane v3, v2;
	v4 =	vadd.s32 v1, v4;
	_ =	sdelay $0x1  }
0x2c7: {  	v3 =	vadd.s32 v1, v3;
	_ =	sdelay $0x2  }
0x2c8: {  	[tilespmem:s2], [sflag:$0x2] =	stream.indirect_vreg.gather [hbm4b:s1+s3], $0x80, v4, vm0, $0xb8;
	[tilespmem:$0x18600] =	vst v63  }
0x2c9: {  	s8 =	simm.s32 $0xCE00  }
0x2ca: {  	[tilespmem:s8], [sflag:$0x2] =	stream.indirect_vreg.gather [hbm4b:s1+s3], $0x80, v3, vm0, $0xb8;
	[tilespmem:$0x18600] =	vst v63  }
0x2cb: {  	v3 =	vld [tilespmem:$0x3D0];
	_ =	sdelay $0x4  }
0x2cc: {  	v29 =	vshll.u32 v3, $0x1  }
0x2cd: {  	v3 =	vand.u32 $0x7, v3;
	v4 =	vand.u32 $0xFFFFFFF0, v29  }
0x2ce: {  	v3 =	vor.u32 v3, v4  }
0x2cf: {  	v4 =	vperm.xlane v3, v0;
	_ =	sdelay $0x1  }
0x2d0: {  	v3 =	vperm.xlane v3, v2;
	v4 =	vadd.s32 v1, v4;
	_ =	sdelay $0x1  }
0x2d1: {  	v3 =	vadd.s32 v1, v3;
	_ =	sdelay $0x1  }
0x2d2: {  	s7 =	simm.s32 $0xD600  }
0x2d3: {  	[tilespmem:s7], [sflag:$0x2] =	stream.indirect_vreg.gather [hbm4b:s1+s3], $0x80, v4, vm0, $0xb8;
	[tilespmem:$0x18600] =	vst v63  }
0x2d4: {  	s17 =	simm.s32 $0xDE00  }
0x2d5: {  	[tilespmem:s17], [sflag:$0x2] =	stream.indirect_vreg.gather [hbm4b:s1+s3], $0x80, v3, vm0, $0xb8;
	[tilespmem:$0x18600] =	vst v63  }
0x2d6: {  	v3 =	vld [tilespmem:$0x3E0];
	_ =	sdelay $0x4  }
0x2d7: {  	v30 =	vshll.u32 v3, $0x1  }
0x2d8: {  	v3 =	vand.u32 $0x7, v3;
	v4 =	vand.u32 $0xFFFFFFF0, v30  }
0x2d9: {  	v3 =	vor.u32 v3, v4  }
0x2da: {  	v4 =	vperm.xlane v3, v0;
	_ =	sdelay $0x1  }
0x2db: {  	v3 =	vperm.xlane v3, v2;
	v4 =	vadd.s32 v1, v4;
	_ =	sdelay $0x1  }
0x2dc: {  	v3 =	vadd.s32 v1, v3;
	_ =	sdelay $0x1  }
0x2dd: {  	s4 =	simm.s32 $0xE600  }
0x2de: {  	[tilespmem:s4], [sflag:$0x2] =	stream.indirect_vreg.gather [hbm4b:s1+s3], $0x80, v4, vm0, $0xb8;
	[tilespmem:$0x18600] =	vst v63  }
0x2df: {  	s18 =	simm.s32 $0xEE00  }
0x2e0: {  	[tilespmem:s18], [sflag:$0x2] =	stream.indirect_vreg.gather [hbm4b:s1+s3], $0x80, v3, vm0, $0xb8;
	[tilespmem:$0x18600] =	vst v63  }
0x2e1: {  	v3 =	vld [tilespmem:$0x3F0];
	_ =	sdelay $0x4  }
0x2e2: {  	v31 =	vshll.u32 v3, $0x1  }
0x2e3: {  	v3 =	vand.u32 $0x7, v3;
	v4 =	vand.u32 $0xFFFFFFF0, v31  }
0x2e4: {  	v3 =	vor.u32 v3, v4  }
0x2e5: {  	v4 =	vperm.xlane v3, v0;
	_ =	sdelay $0x1  }
0x2e6: {  	v3 =	vperm.xlane v3, v2;
	v4 =	vadd.s32 v1, v4;
	_ =	sdelay $0x1  }
0x2e7: {  	v3 =	vadd.s32 v1, v3;
	_ =	sdelay $0x1  }
0x2e8: {  	s19 =	simm.s32 $0xF600  }
0x2e9: {  	[tilespmem:s19], [sflag:$0x2] =	stream.indirect_vreg.gather [hbm4b:s1+s3], $0x80, v4, vm0, $0xb8;
	[tilespmem:$0x18600] =	vst v63  }
0x2ea: {  	s20 =	simm.s32 $0xFE00  }
0x2eb: {  	[tilespmem:s20], [sflag:$0x2] =	stream.indirect_vreg.gather [hbm4b:s1+s3], $0x80, v3, vm0, $0xb8;
	[tilespmem:$0x18600] =	vst v63  }
0x2ec: {  	v3 =	vld [tilespmem:$0x400];
	_ =	sdelay $0x4  }
0x2ed: {  	v32 =	vshll.u32 v3, $0x1  }
0x2ee: {  	v3 =	vand.u32 $0x7, v3;
	v4 =	vand.u32 $0xFFFFFFF0, v32  }
0x2ef: {  	v3 =	vor.u32 v3, v4  }
0x2f0: {  	v4 =	vperm.xlane v3, v0;
	_ =	sdelay $0x1  }
0x2f1: {  	v3 =	vperm.xlane v3, v2;
	v4 =	vadd.s32 v1, v4;
	_ =	sdelay $0x1  }
0x2f2: {  	v3 =	vadd.s32 v1, v3;
	_ =	sdelay $0x1  }
0x2f3: {  	s9 =	simm.s32 $0x10600  }
0x2f4: {  	[tilespmem:s9], [sflag:$0x2] =	stream.indirect_vreg.gather [hbm4b:s1+s3], $0x80, v4, vm0, $0xb8;
	[tilespmem:$0x18600] =	vst v63  }
0x2f5: {  	s21 =	simm.s32 $0x10E00  }
0x2f6: {  	[tilespmem:s21], [sflag:$0x2] =	stream.indirect_vreg.gather [hbm4b:s1+s3], $0x80, v3, vm0, $0xb8;
	[tilespmem:$0x18600] =	vst v63  }
0x2f7: {  	v3 =	vld [tilespmem:$0x410];
	_ =	sdelay $0x4  }
0x2f8: {  	v33 =	vshll.u32 v3, $0x1  }
0x2f9: {  	v3 =	vand.u32 $0x7, v3;
	v4 =	vand.u32 $0xFFFFFFF0, v33  }
0x2fa: {  	v3 =	vor.u32 v3, v4  }
0x2fb: {  	v4 =	vperm.xlane v3, v0;
	_ =	sdelay $0x1  }
0x2fc: {  	v3 =	vperm.xlane v3, v2;
	v4 =	vadd.s32 v1, v4;
	_ =	sdelay $0x1  }
0x2fd: {  	v3 =	vadd.s32 v1, v3;
	_ =	sdelay $0x1  }
0x2fe: {  	s10 =	simm.s32 $0x11600  }
0x2ff: {  	[tilespmem:s10], [sflag:$0x2] =	stream.indirect_vreg.gather [hbm4b:s1+s3], $0x80, v4, vm0, $0xb8;
	[tilespmem:$0x18600] =	vst v63  }
0x300: {  	s22 =	simm.s32 $0x11E00  }
0x301: {  	[tilespmem:s22], [sflag:$0x2] =	stream.indirect_vreg.gather [hbm4b:s1+s3], $0x80, v3, vm0, $0xb8;
	[tilespmem:$0x18600] =	vst v63  }
0x302: {  	v3 =	vld [tilespmem:$0x420];
	_ =	sdelay $0x4  }
0x303: {  	v34 =	vshll.u32 v3, $0x1  }
0x304: {  	v3 =	vand.u32 $0x7, v3;
	v4 =	vand.u32 $0xFFFFFFF0, v34  }
0x305: {  	v3 =	vor.u32 v3, v4  }
0x306: {  	v4 =	vperm.xlane v3, v0;
	_ =	sdelay $0x1  }
0x307: {  	v3 =	vperm.xlane v3, v2;
	v4 =	vadd.s32 v1, v4;
	_ =	sdelay $0x1  }
0x308: {  	v3 =	vadd.s32 v1, v3;
	_ =	sdelay $0x1  }
0x309: {  	s11 =	simm.s32 $0x12600  }
0x30a: {  	[tilespmem:s11], [sflag:$0x2] =	stream.indirect_vreg.gather [hbm4b:s1+s3], $0x80, v4, vm0, $0xb8;
	[tilespmem:$0x18600] =	vst v63  }
0x30b: {  	s23 =	simm.s32 $0x12E00  }
0x30c: {  	[tilespmem:s23], [sflag:$0x2] =	stream.indirect_vreg.gather [hbm4b:s1+s3], $0x80, v3, vm0, $0xb8;
	[tilespmem:$0x18600] =	vst v63  }
0x30d: {  	v3 =	vld [tilespmem:$0x430];
	_ =	sdelay $0x4  }
0x30e: {  	v35 =	vshll.u32 v3, $0x1  }
0x30f: {  	v3 =	vand.u32 $0x7, v3;
	v4 =	vand.u32 $0xFFFFFFF0, v35  }
0x310: {  	v3 =	vor.u32 v3, v4  }
0x311: {  	v4 =	vperm.xlane v3, v0;
	_ =	sdelay $0x1  }
0x312: {  	v3 =	vperm.xlane v3, v2;
	v4 =	vadd.s32 v1, v4;
	_ =	sdelay $0x1  }
0x313: {  	v3 =	vadd.s32 v1, v3;
	_ =	sdelay $0x1  }
0x314: {  	s12 =	simm.s32 $0x13600  }
0x315: {  	[tilespmem:s12], [sflag:$0x2] =	stream.indirect_vreg.gather [hbm4b:s1+s3], $0x80, v4, vm0, $0xb8;
	[tilespmem:$0x18600] =	vst v63  }
0x316: {  	s24 =	simm.s32 $0x13E00  }
0x317: {  	[tilespmem:s24], [sflag:$0x2] =	stream.indirect_vreg.gather [hbm4b:s1+s3], $0x80, v3, vm0, $0xb8;
	[tilespmem:$0x18600] =	vst v63  }
0x318: {  	v3 =	vld [tilespmem:$0x440];
	_ =	sdelay $0x4  }
0x319: {  	v36 =	vshll.u32 v3, $0x1  }
0x31a: {  	v3 =	vand.u32 $0x7, v3;
	v4 =	vand.u32 $0xFFFFFFF0, v36  }
0x31b: {  	v3 =	vor.u32 v3, v4  }
0x31c: {  	v4 =	vperm.xlane v3, v0;
	_ =	sdelay $0x1  }
0x31d: {  	v3 =	vperm.xlane v3, v2;
	v4 =	vadd.s32 v1, v4;
	_ =	sdelay $0x1  }
0x31e: {  	v3 =	vadd.s32 v1, v3;
	_ =	sdelay $0x1  }
0x31f: {  	s13 =	simm.s32 $0x14600  }
0x320: {  	[tilespmem:s13], [sflag:$0x2] =	stream.indirect_vreg.gather [hbm4b:s1+s3], $0x80, v4, vm0, $0xb8;
	[tilespmem:$0x18600] =	vst v63  }
0x321: {  	s25 =	simm.s32 $0x14E00  }
0x322: {  	[tilespmem:s25], [sflag:$0x2] =	stream.indirect_vreg.gather [hbm4b:s1+s3], $0x80, v3, vm0, $0xb8;
	[tilespmem:$0x18600] =	vst v63  }
0x323: {  	v3 =	vld [tilespmem:$0x450];
	_ =	sdelay $0x4  }
0x324: {  	v37 =	vshll.u32 v3, $0x1  }
0x325: {  	v3 =	vand.u32 $0x7, v3;
	v4 =	vand.u32 $0xFFFFFFF0, v37  }
0x326: {  	v3 =	vor.u32 v3, v4  }
0x327: {  	v4 =	vperm.xlane v3, v0;
	_ =	sdelay $0x1  }
0x328: {  	v3 =	vperm.xlane v3, v2;
	v4 =	vadd.s32 v1, v4;
	_ =	sdelay $0x1  }
0x329: {  	v3 =	vadd.s32 v1, v3;
	_ =	sdelay $0x1  }
0x32a: {  	s14 =	simm.s32 $0x15600  }
0x32b: {  	[tilespmem:s14], [sflag:$0x2] =	stream.indirect_vreg.gather [hbm4b:s1+s3], $0x80, v4, vm0, $0xb8;
	[tilespmem:$0x18600] =	vst v63  }
0x32c: {  	s26 =	simm.s32 $0x15E00  }
0x32d: {  	[tilespmem:s26], [sflag:$0x2] =	stream.indirect_vreg.gather [hbm4b:s1+s3], $0x80, v3, vm0, $0xb8;
	[tilespmem:$0x18600] =	vst v63  }
0x32e: {  	v3 =	vld [tilespmem:$0x460];
	_ =	sdelay $0x4  }
0x32f: {  	v38 =	vshll.u32 v3, $0x1  }
0x330: {  	v3 =	vand.u32 $0x7, v3;
	v4 =	vand.u32 $0xFFFFFFF0, v38  }
0x331: {  	v3 =	vor.u32 v3, v4  }
0x332: {  	v4 =	vperm.xlane v3, v0;
	_ =	sdelay $0x1  }
0x333: {  	v3 =	vperm.xlane v3, v2;
	v4 =	vadd.s32 v1, v4;
	_ =	sdelay $0x1  }
0x334: {  	v3 =	vadd.s32 v1, v3;
	_ =	sdelay $0x1  }
0x335: {  	s15 =	simm.s32 $0x16600  }
0x336: {  	[tilespmem:s15], [sflag:$0x2] =	stream.indirect_vreg.gather [hbm4b:s1+s3], $0x80, v4, vm0, $0xb8;
	[tilespmem:$0x18600] =	vst v63  }
0x337: {  	s28 =	simm.s32 $0x16E00  }
0x338: {  	[tilespmem:s28], [sflag:$0x2] =	stream.indirect_vreg.gather [hbm4b:s1+s3], $0x80, v3, vm0, $0xb8;
	[tilespmem:$0x18600] =	vst v63  }
0x339: {  	v3 =	vld [tilespmem:$0x470];
	_ =	sdelay $0x4  }
0x33a: {  	v39 =	vshll.u32 v3, $0x1  }
0x33b: {  	v3 =	vand.u32 $0x7, v3;
	v4 =	vand.u32 $0xFFFFFFF0, v39  }
0x33c: {  	v3 =	vor.u32 v3, v4  }
0x33d: {  	v4 =	vperm.xlane v3, v0;
	_ =	sdelay $0x1  }
0x33e: {  	v3 =	vperm.xlane v3, v2;
	v4 =	vadd.s32 v1, v4;
	_ =	sdelay $0x1  }
0x33f: {  	v3 =	vadd.s32 v1, v3;
	_ =	sdelay $0x1  }
0x340: {  	s16 =	simm.s32 $0x17600  }
0x341: {  	[tilespmem:s16], [sflag:$0x2] =	stream.indirect_vreg.gather [hbm4b:s1+s3], $0x80, v4, vm0, $0xb8;
	[tilespmem:$0x18600] =	vst v63  }
0x342: {  	s4 =	simm.s32 $0x17E00  }
0x343: {  	[tilespmem:s4], [sflag:$0x2] =	stream.indirect_vreg.gather [hbm4b:s1+s3], $0x80, v3, vm0, $0xb8;
	[tilespmem:$0x18600] =	vst v63  }
0x344: {  	_ =	swait.ge [sflag:s29], $0xC000  }
0x345: {  	[sflag:s29] =	ssyncset.done $0x0  }
0x346: {  	s4 =	rddreg [dreg:$0x8];
	[sflag:s29] =	ssyncadd.s32 $0xFFFF4000  }
0x347: {  	[hbm4b:s4+s3] =	stream.linear.scatter [tilespmem:s6], [sflag:$0x3], $0xC000, $0x38;
	[tilespmem:$0x18600] =	vst v63  }
0x348: {  	_ =	swait.ge [sflag:s30], $0xC000  }
0x349: {  	[sflag:s30] =	ssyncset.done $0x0  }
0x34a: {  	[sflag:s30] =	ssyncadd.s32 $0xFFFF4000  }
0x34b: {  	v3 =	vld [tilespmem:$0x480];
	_ =	sdelay $0x4  }
0x34c: {  	v40 =	vshll.u32 v3, $0x1  }
0x34d: {  	v3 =	vand.u32 $0x7, v3;
	v4 =	vand.u32 $0xFFFFFFF0, v40  }
0x34e: {  	v3 =	vor.u32 v3, v4  }
0x34f: {  	v4 =	vperm.xlane v3, v0;
	_ =	sdelay $0x1  }
0x350: {  	v3 =	vperm.xlane v3, v2;
	v4 =	vadd.s32 v1, v4;
	_ =	sdelay $0x1  }
0x351: {  	v3 =	vadd.s32 v1, v3;
	_ =	sdelay $0x2  }
0x352: {  	[tilespmem:s6], [sflag:$0x1] =	stream.indirect_vreg.gather [hbm4b:s1+s3], $0x80, v4, vm0, $0xb8;
	[tilespmem:$0x18600] =	vst v63  }
0x353: {  	s4 =	simm.s32 $0xE00  }
0x354: {  	[tilespmem:s4], [sflag:$0x1] =	stream.indirect_vreg.gather [hbm4b:s1+s3], $0x80, v3, vm0, $0xb8;
	[tilespmem:$0x18600] =	vst v63  }
0x355: {  	v3 =	vld [tilespmem:$0x490];
	_ =	sdelay $0x4  }
0x356: {  	v41 =	vshll.u32 v3, $0x1  }
0x357: {  	v3 =	vand.u32 $0x7, v3;
	v4 =	vand.u32 $0xFFFFFFF0, v41  }
0x358: {  	v3 =	vor.u32 v3, v4  }
0x359: {  	v4 =	vperm.xlane v3, v0;
	_ =	sdelay $0x1  }
0x35a: {  	v3 =	vperm.xlane v3, v2;
	v4 =	vadd.s32 v1, v4;
	_ =	sdelay $0x1  }
0x35b: {  	v3 =	vadd.s32 v1, v3;
	_ =	sdelay $0x1  }
0x35c: {  	s4 =	simm.s32 $0x1600  }
0x35d: {  	[tilespmem:s4], [sflag:$0x1] =	stream.indirect_vreg.gather [hbm4b:s1+s3], $0x80, v4, vm0, $0xb8;
	[tilespmem:$0x18600] =	vst v63  }
0x35e: {  	s4 =	simm.s32 $0x1E00  }
0x35f: {  	[tilespmem:s4], [sflag:$0x1] =	stream.indirect_vreg.gather [hbm4b:s1+s3], $0x80, v3, vm0, $0xb8;
	[tilespmem:$0x18600] =	vst v63  }
0x360: {  	v3 =	vld [tilespmem:$0x4A0];
	_ =	sdelay $0x4  }
0x361: {  	v42 =	vshll.u32 v3, $0x1  }
0x362: {  	v3 =	vand.u32 $0x7, v3;
	v4 =	vand.u32 $0xFFFFFFF0, v42  }
0x363: {  	v3 =	vor.u32 v3, v4  }
0x364: {  	v4 =	vperm.xlane v3, v0;
	_ =	sdelay $0x1  }
0x365: {  	v3 =	vperm.xlane v3, v2;
	v4 =	vadd.s32 v1, v4;
	_ =	sdelay $0x1  }
0x366: {  	v3 =	vadd.s32 v1, v3;
	_ =	sdelay $0x1  }
0x367: {  	s4 =	simm.s32 $0x2600  }
0x368: {  	[tilespmem:s4], [sflag:$0x1] =	stream.indirect_vreg.gather [hbm4b:s1+s3], $0x80, v4, vm0, $0xb8;
	[tilespmem:$0x18600] =	vst v63  }
0x369: {  	s4 =	simm.s32 $0x2E00  }
0x36a: {  	[tilespmem:s4], [sflag:$0x1] =	stream.indirect_vreg.gather [hbm4b:s1+s3], $0x80, v3, vm0, $0xb8;
	[tilespmem:$0x18600] =	vst v63  }
0x36b: {  	v3 =	vld [tilespmem:$0x4B0];
	_ =	sdelay $0x4  }
0x36c: {  	v43 =	vshll.u32 v3, $0x1  }
0x36d: {  	v3 =	vand.u32 $0x7, v3;
	v4 =	vand.u32 $0xFFFFFFF0, v43  }
0x36e: {  	v3 =	vor.u32 v3, v4  }
0x36f: {  	v4 =	vperm.xlane v3, v0;
	_ =	sdelay $0x1  }
0x370: {  	v3 =	vperm.xlane v3, v2;
	v4 =	vadd.s32 v1, v4;
	_ =	sdelay $0x1  }
0x371: {  	v3 =	vadd.s32 v1, v3;
	_ =	sdelay $0x1  }
0x372: {  	s4 =	simm.s32 $0x3600  }
0x373: {  	[tilespmem:s4], [sflag:$0x1] =	stream.indirect_vreg.gather [hbm4b:s1+s3], $0x80, v4, vm0, $0xb8;
	[tilespmem:$0x18600] =	vst v63  }
0x374: {  	s4 =	simm.s32 $0x3E00  }
0x375: {  	[tilespmem:s4], [sflag:$0x1] =	stream.indirect_vreg.gather [hbm4b:s1+s3], $0x80, v3, vm0, $0xb8;
	[tilespmem:$0x18600] =	vst v63  }
0x376: {  	v3 =	vld [tilespmem:$0x4C0];
	_ =	sdelay $0x4  }
0x377: {  	v44 =	vshll.u32 v3, $0x1  }
0x378: {  	v3 =	vand.u32 $0x7, v3;
	v4 =	vand.u32 $0xFFFFFFF0, v44  }
0x379: {  	v3 =	vor.u32 v3, v4  }
0x37a: {  	v4 =	vperm.xlane v3, v0;
	_ =	sdelay $0x1  }
0x37b: {  	v3 =	vperm.xlane v3, v2;
	v4 =	vadd.s32 v1, v4;
	_ =	sdelay $0x1  }
0x37c: {  	v3 =	vadd.s32 v1, v3;
	_ =	sdelay $0x1  }
0x37d: {  	s4 =	simm.s32 $0x4600  }
0x37e: {  	[tilespmem:s4], [sflag:$0x1] =	stream.indirect_vreg.gather [hbm4b:s1+s3], $0x80, v4, vm0, $0xb8;
	[tilespmem:$0x18600] =	vst v63  }
0x37f: {  	s4 =	simm.s32 $0x4E00  }
0x380: {  	[tilespmem:s4], [sflag:$0x1] =	stream.indirect_vreg.gather [hbm4b:s1+s3], $0x80, v3, vm0, $0xb8;
	[tilespmem:$0x18600] =	vst v63  }
0x381: {  	v3 =	vld [tilespmem:$0x4D0];
	_ =	sdelay $0x4  }
0x382: {  	v45 =	vshll.u32 v3, $0x1  }
0x383: {  	v3 =	vand.u32 $0x7, v3;
	v4 =	vand.u32 $0xFFFFFFF0, v45  }
0x384: {  	v3 =	vor.u32 v3, v4  }
0x385: {  	v4 =	vperm.xlane v3, v0;
	_ =	sdelay $0x1  }
0x386: {  	v3 =	vperm.xlane v3, v2;
	v4 =	vadd.s32 v1, v4;
	_ =	sdelay $0x1  }
0x387: {  	v3 =	vadd.s32 v1, v3;
	_ =	sdelay $0x1  }
0x388: {  	s4 =	simm.s32 $0x5600  }
0x389: {  	[tilespmem:s4], [sflag:$0x1] =	stream.indirect_vreg.gather [hbm4b:s1+s3], $0x80, v4, vm0, $0xb8;
	[tilespmem:$0x18600] =	vst v63  }
0x38a: {  	s4 =	simm.s32 $0x5E00  }
0x38b: {  	[tilespmem:s4], [sflag:$0x1] =	stream.indirect_vreg.gather [hbm4b:s1+s3], $0x80, v3, vm0, $0xb8;
	[tilespmem:$0x18600] =	vst v63  }
0x38c: {  	v3 =	vld [tilespmem:$0x4E0];
	_ =	sdelay $0x4  }
0x38d: {  	v46 =	vshll.u32 v3, $0x1  }
0x38e: {  	v3 =	vand.u32 $0x7, v3;
	v4 =	vand.u32 $0xFFFFFFF0, v46  }
0x38f: {  	v3 =	vor.u32 v3, v4  }
0x390: {  	v4 =	vperm.xlane v3, v0;
	_ =	sdelay $0x1  }
0x391: {  	v3 =	vperm.xlane v3, v2;
	v4 =	vadd.s32 v1, v4;
	_ =	sdelay $0x1  }
0x392: {  	v3 =	vadd.s32 v1, v3;
	_ =	sdelay $0x1  }
0x393: {  	s4 =	simm.s32 $0x6600  }
0x394: {  	[tilespmem:s4], [sflag:$0x1] =	stream.indirect_vreg.gather [hbm4b:s1+s3], $0x80, v4, vm0, $0xb8;
	[tilespmem:$0x18600] =	vst v63  }
0x395: {  	s4 =	simm.s32 $0x6E00  }
0x396: {  	[tilespmem:s4], [sflag:$0x1] =	stream.indirect_vreg.gather [hbm4b:s1+s3], $0x80, v3, vm0, $0xb8;
	[tilespmem:$0x18600] =	vst v63  }
0x397: {  	v3 =	vld [tilespmem:$0x4F0];
	_ =	sdelay $0x4  }
0x398: {  	v47 =	vshll.u32 v3, $0x1  }
0x399: {  	v3 =	vand.u32 $0x7, v3;
	v4 =	vand.u32 $0xFFFFFFF0, v47  }
0x39a: {  	v3 =	vor.u32 v3, v4  }
0x39b: {  	v4 =	vperm.xlane v3, v0;
	_ =	sdelay $0x1  }
0x39c: {  	v3 =	vperm.xlane v3, v2;
	v4 =	vadd.s32 v1, v4;
	_ =	sdelay $0x1  }
0x39d: {  	v3 =	vadd.s32 v1, v3;
	_ =	sdelay $0x1  }
0x39e: {  	s4 =	simm.s32 $0x7600  }
0x39f: {  	[tilespmem:s4], [sflag:$0x1] =	stream.indirect_vreg.gather [hbm4b:s1+s3], $0x80, v4, vm0, $0xb8;
	[tilespmem:$0x18600] =	vst v63  }
0x3a0: {  	s4 =	simm.s32 $0x7E00  }
0x3a1: {  	[tilespmem:s4], [sflag:$0x1] =	stream.indirect_vreg.gather [hbm4b:s1+s3], $0x80, v3, vm0, $0xb8;
	[tilespmem:$0x18600] =	vst v63  }
0x3a2: {  	v3 =	vld [tilespmem:$0x500];
	_ =	sdelay $0x4  }
0x3a3: {  	v48 =	vshll.u32 v3, $0x1  }
0x3a4: {  	v3 =	vand.u32 $0x7, v3;
	v4 =	vand.u32 $0xFFFFFFF0, v48  }
0x3a5: {  	v3 =	vor.u32 v3, v4  }
0x3a6: {  	v4 =	vperm.xlane v3, v0;
	_ =	sdelay $0x1  }
0x3a7: {  	v3 =	vperm.xlane v3, v2;
	v4 =	vadd.s32 v1, v4;
	_ =	sdelay $0x1  }
0x3a8: {  	v3 =	vadd.s32 v1, v3;
	_ =	sdelay $0x1  }
0x3a9: {  	s4 =	simm.s32 $0x8600  }
0x3aa: {  	[tilespmem:s4], [sflag:$0x1] =	stream.indirect_vreg.gather [hbm4b:s1+s3], $0x80, v4, vm0, $0xb8;
	[tilespmem:$0x18600] =	vst v63  }
0x3ab: {  	s4 =	simm.s32 $0x8E00  }
0x3ac: {  	[tilespmem:s4], [sflag:$0x1] =	stream.indirect_vreg.gather [hbm4b:s1+s3], $0x80, v3, vm0, $0xb8;
	[tilespmem:$0x18600] =	vst v63  }
0x3ad: {  	v3 =	vld [tilespmem:$0x510];
	_ =	sdelay $0x4  }
0x3ae: {  	v49 =	vshll.u32 v3, $0x1  }
0x3af: {  	v3 =	vand.u32 $0x7, v3;
	v4 =	vand.u32 $0xFFFFFFF0, v49  }
0x3b0: {  	v3 =	vor.u32 v3, v4  }
0x3b1: {  	v4 =	vperm.xlane v3, v0;
	_ =	sdelay $0x1  }
0x3b2: {  	v3 =	vperm.xlane v3, v2;
	v4 =	vadd.s32 v1, v4;
	_ =	sdelay $0x1  }
0x3b3: {  	v3 =	vadd.s32 v1, v3;
	_ =	sdelay $0x1  }
0x3b4: {  	s4 =	simm.s32 $0x9600  }
0x3b5: {  	[tilespmem:s4], [sflag:$0x1] =	stream.indirect_vreg.gather [hbm4b:s1+s3], $0x80, v4, vm0, $0xb8;
	[tilespmem:$0x18600] =	vst v63  }
0x3b6: {  	s4 =	simm.s32 $0x9E00  }
0x3b7: {  	[tilespmem:s4], [sflag:$0x1] =	stream.indirect_vreg.gather [hbm4b:s1+s3], $0x80, v3, vm0, $0xb8;
	[tilespmem:$0x18600] =	vst v63  }
0x3b8: {  	v3 =	vld [tilespmem:$0x520];
	_ =	sdelay $0x4  }
0x3b9: {  	v50 =	vshll.u32 v3, $0x1  }
0x3ba: {  	v3 =	vand.u32 $0x7, v3;
	v4 =	vand.u32 $0xFFFFFFF0, v50  }
0x3bb: {  	v3 =	vor.u32 v3, v4  }
0x3bc: {  	v4 =	vperm.xlane v3, v0;
	_ =	sdelay $0x1  }
0x3bd: {  	v3 =	vperm.xlane v3, v2;
	v4 =	vadd.s32 v1, v4;
	_ =	sdelay $0x1  }
0x3be: {  	v3 =	vadd.s32 v1, v3;
	_ =	sdelay $0x1  }
0x3bf: {  	s4 =	simm.s32 $0xA600  }
0x3c0: {  	[tilespmem:s4], [sflag:$0x1] =	stream.indirect_vreg.gather [hbm4b:s1+s3], $0x80, v4, vm0, $0xb8;
	[tilespmem:$0x18600] =	vst v63  }
0x3c1: {  	s4 =	simm.s32 $0xAE00  }
0x3c2: {  	[tilespmem:s4], [sflag:$0x1] =	stream.indirect_vreg.gather [hbm4b:s1+s3], $0x80, v3, vm0, $0xb8;
	[tilespmem:$0x18600] =	vst v63  }
0x3c3: {  	v3 =	vld [tilespmem:$0x530];
	_ =	sdelay $0x4  }
0x3c4: {  	v51 =	vshll.u32 v3, $0x1  }
0x3c5: {  	v3 =	vand.u32 $0x7, v3;
	v4 =	vand.u32 $0xFFFFFFF0, v51  }
0x3c6: {  	v3 =	vor.u32 v3, v4  }
0x3c7: {  	v4 =	vperm.xlane v3, v0;
	_ =	sdelay $0x1  }
0x3c8: {  	v3 =	vperm.xlane v3, v2;
	v4 =	vadd.s32 v1, v4;
	_ =	sdelay $0x1  }
0x3c9: {  	v3 =	vadd.s32 v1, v3;
	_ =	sdelay $0x1  }
0x3ca: {  	s4 =	simm.s32 $0xB600  }
0x3cb: {  	[tilespmem:s4], [sflag:$0x1] =	stream.indirect_vreg.gather [hbm4b:s1+s3], $0x80, v4, vm0, $0xb8;
	[tilespmem:$0x18600] =	vst v63  }
0x3cc: {  	s4 =	simm.s32 $0xBE00  }
0x3cd: {  	[tilespmem:s4], [sflag:$0x1] =	stream.indirect_vreg.gather [hbm4b:s1+s3], $0x80, v3, vm0, $0xb8;
	[tilespmem:$0x18600] =	vst v63  }
0x3ce: {  	_ =	swait.ge [sflag:s31], $0xC000  }
0x3cf: {  	[sflag:s31] =	ssyncset.done $0x0  }
0x3d0: {  	s4 =	rddreg [dreg:$0x9];
	[sflag:s31] =	ssyncadd.s32 $0xFFFF4000  }
0x3d1: {  	[hbm4b:s4+s3] =	stream.linear.scatter [tilespmem:s2], [sflag:$0x4], $0xC000, $0x38;
	[tilespmem:$0x18600] =	vst v63  }
0x3d2: {  	_ =	swait.ge [sflag:s0], $0xC000  }
0x3d3: {  	[sflag:s0] =	ssyncset.done $0x0  }
0x3d4: {  	[sflag:s0] =	ssyncadd.s32 $0xFFFF4000  }
0x3d5: {  	v3 =	vld [tilespmem:$0x540];
	_ =	sdelay $0x4  }
0x3d6: {  	v52 =	vshll.u32 v3, $0x1  }
0x3d7: {  	v3 =	vand.u32 $0x7, v3;
	v4 =	vand.u32 $0xFFFFFFF0, v52  }
0x3d8: {  	v3 =	vor.u32 v3, v4  }
0x3d9: {  	v4 =	vperm.xlane v3, v0;
	_ =	sdelay $0x1  }
0x3da: {  	v3 =	vperm.xlane v3, v2;
	v4 =	vadd.s32 v1, v4;
	_ =	sdelay $0x1  }
0x3db: {  	v3 =	vadd.s32 v1, v3;
	_ =	sdelay $0x2  }
0x3dc: {  	[tilespmem:s2], [sflag:$0x2] =	stream.indirect_vreg.gather [hbm4b:s1+s3], $0x80, v4, vm0, $0xb8;
	[tilespmem:$0x18600] =	vst v63  }
0x3dd: {  	s8 =	simm.s32 $0xCE00  }
0x3de: {  	[tilespmem:s8], [sflag:$0x2] =	stream.indirect_vreg.gather [hbm4b:s1+s3], $0x80, v3, vm0, $0xb8;
	[tilespmem:$0x18600] =	vst v63  }
0x3df: {  	v3 =	vld [tilespmem:$0x550];
	_ =	sdelay $0x4  }
0x3e0: {  	v53 =	vshll.u32 v3, $0x1  }
0x3e1: {  	v3 =	vand.u32 $0x7, v3;
	v4 =	vand.u32 $0xFFFFFFF0, v53  }
0x3e2: {  	v3 =	vor.u32 v3, v4  }
0x3e3: {  	v4 =	vperm.xlane v3, v0;
	_ =	sdelay $0x1  }
0x3e4: {  	v3 =	vperm.xlane v3, v2;
	v4 =	vadd.s32 v1, v4;
	_ =	sdelay $0x1  }
0x3e5: {  	v3 =	vadd.s32 v1, v3;
	_ =	sdelay $0x1  }
0x3e6: {  	s7 =	simm.s32 $0xD600  }
0x3e7: {  	[tilespmem:s7], [sflag:$0x2] =	stream.indirect_vreg.gather [hbm4b:s1+s3], $0x80, v4, vm0, $0xb8;
	[tilespmem:$0x18600] =	vst v63  }
0x3e8: {  	s17 =	simm.s32 $0xDE00  }
0x3e9: {  	[tilespmem:s17], [sflag:$0x2] =	stream.indirect_vreg.gather [hbm4b:s1+s3], $0x80, v3, vm0, $0xb8;
	[tilespmem:$0x18600] =	vst v63  }
0x3ea: {  	v3 =	vld [tilespmem:$0x560];
	_ =	sdelay $0x4  }
0x3eb: {  	v54 =	vshll.u32 v3, $0x1  }
0x3ec: {  	v3 =	vand.u32 $0x7, v3;
	v4 =	vand.u32 $0xFFFFFFF0, v54  }
0x3ed: {  	v3 =	vor.u32 v3, v4  }
0x3ee: {  	v4 =	vperm.xlane v3, v0;
	_ =	sdelay $0x1  }
0x3ef: {  	v3 =	vperm.xlane v3, v2;
	v4 =	vadd.s32 v1, v4;
	_ =	sdelay $0x1  }
0x3f0: {  	v3 =	vadd.s32 v1, v3;
	_ =	sdelay $0x1  }
0x3f1: {  	s17 =	simm.s32 $0xE600  }
0x3f2: {  	[tilespmem:s17], [sflag:$0x2] =	stream.indirect_vreg.gather [hbm4b:s1+s3], $0x80, v4, vm0, $0xb8;
	[tilespmem:$0x18600] =	vst v63  }
0x3f3: {  	s18 =	simm.s32 $0xEE00  }
0x3f4: {  	[tilespmem:s18], [sflag:$0x2] =	stream.indirect_vreg.gather [hbm4b:s1+s3], $0x80, v3, vm0, $0xb8;
	[tilespmem:$0x18600] =	vst v63  }
0x3f5: {  	v3 =	vld [tilespmem:$0x570];
	_ =	sdelay $0x4  }
0x3f6: {  	v55 =	vshll.u32 v3, $0x1  }
0x3f7: {  	v3 =	vand.u32 $0x7, v3;
	v4 =	vand.u32 $0xFFFFFFF0, v55  }
0x3f8: {  	v3 =	vor.u32 v3, v4  }
0x3f9: {  	v4 =	vperm.xlane v3, v0;
	_ =	sdelay $0x1  }
0x3fa: {  	v3 =	vperm.xlane v3, v2;
	v4 =	vadd.s32 v1, v4;
	_ =	sdelay $0x1  }
0x3fb: {  	v3 =	vadd.s32 v1, v3;
	_ =	sdelay $0x1  }
0x3fc: {  	s19 =	simm.s32 $0xF600  }
0x3fd: {  	[tilespmem:s19], [sflag:$0x2] =	stream.indirect_vreg.gather [hbm4b:s1+s3], $0x80, v4, vm0, $0xb8;
	[tilespmem:$0x18600] =	vst v63  }
0x3fe: {  	s20 =	simm.s32 $0xFE00  }
0x3ff: {  	[tilespmem:s20], [sflag:$0x2] =	stream.indirect_vreg.gather [hbm4b:s1+s3], $0x80, v3, vm0, $0xb8;
	[tilespmem:$0x18600] =	vst v63  }
0x400: {  	v3 =	vld [tilespmem:$0x580];
	_ =	sdelay $0x4  }
0x401: {  	v56 =	vshll.u32 v3, $0x1  }
0x402: {  	v3 =	vand.u32 $0x7, v3;
	v4 =	vand.u32 $0xFFFFFFF0, v56  }
0x403: {  	v3 =	vor.u32 v3, v4  }
0x404: {  	v4 =	vperm.xlane v3, v0;
	_ =	sdelay $0x1  }
0x405: {  	v3 =	vperm.xlane v3, v2;
	v4 =	vadd.s32 v1, v4;
	_ =	sdelay $0x1  }
0x406: {  	v3 =	vadd.s32 v1, v3;
	_ =	sdelay $0x1  }
0x407: {  	s9 =	simm.s32 $0x10600  }
0x408: {  	[tilespmem:s9], [sflag:$0x2] =	stream.indirect_vreg.gather [hbm4b:s1+s3], $0x80, v4, vm0, $0xb8;
	[tilespmem:$0x18600] =	vst v63  }
0x409: {  	s21 =	simm.s32 $0x10E00  }
0x40a: {  	[tilespmem:s21], [sflag:$0x2] =	stream.indirect_vreg.gather [hbm4b:s1+s3], $0x80, v3, vm0, $0xb8;
	[tilespmem:$0x18600] =	vst v63  }
0x40b: {  	v3 =	vld [tilespmem:$0x590];
	_ =	sdelay $0x4  }
0x40c: {  	v57 =	vshll.u32 v3, $0x1  }
0x40d: {  	v3 =	vand.u32 $0x7, v3;
	v4 =	vand.u32 $0xFFFFFFF0, v57  }
0x40e: {  	v3 =	vor.u32 v3, v4  }
0x40f: {  	v4 =	vperm.xlane v3, v0;
	_ =	sdelay $0x1  }
0x410: {  	v3 =	vperm.xlane v3, v2;
	v4 =	vadd.s32 v1, v4;
	_ =	sdelay $0x1  }
0x411: {  	v3 =	vadd.s32 v1, v3;
	_ =	sdelay $0x1  }
0x412: {  	s10 =	simm.s32 $0x11600  }
0x413: {  	[tilespmem:s10], [sflag:$0x2] =	stream.indirect_vreg.gather [hbm4b:s1+s3], $0x80, v4, vm0, $0xb8;
	[tilespmem:$0x18600] =	vst v63  }
0x414: {  	s22 =	simm.s32 $0x11E00  }
0x415: {  	[tilespmem:s22], [sflag:$0x2] =	stream.indirect_vreg.gather [hbm4b:s1+s3], $0x80, v3, vm0, $0xb8;
	[tilespmem:$0x18600] =	vst v63  }
0x416: {  	v3 =	vld [tilespmem:$0x5A0];
	_ =	sdelay $0x4  }
0x417: {  	v58 =	vshll.u32 v3, $0x1  }
0x418: {  	v3 =	vand.u32 $0x7, v3;
	v4 =	vand.u32 $0xFFFFFFF0, v58  }
0x419: {  	v3 =	vor.u32 v3, v4  }
0x41a: {  	v4 =	vperm.xlane v3, v0;
	_ =	sdelay $0x1  }
0x41b: {  	v3 =	vperm.xlane v3, v2;
	v4 =	vadd.s32 v1, v4;
	_ =	sdelay $0x1  }
0x41c: {  	v3 =	vadd.s32 v1, v3;
	_ =	sdelay $0x1  }
0x41d: {  	s11 =	simm.s32 $0x12600  }
0x41e: {  	[tilespmem:s11], [sflag:$0x2] =	stream.indirect_vreg.gather [hbm4b:s1+s3], $0x80, v4, vm0, $0xb8;
	[tilespmem:$0x18600] =	vst v63  }
0x41f: {  	s23 =	simm.s32 $0x12E00  }
0x420: {  	[tilespmem:s23], [sflag:$0x2] =	stream.indirect_vreg.gather [hbm4b:s1+s3], $0x80, v3, vm0, $0xb8;
	[tilespmem:$0x18600] =	vst v63  }
0x421: {  	v3 =	vld [tilespmem:$0x5B0];
	_ =	sdelay $0x4  }
0x422: {  	v59 =	vshll.u32 v3, $0x1  }
0x423: {  	v3 =	vand.u32 $0x7, v3;
	v4 =	vand.u32 $0xFFFFFFF0, v59  }
0x424: {  	v3 =	vor.u32 v3, v4  }
0x425: {  	v4 =	vperm.xlane v3, v0;
	_ =	sdelay $0x1  }
0x426: {  	v3 =	vperm.xlane v3, v2;
	v4 =	vadd.s32 v1, v4;
	_ =	sdelay $0x1  }
0x427: {  	v3 =	vadd.s32 v1, v3;
	_ =	sdelay $0x1  }
0x428: {  	s12 =	simm.s32 $0x13600  }
0x429: {  	[tilespmem:s12], [sflag:$0x2] =	stream.indirect_vreg.gather [hbm4b:s1+s3], $0x80, v4, vm0, $0xb8;
	[tilespmem:$0x18600] =	vst v63  }
0x42a: {  	s24 =	simm.s32 $0x13E00  }
0x42b: {  	[tilespmem:s24], [sflag:$0x2] =	stream.indirect_vreg.gather [hbm4b:s1+s3], $0x80, v3, vm0, $0xb8;
	[tilespmem:$0x18600] =	vst v63  }
0x42c: {  	v3 =	vld [tilespmem:$0x5C0];
	_ =	sdelay $0x4  }
0x42d: {  	v60 =	vshll.u32 v3, $0x1  }
0x42e: {  	v3 =	vand.u32 $0x7, v3;
	v4 =	vand.u32 $0xFFFFFFF0, v60  }
0x42f: {  	v3 =	vor.u32 v3, v4  }
0x430: {  	v4 =	vperm.xlane v3, v0;
	_ =	sdelay $0x1  }
0x431: {  	v3 =	vperm.xlane v3, v2;
	v4 =	vadd.s32 v1, v4;
	_ =	sdelay $0x1  }
0x432: {  	v3 =	vadd.s32 v1, v3;
	_ =	sdelay $0x1  }
0x433: {  	s13 =	simm.s32 $0x14600  }
0x434: {  	[tilespmem:s13], [sflag:$0x2] =	stream.indirect_vreg.gather [hbm4b:s1+s3], $0x80, v4, vm0, $0xb8;
	[tilespmem:$0x18600] =	vst v63  }
0x435: {  	s25 =	simm.s32 $0x14E00  }
0x436: {  	[tilespmem:s25], [sflag:$0x2] =	stream.indirect_vreg.gather [hbm4b:s1+s3], $0x80, v3, vm0, $0xb8;
	[tilespmem:$0x18600] =	vst v63  }
0x437: {  	v3 =	vld [tilespmem:$0x5D0];
	_ =	sdelay $0x4  }
0x438: {  	v61 =	vshll.u32 v3, $0x1  }
0x439: {  	v3 =	vand.u32 $0x7, v3;
	v4 =	vand.u32 $0xFFFFFFF0, v61  }
0x43a: {  	v3 =	vor.u32 v3, v4  }
0x43b: {  	v4 =	vperm.xlane v3, v0;
	_ =	sdelay $0x1  }
0x43c: {  	v3 =	vperm.xlane v3, v2;
	v4 =	vadd.s32 v1, v4;
	_ =	sdelay $0x1  }
0x43d: {  	v3 =	vadd.s32 v1, v3;
	_ =	sdelay $0x1  }
0x43e: {  	s14 =	simm.s32 $0x15600  }
0x43f: {  	[tilespmem:s14], [sflag:$0x2] =	stream.indirect_vreg.gather [hbm4b:s1+s3], $0x80, v4, vm0, $0xb8;
	[tilespmem:$0x18600] =	vst v63  }
0x440: {  	s26 =	simm.s32 $0x15E00  }
0x441: {  	[tilespmem:s26], [sflag:$0x2] =	stream.indirect_vreg.gather [hbm4b:s1+s3], $0x80, v3, vm0, $0xb8;
	[tilespmem:$0x18600] =	vst v63  }
0x442: {  	v3 =	vld [tilespmem:$0x5E0];
	_ =	sdelay $0x4  }
0x443: {  	v62 =	vshll.u32 v3, $0x1  }
0x444: {  	v3 =	vand.u32 $0x7, v3;
	v4 =	vand.u32 $0xFFFFFFF0, v62  }
0x445: {  	v3 =	vor.u32 v3, v4  }
0x446: {  	v4 =	vperm.xlane v3, v0;
	_ =	sdelay $0x1  }
0x447: {  	v3 =	vperm.xlane v3, v2;
	v4 =	vadd.s32 v1, v4;
	_ =	sdelay $0x1  }
0x448: {  	v3 =	vadd.s32 v1, v3;
	_ =	sdelay $0x1  }
0x449: {  	s15 =	simm.s32 $0x16600  }
0x44a: {  	[tilespmem:s15], [sflag:$0x2] =	stream.indirect_vreg.gather [hbm4b:s1+s3], $0x80, v4, vm0, $0xb8;
	[tilespmem:$0x18600] =	vst v63  }
0x44b: {  	s28 =	simm.s32 $0x16E00  }
0x44c: {  	[tilespmem:s28], [sflag:$0x2] =	stream.indirect_vreg.gather [hbm4b:s1+s3], $0x80, v3, vm0, $0xb8;
	[tilespmem:$0x18600] =	vst v63  }
0x44d: {  	v3 =	vld [tilespmem:$0x5F0];
	_ =	sdelay $0x4  }
0x44e: {  	v63 =	vshll.u32 v3, $0x1  }
0x44f: {  	v3 =	vand.u32 $0x7, v3;
	v4 =	vand.u32 $0xFFFFFFF0, v63  }
0x450: {  	v3 =	vor.u32 v3, v4  }
0x451: {  	v4 =	vperm.xlane v3, v0;
	_ =	sdelay $0x1  }
0x452: {  	v3 =	vperm.xlane v3, v2;
	v4 =	vadd.s32 v1, v4;
	_ =	sdelay $0x1  }
0x453: {  	v3 =	vadd.s32 v1, v3;
	_ =	sdelay $0x1  }
0x454: {  	s16 =	simm.s32 $0x17600  }
0x455: {  	[tilespmem:s16], [sflag:$0x2] =	stream.indirect_vreg.gather [hbm4b:s1+s3], $0x80, v4, vm0, $0xb8;
	[tilespmem:$0x18600] =	vst v63  }
0x456: {  	s25 =	simm.s32 $0x17E00  }
0x457: {  	[tilespmem:s25], [sflag:$0x2] =	stream.indirect_vreg.gather [hbm4b:s1+s3], $0x80, v3, vm0, $0xb8;
	[tilespmem:$0x18600] =	vst v63  }
0x458: {  	_ =	swait.ge [sflag:s29], $0xC000  }
0x459: {  	[sflag:s29] =	ssyncset.done $0x0  }
0x45a: {  	s26 =	rddreg [dreg:$0xa];
	[sflag:s29] =	ssyncadd.s32 $0xFFFF4000  }
0x45b: {  	[hbm4b:s26+s3] =	stream.linear.scatter [tilespmem:s6], [sflag:$0x3], $0xC000, $0x38;
	[tilespmem:$0x18600] =	vst v63  }
0x45c: {  	_ =	swait.ge [sflag:s31], $0xC000  }
0x45d: {  	[sflag:s31] =	ssyncset.done $0x0  }
0x45e: {  	s28 =	rddreg [dreg:$0xb];
	[sflag:s31] =	ssyncadd.s32 $0xFFFF4000  }
0x45f: {  	[hbm4b:s28+s3] =	stream.linear.scatter [tilespmem:s2], [sflag:$0x4], $0xC000, $0x38;
	[tilespmem:$0x18600] =	vst v63  }
0x460: {  	p0 =	sne.s32 s5, $0x1;
	_ =	swait.ge [sflag:s0], $0xC000  }
.Ltmp0:
0x461: {  	[sflag:s0] =	ssyncset.done $0x0;
	(pc) =	sbr.rel @p0 .LBB2_1-.Ltmp0, $4  }
0x462: {  	[sflag:s0] =	ssyncadd.s32 $0xFFFF4000  }
0x463: {  	_ =	swait.ge [sflag:s30], $0xC000  }
0x464: {  	[sflag:s30] =	ssyncset.done $0x0  }
0x465: {  	s5 =	sadd.s32 $0xFFFFFFFF, s5;
	[sflag:s30] =	ssyncadd.s32 $0xFFFF4000  }
0x466: {  	_ =	sfence.sel $0x180000  }
0x467: {  	[bflag:$0x0] =	sbarrier.arrive $0xFFFF  }
0x468: {  	_ =	strace $0x90000047  }
0x469: {  	s0 =	stileid.u32;
	[bflag:$0x2] =	sbarrier.arrive $0xFFFF  }
0x46a: {  	p0 =	sne.s32 s0, $0x0;
	s0 =	rddreg [dreg:$0x3]  }
0x46b: {  	s0 =	sadd.s32 @!p0 $0x100000, s0  }
0x46c: {  	[sflag:s0] =	ssyncadd.tile.s32 @!p0 $0x1;
	_ =	shalt  }
.Lfunc_end2:
_tile_overlayer_lowered:
.L_overlay_start_2:
0x46d: {  	(tag) =	ssettag $0x2  }
0x46e: {  	s0 =	rddreg [dreg:$0x0];
	s2 =	stileid.u32  }
0x46f: {  	s1 =	rddreg [dreg:$0x1];
	p0 =	sne.s32 s2, $0x0  }
0x470: {  	s3 =	rddreg [dreg:$0x2];
	[bflag:$0x3] =	sbarrier.arrive $0xFFFF;
	s2 =	simm.s32 @!p0 $0x1C05  }
0x471: {  	[timem:s3], [sflag:s2] =	dma.local @!p0 [hbm:s0], s1  }
0x472: {  	s0 =	simm.s32 @!p0 $0x5  }
0x473: {  	_ =	swait.ge @!p0 [sflag:s0], s1  }
0x474: {  	s1 =	ssub.s32 @!p0 $0x0, s1;
	[sflag:s0] =	ssyncset.done @!p0 $0x0  }
0x475: {  	[sflag:s0] =	ssyncadd.s32 @!p0 s1  }
0x476: {  	[bflag:$0x3] =	sbarrier.arrive $0xFFFF  }
0x477: {  	_ =	shalt  }

</sc_bundles>
